<compile_context>
chip_gen: v7x
topology: tpu7x:2x2x1
jax: 0.10.2.dev20260603
libtpu: 0.0.44.dev20260713+nightly
codegen_flags: <defaults>
</compile_context>

<pallas_src>
import functools

import jax
import jax.numpy as jnp
from jax import lax
from jax.experimental import pallas as pl
from jax.experimental.pallas import tpu as pltpu
from jax.experimental.pallas import tpu_sc as plsc

N = 10000
M = 320000
D = 128
H = 3
HID = 256

NC = 2
NS = 16
NW = NC * NS

EPW = M // NW
GCH = 80
SCH = 80
NPAD = 10240
APT = NPAD // NS
DNR = NPAD // 8
DPT = DNR // NS
CW = H * D
VW = 16
F1 = 2 * H * HID
EB = 1280


def _gather_sc(x, w, sidx, nidx):
    mesh = plsc.VectorSubcoreMesh(core_axis_name="c", subcore_axis_name="s")

    @functools.partial(
        pl.kernel,
        mesh=mesh,
        out_type=[
            jax.ShapeDtypeStruct((M, D), jnp.float32),
            jax.ShapeDtypeStruct((M, D), jnp.float32),
            jax.ShapeDtypeStruct((M,), jnp.float32),
        ],
        scratch_types=[
            pltpu.VMEM((GCH,), jnp.int32),
            pltpu.VMEM((GCH,), jnp.int32),
            pltpu.VMEM((GCH, D), jnp.float32),
            pltpu.VMEM((GCH, D), jnp.float32),
            pltpu.VMEM((GCH,), jnp.float32),
            pltpu.VMEM((GCH,), jnp.int32),
            pltpu.VMEM((GCH,), jnp.int32),
            pltpu.VMEM((GCH, D), jnp.float32),
            pltpu.VMEM((GCH, D), jnp.float32),
            pltpu.VMEM((GCH,), jnp.float32),
            pltpu.SemaphoreType.DMA,
            pltpu.SemaphoreType.DMA,
            pltpu.SemaphoreType.DMA,
            pltpu.SemaphoreType.DMA,
            pltpu.SemaphoreType.DMA,
            pltpu.SemaphoreType.DMA,
        ],
    )
    def k(x_hbm, w_hbm, si_hbm, ni_hbm, sout, nout, wout,
          si_a, ni_a, srow_a, nrow_a, wrow_a,
          si_b, ni_b, srow_b, nrow_b, wrow_b,
          sem_ia, sem_ga, sem_wa, sem_ib, sem_gb, sem_wb):
        wid = lax.axis_index("c") * NS + lax.axis_index("s")
        bufa = (si_a, ni_a, srow_a, nrow_a, wrow_a, sem_ia, sem_ga, sem_wa)
        bufb = (si_b, ni_b, srow_b, nrow_b, wrow_b, sem_ib, sem_gb, sem_wb)
        nch = EPW // GCH

        def idx_start(j, b):
            base = wid * EPW + j * GCH
            pltpu.async_copy(si_hbm.at[pl.ds(base, GCH)], b[0], b[5])
            pltpu.async_copy(ni_hbm.at[pl.ds(base, GCH)], b[1], b[5])

        def gathers_start(j, b):
            base = wid * EPW + j * GCH
            pltpu.make_async_copy(si_hbm.at[pl.ds(base, GCH)], b[0],
                                  b[5]).wait()
            pltpu.make_async_copy(ni_hbm.at[pl.ds(base, GCH)], b[1],
                                  b[5]).wait()
            pltpu.async_copy(x_hbm.at[b[0]], b[2], b[6])
            pltpu.async_copy(x_hbm.at[b[1]], b[3], b[6])
            pltpu.async_copy(w_hbm.at[b[1]], b[4], b[6])

        def gathers_wait(b):
            pltpu.make_async_copy(x_hbm.at[b[0]], b[2], b[6]).wait()
            pltpu.make_async_copy(x_hbm.at[b[1]], b[3], b[6]).wait()
            pltpu.make_async_copy(w_hbm.at[b[1]], b[4], b[6]).wait()

        def writes_start(j, b):
            base = wid * EPW + j * GCH
            pltpu.async_copy(b[2], sout.at[pl.ds(base, GCH)], b[7])
            pltpu.async_copy(b[3], nout.at[pl.ds(base, GCH)], b[7])
            pltpu.async_copy(b[4], wout.at[pl.ds(base, GCH)], b[7])

        def writes_wait(j, b):
            base = wid * EPW + j * GCH
            pltpu.make_async_copy(b[2], sout.at[pl.ds(base, GCH)],
                                  b[7]).wait()
            pltpu.make_async_copy(b[3], nout.at[pl.ds(base, GCH)],
                                  b[7]).wait()
            pltpu.make_async_copy(b[4], wout.at[pl.ds(base, GCH)],
                                  b[7]).wait()

        idx_start(0, bufa)
        gathers_start(0, bufa)

        def body(g, carry):
            j0 = 2 * g
            idx_start(j0 + 1, bufb)
            gathers_wait(bufa)
            writes_start(j0, bufa)
            gathers_start(j0 + 1, bufb)
            writes_wait(j0, bufa)
            idx_start(j0 + 2, bufa)
            gathers_wait(bufb)
            writes_start(j0 + 1, bufb)
            gathers_start(j0 + 2, bufa)
            writes_wait(j0 + 1, bufb)
            return carry

        lax.fori_loop(0, (nch - 1) // 2, body, 0)
        gathers_wait(bufa)
        base = wid * EPW + (nch - 1) * GCH
        pltpu.sync_copy(srow_a, sout.at[pl.ds(base, GCH)])
        pltpu.sync_copy(nrow_a, nout.at[pl.ds(base, GCH)])
        pltpu.sync_copy(wrow_a, wout.at[pl.ds(base, GCH)])

    return k(x, w, sidx, nidx)


def _dense_tc(sfea, nfea, w3, si3, w0s, w0n, b0r, w1g, mw1s, mb1p, misc):
    nblk = M // EB

    def body(sref, nref, wref, siref, w0s_r, w0n_r, b0_r, w1g_r, m1_r, mb1_r,
             mi_r, cout, vout):
        s = sref[...].astype(jnp.bfloat16)
        n = nref[...].astype(jnp.bfloat16)
        h = lax.dot_general(s, w0s_r[...], (((1,), (1,)), ((), ())),
                            preferred_element_type=jnp.float32)
        h = h + lax.dot_general(n, w0n_r[...], (((1,), (1,)), ((), ())),
                                preferred_element_type=jnp.float32)
        h = h + b0_r[...][0][None, :]
        h = jnp.where(h >= 0, h, 0.01 * h)
        hb = h.astype(jnp.bfloat16)
        g8 = lax.dot_general(hb[:, :H * HID], w1g_r[...],
                             (((1,), (0,)), ((), ())),
                             preferred_element_type=jnp.float32)
        g8 = g8 + mi_r[...][1][None, :]
        logw = jnp.log(wref[...][0, 0, :])
        c8 = jnp.exp(g8 + logw[:, None] * mi_r[...][0][None, :])
        outs = []
        for hh in range(H):
            hm = hb[:, H * HID + hh * HID:H * HID + (hh + 1) * HID]
            mh = lax.dot_general(hm, m1_r[...][hh * HID:(hh + 1) * HID, :],
                                 (((1,), (0,)), ((), ())),
                                 preferred_element_type=jnp.float32)
            mh = mh + mb1_r[...][hh][None, :]
            outs.append(c8[:, hh:hh + 1] * mh)
        cout[...] = jnp.concatenate(outs, axis=1)
        si = siref[...][0, 0, :]
        base = (lax.rem(si, jnp.full((EB,), 8, jnp.int32)) * 16)[:, None]
        colidx = lax.broadcasted_iota(jnp.int32, (EB, 128), 1)
        cpos = jnp.zeros((EB, 128), jnp.float32)
        for hh in range(H):
            cpos = cpos + jnp.where(colidx == base + hh,
                                    c8[:, hh:hh + 1], 0.0)
        vout[...] = cpos

    full = lambda shape: pl.BlockSpec(shape, lambda i: tuple(0 for _ in shape))
    return pl.pallas_call(
        body,
        grid=(nblk,),
        in_specs=[
            pl.BlockSpec((EB, D), lambda i: (i, 0)),
            pl.BlockSpec((EB, D), lambda i: (i, 0)),
            pl.BlockSpec((1, 1, EB), lambda i: (i, 0, 0)),
            pl.BlockSpec((1, 1, EB), lambda i: (i, 0, 0)),
            full((F1, D)),
            full((F1, D)),
            full((8, F1)),
            full((H * HID, 8)),
            full((H * HID, D)),
            full((8, D)),
            full((8, 8)),
        ],
        out_specs=[
            pl.BlockSpec((EB, CW), lambda i: (i, 0)),
            pl.BlockSpec((EB, 128), lambda i: (i, 0)),
        ],
        out_shape=[
            jax.ShapeDtypeStruct((M, CW), jnp.float32),
            jax.ShapeDtypeStruct((M, 128), jnp.float32),
        ],
    )(sfea, nfea, w3, si3, w0s, w0n, b0r, w1g, mw1s, mb1p, misc)


def _scatter_sc(contrib, cvals, sidx, zacc, zden):
    mesh = plsc.VectorSubcoreMesh(core_axis_name="c", subcore_axis_name="s")

    @functools.partial(
        pl.kernel,
        mesh=mesh,
        out_type=[
            jax.ShapeDtypeStruct((NC, H, NPAD, D), jnp.float32),
            jax.ShapeDtypeStruct((NC, DNR, 128), jnp.float32),
        ],
        scratch_types=[
            pltpu.VMEM_SHARED((NPAD, D), jnp.float32),
            pltpu.VMEM_SHARED((DNR, 128), jnp.float32),
            pltpu.VMEM((SCH,), jnp.int32),
            pltpu.VMEM((SCH,), jnp.int32),
            pltpu.VMEM((SCH,), jnp.int32),
            pltpu.VMEM((SCH, D), jnp.float32),
            pltpu.VMEM((SCH, D), jnp.float32),
            pltpu.VMEM((SCH, 128), jnp.float32),
            pltpu.SemaphoreType.DMA,
            pltpu.SemaphoreType.DMA,
            pltpu.SemaphoreType.DMA,
            pltpu.SemaphoreType.DMA,
        ],
    )
    def k(c_hbm, v_hbm, si_hbm, za_hbm, zd_hbm, aout, dout,
          acc_sh, den_sh, si_a, si_b, l8_v, cb_a, cb_b, vbuf,
          sem_sa, sem_sb, sem_ca, sem_cb):
        c = lax.axis_index("c")
        s = lax.axis_index("s")
        wid = c * NS + s
        a0 = s * APT
        d0 = s * DPT
        pltpu.sync_copy(zd_hbm.at[pl.ds(d0, DPT)], den_sh.at[pl.ds(d0, DPT)])
        eight = jnp.full((16,), 8, jnp.int32)
        nch = EPW // SCH

        for hp in range(H):
            col = pl.ds(hp * D, D)

            def start(j, sib, cb, sem_s, sem_c):
                e0 = wid * EPW + j * SCH
                pltpu.async_copy(si_hbm.at[pl.ds(e0, SCH)], sib, sem_s)
                pltpu.async_copy(c_hbm.at[pl.ds(e0, SCH), col], cb, sem_c)

            def wait(j, sib, cb, sem_s, sem_c):
                e0 = wid * EPW + j * SCH
                pltpu.make_async_copy(si_hbm.at[pl.ds(e0, SCH)], sib,
                                      sem_s).wait()
                pltpu.make_async_copy(c_hbm.at[pl.ds(e0, SCH), col], cb,
                                      sem_c).wait()

            def process(j, sib, cb, hp=hp):
                if hp == 0:
                    e0 = wid * EPW + j * SCH
                    pltpu.sync_copy(v_hbm.at[pl.ds(e0, SCH)], vbuf)
                    for kk in range(SCH // 16):
                        v = sib[pl.ds(kk * 16, 16)]
                        l8_v[pl.ds(kk * 16, 16)] = lax.div(v, eight)
                pltpu.sync_copy(cb, acc_sh.at[sib], add=True)
                if hp == 0:
                    pltpu.sync_copy(vbuf, den_sh.at[l8_v], add=True)

            pltpu.sync_copy(za_hbm.at[pl.ds(a0, APT)],
                            acc_sh.at[pl.ds(a0, APT)])
            plsc.subcore_barrier()
            start(0, si_a, cb_a, sem_sa, sem_ca)

            def body(g, carry):
                j0 = 2 * g
                start(j0 + 1, si_b, cb_b, sem_sb, sem_cb)
                wait(j0, si_a, cb_a, sem_sa, sem_ca)
                process(j0, si_a, cb_a)
                start(j0 + 2, si_a, cb_a, sem_sa, sem_ca)
                wait(j0 + 1, si_b, cb_b, sem_sb, sem_cb)
                process(j0 + 1, si_b, cb_b)
                return carry

            lax.fori_loop(0, (nch - 1) // 2, body, 0)
            wait(nch - 1, si_a, cb_a, sem_sa, sem_ca)
            process(nch - 1, si_a, cb_a)
            plsc.subcore_barrier()
            pltpu.sync_copy(acc_sh.at[pl.ds(a0, APT)],
                            aout.at[c, hp, pl.ds(a0, APT)])
        pltpu.sync_copy(den_sh.at[pl.ds(d0, DPT)], dout.at[c, pl.ds(d0, DPT)])

    return k(contrib, cvals, sidx, zacc, zden)


def _combine_tc(acc, den, x):
    NB = 1000

    def body(aref, dref, xref, oref):
        a = aref[...]
        d = dref[...][0] + dref[...][1]
        tot = xref[...]
        for hh in range(H):
            num = a[0, hh] + a[1, hh]
            tot = tot + (num / (d[:, hh:hh + 1] + 1e-10)) * (1.0 / H)
        oref[...] = tot

    return pl.pallas_call(
        body,
        grid=(N // NB,),
        in_specs=[
            pl.BlockSpec((NC, H, NB, D), lambda i: (0, 0, i, 0)),
            pl.BlockSpec((NC, NB, VW), lambda i: (0, i, 0)),
            pl.BlockSpec((NB, D), lambda i: (i, 0)),
        ],
        out_specs=pl.BlockSpec((NB, D), lambda i: (i, 0)),
        out_shape=jax.ShapeDtypeStruct((N, D), jnp.float32),
    )(acc, den, x)


def kernel(elem_weights, elem_in_fea, self_fea_idx, nbr_fea_idx,
           gate_w0, gate_b0, gate_w1, gate_b1,
           msg_w0, msg_b0, msg_w1, msg_b1, pow_p):
    w1d = elem_weights.reshape(N)
    sfea, nfea, wg = _gather_sc(elem_in_fea, w1d, self_fea_idx, nbr_fea_idx)

    w0s = jnp.concatenate([gate_w0[:, :, :D].reshape(H * HID, D),
                           msg_w0[:, :, :D].reshape(H * HID, D)],
                          axis=0).astype(jnp.bfloat16)
    w0n = jnp.concatenate([gate_w0[:, :, D:].reshape(H * HID, D),
                           msg_w0[:, :, D:].reshape(H * HID, D)],
                          axis=0).astype(jnp.bfloat16)
    b0 = jnp.concatenate([gate_b0.reshape(-1), msg_b0.reshape(-1)])
    b0r = jnp.broadcast_to(b0[None, :], (8, F1))
    w1g = jnp.zeros((H * HID, 8), jnp.float32)
    for hh in range(H):
        w1g = w1g.at[hh * HID:(hh + 1) * HID, hh].set(gate_w1[hh, 0])
    w1g = w1g.astype(jnp.bfloat16)
    mw1s = jnp.transpose(msg_w1, (0, 2, 1)).reshape(H * HID, D)
    mw1s = mw1s.astype(jnp.bfloat16)
    mb1p = jnp.concatenate([msg_b1, jnp.zeros((8 - H, D), jnp.float32)], axis=0)
    pow8 = jnp.concatenate([pow_p, jnp.zeros((8 - H,), jnp.float32)])
    b1g8 = jnp.concatenate([gate_b1[:, 0], jnp.zeros((8 - H,), jnp.float32)])
    misc = jnp.stack([pow8, b1g8] + [jnp.zeros((8,), jnp.float32)] * 6)

    w3 = wg.reshape(M // EB, 1, EB)
    si3 = self_fea_idx.reshape(M // EB, 1, EB)
    contrib, cvals = _dense_tc(sfea, nfea, w3, si3, w0s, w0n, b0r, w1g, mw1s,
                               mb1p, misc)

    zacc = jnp.zeros((NPAD, D), jnp.float32)
    zden = jnp.zeros((DNR, 128), jnp.float32)
    acc, denp = _scatter_sc(contrib, cvals, self_fea_idx, zacc, zden)
    den = denp.reshape(NC, NPAD, VW)

    return _combine_tc(acc, den, elem_in_fea)

# --- scband reference (transcript-rebuilt; emitter-appended) ---
"""Pipeline reference for scband-message-layer-34316788695769 (READ-ONLY COPY).

The authoritative reference and input builder live on the scoring server;
editing this copy changes nothing except your own understanding.
"""

import jax, jax.numpy as jnp
import numpy as np

N = 10000
M = 320000
D = 128
H = 3
HID = 256


def setup_inputs(seed: int = 0) -> dict:
    key = jax.random.key(seed)
    ks = jax.random.split(key, 10)
    elem_weights = jax.random.uniform(ks[0], (N, 1), dtype=jnp.float32, minval=0.1, maxval=1.0)
    elem_in_fea = jax.random.normal(ks[1], (N, D), dtype=jnp.float32)
    self_fea_idx = jax.random.randint(ks[2], (M,), 0, N, dtype=jnp.int32)
    nbr_fea_idx = jax.random.randint(ks[3], (M,), 0, N, dtype=jnp.int32)
    gate_w0 = jax.random.normal(ks[4], (H, HID, 2 * D), dtype=jnp.float32) * 0.05
    gate_b0 = jnp.zeros((H, HID), dtype=jnp.float32)
    gate_w1 = jax.random.normal(ks[5], (H, 1, HID), dtype=jnp.float32) * 0.05
    gate_b1 = jnp.zeros((H, 1), dtype=jnp.float32)
    msg_w0 = jax.random.normal(ks[6], (H, HID, 2 * D), dtype=jnp.float32) * 0.05
    msg_b0 = jnp.zeros((H, HID), dtype=jnp.float32)
    msg_w1 = jax.random.normal(ks[7], (H, D, HID), dtype=jnp.float32) * 0.05
    msg_b1 = jnp.zeros((H, D), dtype=jnp.float32)
    pow_p = jax.random.normal(ks[8], (H,), dtype=jnp.float32)
    return {
        'elem_weights': elem_weights,
        'elem_in_fea': elem_in_fea,
        'self_fea_idx': self_fea_idx,
        'nbr_fea_idx': nbr_fea_idx,
        'gate_w0': gate_w0, 'gate_b0': gate_b0,
        'gate_w1': gate_w1, 'gate_b1': gate_b1,
        'msg_w0': msg_w0, 'msg_b0': msg_b0,
        'msg_w1': msg_w1, 'msg_b1': msg_b1,
        'pow_p': pow_p,
    }


def reference(elem_weights, elem_in_fea, self_fea_idx, nbr_fea_idx,
              gate_w0, gate_b0, gate_w1, gate_b1,
              msg_w0, msg_b0, msg_w1, msg_b1, pow_p):
    n_nodes = elem_in_fea.shape[0]
    # gather edge endpoint features
    elem_nbr_weights = elem_weights[nbr_fea_idx, :]            # (M, 1)
    elem_nbr_fea = elem_in_fea[nbr_fea_idx, :]                 # (M, D)
    elem_self_fea = elem_in_fea[self_fea_idx, :]               # (M, D)
    fea = jnp.concatenate([elem_self_fea, elem_nbr_fea], axis=1)  # (M, 2D)

    head_fea = []
    for h in range(H):
        # gate_nn: SimpleNetwork(2D -> [256] -> 1), LeakyReLU hidden activation
        g = jax.nn.leaky_relu(fea @ gate_w0[h].T + gate_b0[h], negative_slope=0.01)
        gate = g @ gate_w1[h].T + gate_b1[h]                   # (M, 1)
        # weighted softmax over segments defined by self_fea_idx
        gmax = jax.ops.segment_max(gate, self_fea_idx, num_segments=n_nodes)
        gate = gate - gmax[self_fea_idx]
        gate = (elem_nbr_weights ** pow_p[h]) * jnp.exp(gate)
        gsum = jax.ops.segment_sum(gate, self_fea_idx, num_segments=n_nodes)
        gate = gate / (gsum[self_fea_idx] + 1e-10)
        # message_nn: SimpleNetwork(2D -> [256] -> D)
        m = jax.nn.leaky_relu(fea @ msg_w0[h].T + msg_b0[h], negative_slope=0.01)
        msg = m @ msg_w1[h].T + msg_b1[h]                      # (M, D)
        out = jax.ops.segment_sum(gate * msg, self_fea_idx, num_segments=n_nodes)
        head_fea.append(out)

    fea_out = jnp.mean(jnp.stack(head_fea), axis=0)
    return fea_out + elem_in_fea

if __name__ == "__main__":
    import jax
    _d = setup_inputs()
    print(jax.jit(kernel)(*tuple(_d.values())))

</pallas_src>

<mosaic_0001>
#map = affine_map<(d0, d1) -> (0, 0)>
#map1 = affine_map<(d0, d1) -> (0)>
module attributes {stable_mosaic.version = 14 : i64} {
  func.func @k(%arg0: i32, %arg1: i32, %arg2: memref<10000x128xf32, #tpu.memory_space<hbm>>, %arg3: memref<10000xf32, #tpu.memory_space<hbm>>, %arg4: memref<320000xi32, #tpu.memory_space<hbm>>, %arg5: memref<320000xi32, #tpu.memory_space<hbm>>, %arg6: memref<320000x128xf32, #tpu.memory_space<hbm>>, %arg7: memref<320000x128xf32, #tpu.memory_space<hbm>>, %arg8: memref<320000xf32, #tpu.memory_space<hbm>>, %arg9: memref<80xi32, #tpu.memory_space<vmem>>, %arg10: memref<80xi32, #tpu.memory_space<vmem>>, %arg11: memref<80x128xf32, #tpu.memory_space<vmem>>, %arg12: memref<80x128xf32, #tpu.memory_space<vmem>>, %arg13: memref<80xf32, #tpu.memory_space<vmem>>, %arg14: memref<80xi32, #tpu.memory_space<vmem>>, %arg15: memref<80xi32, #tpu.memory_space<vmem>>, %arg16: memref<80x128xf32, #tpu.memory_space<vmem>>, %arg17: memref<80x128xf32, #tpu.memory_space<vmem>>, %arg18: memref<80xf32, #tpu.memory_space<vmem>>, %arg19: memref<!tpu.dma_semaphore, #tpu.memory_space<semaphore_mem>>, %arg20: memref<!tpu.dma_semaphore, #tpu.memory_space<semaphore_mem>>, %arg21: memref<!tpu.dma_semaphore, #tpu.memory_space<semaphore_mem>>, %arg22: memref<!tpu.dma_semaphore, #tpu.memory_space<semaphore_mem>>, %arg23: memref<!tpu.dma_semaphore, #tpu.memory_space<semaphore_mem>>, %arg24: memref<!tpu.dma_semaphore, #tpu.memory_space<semaphore_mem>>) attributes {dimension_semantics = [#tpu.dimension_semantics<core_parallel>, #tpu.dimension_semantics<subcore_parallel>], iteration_bounds = array<i64: 2, 16>, scalar_prefetch = 0 : i64, scratch_operands = 16 : i64, tpu.core_type = #tpu.core_type<sc_vector_subcore>, window_params = [{transform_indices = #map}, {transform_indices = #map1}, {transform_indices = #map1}, {transform_indices = #map1}, {transform_indices = #map}, {transform_indices = #map}, {transform_indices = #map1}]} {
    %mul3A = arith.constant 16 : i32
    %mul3A_0 = arith.muli %arg0, %mul3A : i32
    %add3A = arith.addi %mul3A_0, %arg1 : i32
    %mul3A_1 = arith.constant 10000 : i32
    %mul3A_2 = arith.muli %add3A, %mul3A_1 : i32
    %add3A_3 = arith.constant 0 : i32
    %add3A_4 = arith.addi %mul3A_2, %add3A_3 : i32
    %dma_start3A = tpu.memref_slice %arg4[%add3A_4] : memref<320000xi32, #tpu.memory_space<hbm>> -> memref<80xi32, #tpu.memory_space<hbm>>
    %dma_start3A_5 = tpu.memref_slice %arg4[%add3A_4] : memref<320000xi32, #tpu.memory_space<hbm>> -> memref<80xi32, #tpu.memory_space<hbm>>
    tpu.enqueue_dma source(%dma_start3A_5 : memref<80xi32, #tpu.memory_space<hbm>>) target(%arg9 : memref<80xi32, #tpu.memory_space<vmem>>) target_semaphore(%arg19 : memref<!tpu.dma_semaphore, #tpu.memory_space<semaphore_mem>>)
    %dma_start3A_6 = tpu.memref_slice %arg5[%add3A_4] : memref<320000xi32, #tpu.memory_space<hbm>> -> memref<80xi32, #tpu.memory_space<hbm>>
    %dma_start3A_7 = tpu.memref_slice %arg5[%add3A_4] : memref<320000xi32, #tpu.memory_space<hbm>> -> memref<80xi32, #tpu.memory_space<hbm>>
    tpu.enqueue_dma source(%dma_start3A_7 : memref<80xi32, #tpu.memory_space<hbm>>) target(%arg10 : memref<80xi32, #tpu.memory_space<vmem>>) target_semaphore(%arg19 : memref<!tpu.dma_semaphore, #tpu.memory_space<semaphore_mem>>)
    %mul3A_8 = arith.constant 10000 : i32
    %mul3A_9 = arith.muli %add3A, %mul3A_8 : i32
    %add3A_10 = arith.constant 0 : i32
    %add3A_11 = arith.addi %mul3A_9, %add3A_10 : i32
    %dma_wait3A = tpu.memref_slice %arg4[%add3A_11] : memref<320000xi32, #tpu.memory_space<hbm>> -> memref<80xi32, #tpu.memory_space<hbm>>
    %dma_wait3A_12 = tpu.memref_slice %arg4[%add3A_11] : memref<320000xi32, #tpu.memory_space<hbm>> -> memref<80xi32, #tpu.memory_space<hbm>>
    tpu.wait_dma2 semaphore(%arg19 : memref<!tpu.dma_semaphore, #tpu.memory_space<semaphore_mem>>) src(%dma_wait3A_12 : memref<80xi32, #tpu.memory_space<hbm>>) dst(%arg9 : memref<80xi32, #tpu.memory_space<vmem>>)
    %dma_wait3A_13 = tpu.memref_slice %arg5[%add3A_11] : memref<320000xi32, #tpu.memory_space<hbm>> -> memref<80xi32, #tpu.memory_space<hbm>>
    %dma_wait3A_14 = tpu.memref_slice %arg5[%add3A_11] : memref<320000xi32, #tpu.memory_space<hbm>> -> memref<80xi32, #tpu.memory_space<hbm>>
    tpu.wait_dma2 semaphore(%arg19 : memref<!tpu.dma_semaphore, #tpu.memory_space<semaphore_mem>>) src(%dma_wait3A_14 : memref<80xi32, #tpu.memory_space<hbm>>) dst(%arg10 : memref<80xi32, #tpu.memory_space<vmem>>)
    %dma_start3A_15 = arith.constant 0 : i32
    %dma_start3A_16 = arith.constant 0 : i32
    %dma_start3A_17 = tpu.memref_slice %arg2[%dma_start3A_15, %dma_start3A_16] : memref<10000x128xf32, #tpu.memory_space<hbm>> -> memref<10000x128xf32, #tpu.memory_space<hbm>>
    tpu.enqueue_indirect_dma source(%dma_start3A_17 : memref<10000x128xf32, #tpu.memory_space<hbm>>) target(%arg11 : memref<80x128xf32, #tpu.memory_space<vmem>>) offsets(%arg9 : memref<80xi32, #tpu.memory_space<vmem>>) semaphore(%arg20 : memref<!tpu.dma_semaphore, #tpu.memory_space<semaphore_mem>>)
    %dma_start3A_18 = arith.constant 0 : i32
    %dma_start3A_19 = arith.constant 0 : i32
    %dma_start3A_20 = tpu.memref_slice %arg2[%dma_start3A_18, %dma_start3A_19] : memref<10000x128xf32, #tpu.memory_space<hbm>> -> memref<10000x128xf32, #tpu.memory_space<hbm>>
    tpu.enqueue_indirect_dma source(%dma_start3A_20 : memref<10000x128xf32, #tpu.memory_space<hbm>>) target(%arg12 : memref<80x128xf32, #tpu.memory_space<vmem>>) offsets(%arg10 : memref<80xi32, #tpu.memory_space<vmem>>) semaphore(%arg20 : memref<!tpu.dma_semaphore, #tpu.memory_space<semaphore_mem>>)
    %dma_start3A_21 = arith.constant 0 : i32
    %dma_start3A_22 = tpu.memref_slice %arg3[%dma_start3A_21] : memref<10000xf32, #tpu.memory_space<hbm>> -> memref<10000xf32, #tpu.memory_space<hbm>>
    tpu.enqueue_indirect_dma source(%dma_start3A_22 : memref<10000xf32, #tpu.memory_space<hbm>>) target(%arg13 : memref<80xf32, #tpu.memory_space<vmem>>) offsets(%arg10 : memref<80xi32, #tpu.memory_space<vmem>>) semaphore(%arg20 : memref<!tpu.dma_semaphore, #tpu.memory_space<semaphore_mem>>)
    %scan3A = arith.constant 0 : i32
    %scan3A_23 = arith.constant 0 : i32
    %scan3A_24 = arith.constant 62 : i32
    %scan3A_25 = arith.addi %scan3A_23, %scan3A_24 : i32
    %scan3A_26 = arith.constant 1 : i32
    scf.for %scan3A_40 = %scan3A_23 to %scan3A_25 step %scan3A_26  : i32 {
      %mul3A_41 = arith.constant 2 : i32
      %mul3A_42 = arith.muli %mul3A_41, %scan3A_40 : i32
      %add3A_43 = arith.constant 1 : i32
      %add3A_44 = arith.addi %mul3A_42, %add3A_43 : i32
      %mul3A_45 = arith.constant 10000 : i32
      %mul3A_46 = arith.muli %add3A, %mul3A_45 : i32
      %mul3A_47 = arith.constant 80 : i32
      %mul3A_48 = arith.muli %add3A_44, %mul3A_47 : i32
      %add3A_49 = arith.addi %mul3A_46, %mul3A_48 : i32
      %dma_start3A_50 = tpu.memref_slice %arg4[%add3A_49] : memref<320000xi32, #tpu.memory_space<hbm>> -> memref<80xi32, #tpu.memory_space<hbm>>
      %dma_start3A_51 = tpu.memref_slice %arg4[%add3A_49] : memref<320000xi32, #tpu.memory_space<hbm>> -> memref<80xi32, #tpu.memory_space<hbm>>
      tpu.enqueue_dma source(%dma_start3A_51 : memref<80xi32, #tpu.memory_space<hbm>>) target(%arg14 : memref<80xi32, #tpu.memory_space<vmem>>) target_semaphore(%arg22 : memref<!tpu.dma_semaphore, #tpu.memory_space<semaphore_mem>>)
      %dma_start3A_52 = tpu.memref_slice %arg5[%add3A_49] : memref<320000xi32, #tpu.memory_space<hbm>> -> memref<80xi32, #tpu.memory_space<hbm>>
      %dma_start3A_53 = tpu.memref_slice %arg5[%add3A_49] : memref<320000xi32, #tpu.memory_space<hbm>> -> memref<80xi32, #tpu.memory_space<hbm>>
      tpu.enqueue_dma source(%dma_start3A_53 : memref<80xi32, #tpu.memory_space<hbm>>) target(%arg15 : memref<80xi32, #tpu.memory_space<vmem>>) target_semaphore(%arg22 : memref<!tpu.dma_semaphore, #tpu.memory_space<semaphore_mem>>)
      %dma_wait3A_54 = arith.constant 0 : i32
      %dma_wait3A_55 = arith.constant 0 : i32
      %dma_wait3A_56 = tpu.memref_slice %arg2[%dma_wait3A_54, %dma_wait3A_55] : memref<10000x128xf32, #tpu.memory_space<hbm>> -> memref<10000x128xf32, #tpu.memory_space<hbm>>
      tpu.wait_indirect_dma semaphore(%arg20 : memref<!tpu.dma_semaphore, #tpu.memory_space<semaphore_mem>>) src(%dma_wait3A_56 : memref<10000x128xf32, #tpu.memory_space<hbm>>) dst(%arg11 : memref<80x128xf32, #tpu.memory_space<vmem>>)
      %dma_wait3A_57 = arith.constant 0 : i32
      %dma_wait3A_58 = arith.constant 0 : i32
      %dma_wait3A_59 = tpu.memref_slice %arg2[%dma_wait3A_57, %dma_wait3A_58] : memref<10000x128xf32, #tpu.memory_space<hbm>> -> memref<10000x128xf32, #tpu.memory_space<hbm>>
      tpu.wait_indirect_dma semaphore(%arg20 : memref<!tpu.dma_semaphore, #tpu.memory_space<semaphore_mem>>) src(%dma_wait3A_59 : memref<10000x128xf32, #tpu.memory_space<hbm>>) dst(%arg12 : memref<80x128xf32, #tpu.memory_space<vmem>>)
      %dma_wait3A_60 = arith.constant 0 : i32
      %dma_wait3A_61 = tpu.memref_slice %arg3[%dma_wait3A_60] : memref<10000xf32, #tpu.memory_space<hbm>> -> memref<10000xf32, #tpu.memory_space<hbm>>
      tpu.wait_indirect_dma semaphore(%arg20 : memref<!tpu.dma_semaphore, #tpu.memory_space<semaphore_mem>>) src(%dma_wait3A_61 : memref<10000xf32, #tpu.memory_space<hbm>>) dst(%arg13 : memref<80xf32, #tpu.memory_space<vmem>>)
      %mul3A_62 = arith.constant 10000 : i32
      %mul3A_63 = arith.muli %add3A, %mul3A_62 : i32
      %mul3A_64 = arith.constant 80 : i32
      %mul3A_65 = arith.muli %mul3A_42, %mul3A_64 : i32
      %add3A_66 = arith.addi %mul3A_63, %mul3A_65 : i32
      %dma_start3A_67 = arith.constant 0 : i32
      %dma_start3A_68 = tpu.memref_slice %arg6[%add3A_66, %dma_start3A_67] : memref<320000x128xf32, #tpu.memory_space<hbm>> -> memref<80x128xf32, #tpu.memory_space<hbm>>
      %dma_start3A_69 = arith.constant 0 : i32
      %dma_start3A_70 = tpu.memref_slice %arg6[%add3A_66, %dma_start3A_69] : memref<320000x128xf32, #tpu.memory_space<hbm>> -> memref<80x128xf32, #tpu.memory_space<hbm>>
      tpu.enqueue_dma source(%arg11 : memref<80x128xf32, #tpu.memory_space<vmem>>) target(%dma_start3A_70 : memref<80x128xf32, #tpu.memory_space<hbm>>) target_semaphore(%arg21 : memref<!tpu.dma_semaphore, #tpu.memory_space<semaphore_mem>>)
      %dma_start3A_71 = arith.constant 0 : i32
      %dma_start3A_72 = tpu.memref_slice %arg7[%add3A_66, %dma_start3A_71] : memref<320000x128xf32, #tpu.memory_space<hbm>> -> memref<80x128xf32, #tpu.memory_space<hbm>>
      %dma_start3A_73 = arith.constant 0 : i32
      %dma_start3A_74 = tpu.memref_slice %arg7[%add3A_66, %dma_start3A_73] : memref<320000x128xf32, #tpu.memory_space<hbm>> -> memref<80x128xf32, #tpu.memory_space<hbm>>
      tpu.enqueue_dma source(%arg12 : memref<80x128xf32, #tpu.memory_space<vmem>>) target(%dma_start3A_74 : memref<80x128xf32, #tpu.memory_space<hbm>>) target_semaphore(%arg21 : memref<!tpu.dma_semaphore, #tpu.memory_space<semaphore_mem>>)
      %dma_start3A_75 = tpu.memref_slice %arg8[%add3A_66] : memref<320000xf32, #tpu.memory_space<hbm>> -> memref<80xf32, #tpu.memory_space<hbm>>
      %dma_start3A_76 = tpu.memref_slice %arg8[%add3A_66] : memref<320000xf32, #tpu.memory_space<hbm>> -> memref<80xf32, #tpu.memory_space<hbm>>
      tpu.enqueue_dma source(%arg13 : memref<80xf32, #tpu.memory_space<vmem>>) target(%dma_start3A_76 : memref<80xf32, #tpu.memory_space<hbm>>) target_semaphore(%arg21 : memref<!tpu.dma_semaphore, #tpu.memory_space<semaphore_mem>>)
      %add3A_77 = arith.constant 1 : i32
      %add3A_78 = arith.addi %mul3A_42, %add3A_77 : i32
      %mul3A_79 = arith.constant 10000 : i32
      %mul3A_80 = arith.muli %add3A, %mul3A_79 : i32
      %mul3A_81 = arith.constant 80 : i32
      %mul3A_82 = arith.muli %add3A_78, %mul3A_81 : i32
      %add3A_83 = arith.addi %mul3A_80, %mul3A_82 : i32
      %dma_wait3A_84 = tpu.memref_slice %arg4[%add3A_83] : memref<320000xi32, #tpu.memory_space<hbm>> -> memref<80xi32, #tpu.memory_space<hbm>>
      %dma_wait3A_85 = tpu.memref_slice %arg4[%add3A_83] : memref<320000xi32, #tpu.memory_space<hbm>> -> memref<80xi32, #tpu.memory_space<hbm>>
      tpu.wait_dma2 semaphore(%arg22 : memref<!tpu.dma_semaphore, #tpu.memory_space<semaphore_mem>>) src(%dma_wait3A_85 : memref<80xi32, #tpu.memory_space<hbm>>) dst(%arg14 : memref<80xi32, #tpu.memory_space<vmem>>)
      %dma_wait3A_86 = tpu.memref_slice %arg5[%add3A_83] : memref<320000xi32, #tpu.memory_space<hbm>> -> memref<80xi32, #tpu.memory_space<hbm>>
      %dma_wait3A_87 = tpu.memref_slice %arg5[%add3A_83] : memref<320000xi32, #tpu.memory_space<hbm>> -> memref<80xi32, #tpu.memory_space<hbm>>
      tpu.wait_dma2 semaphore(%arg22 : memref<!tpu.dma_semaphore, #tpu.memory_space<semaphore_mem>>) src(%dma_wait3A_87 : memref<80xi32, #tpu.memory_space<hbm>>) dst(%arg15 : memref<80xi32, #tpu.memory_space<vmem>>)
      %dma_start3A_88 = arith.constant 0 : i32
      %dma_start3A_89 = arith.constant 0 : i32
      %dma_start3A_90 = tpu.memref_slice %arg2[%dma_start3A_88, %dma_start3A_89] : memref<10000x128xf32, #tpu.memory_space<hbm>> -> memref<10000x128xf32, #tpu.memory_space<hbm>>
      tpu.enqueue_indirect_dma source(%dma_start3A_90 : memref<10000x128xf32, #tpu.memory_space<hbm>>) target(%arg16 : memref<80x128xf32, #tpu.memory_space<vmem>>) offsets(%arg14 : memref<80xi32, #tpu.memory_space<vmem>>) semaphore(%arg23 : memref<!tpu.dma_semaphore, #tpu.memory_space<semaphore_mem>>)
      %dma_start3A_91 = arith.constant 0 : i32
      %dma_start3A_92 = arith.constant 0 : i32
      %dma_start3A_93 = tpu.memref_slice %arg2[%dma_start3A_91, %dma_start3A_92] : memref<10000x128xf32, #tpu.memory_space<hbm>> -> memref<10000x128xf32, #tpu.memory_space<hbm>>
      tpu.enqueue_indirect_dma source(%dma_start3A_93 : memref<10000x128xf32, #tpu.memory_space<hbm>>) target(%arg17 : memref<80x128xf32, #tpu.memory_space<vmem>>) offsets(%arg15 : memref<80xi32, #tpu.memory_space<vmem>>) semaphore(%arg23 : memref<!tpu.dma_semaphore, #tpu.memory_space<semaphore_mem>>)
      %dma_start3A_94 = arith.constant 0 : i32
      %dma_start3A_95 = tpu.memref_slice %arg3[%dma_start3A_94] : memref<10000xf32, #tpu.memory_space<hbm>> -> memref<10000xf32, #tpu.memory_space<hbm>>
      tpu.enqueue_indirect_dma source(%dma_start3A_95 : memref<10000xf32, #tpu.memory_space<hbm>>) target(%arg18 : memref<80xf32, #tpu.memory_space<vmem>>) offsets(%arg15 : memref<80xi32, #tpu.memory_space<vmem>>) semaphore(%arg23 : memref<!tpu.dma_semaphore, #tpu.memory_space<semaphore_mem>>)
      %mul3A_96 = arith.constant 10000 : i32
      %mul3A_97 = arith.muli %add3A, %mul3A_96 : i32
      %mul3A_98 = arith.constant 80 : i32
      %mul3A_99 = arith.muli %mul3A_42, %mul3A_98 : i32
      %add3A_100 = arith.addi %mul3A_97, %mul3A_99 : i32
      %dma_wait3A_101 = arith.constant 0 : i32
      %dma_wait3A_102 = tpu.memref_slice %arg6[%add3A_100, %dma_wait3A_101] : memref<320000x128xf32, #tpu.memory_space<hbm>> -> memref<80x128xf32, #tpu.memory_space<hbm>>
      %dma_wait3A_103 = arith.constant 0 : i32
      %dma_wait3A_104 = tpu.memref_slice %arg6[%add3A_100, %dma_wait3A_103] : memref<320000x128xf32, #tpu.memory_space<hbm>> -> memref<80x128xf32, #tpu.memory_space<hbm>>
      tpu.wait_dma2 semaphore(%arg21 : memref<!tpu.dma_semaphore, #tpu.memory_space<semaphore_mem>>) src(%arg11 : memref<80x128xf32, #tpu.memory_space<vmem>>) dst(%dma_wait3A_104 : memref<80x128xf32, #tpu.memory_space<hbm>>)
      %dma_wait3A_105 = arith.constant 0 : i32
      %dma_wait3A_106 = tpu.memref_slice %arg7[%add3A_100, %dma_wait3A_105] : memref<320000x128xf32, #tpu.memory_space<hbm>> -> memref<80x128xf32, #tpu.memory_space<hbm>>
      %dma_wait3A_107 = arith.constant 0 : i32
      %dma_wait3A_108 = tpu.memref_slice %arg7[%add3A_100, %dma_wait3A_107] : memref<320000x128xf32, #tpu.memory_space<hbm>> -> memref<80x128xf32, #tpu.memory_space<hbm>>
      tpu.wait_dma2 semaphore(%arg21 : memref<!tpu.dma_semaphore, #tpu.memory_space<semaphore_mem>>) src(%arg12 : memref<80x128xf32, #tpu.memory_space<vmem>>) dst(%dma_wait3A_108 : memref<80x128xf32, #tpu.memory_space<hbm>>)
      %dma_wait3A_109 = tpu.memref_slice %arg8[%add3A_100] : memref<320000xf32, #tpu.memory_space<hbm>> -> memref<80xf32, #tpu.memory_space<hbm>>
      %dma_wait3A_110 = tpu.memref_slice %arg8[%add3A_100] : memref<320000xf32, #tpu.memory_space<hbm>> -> memref<80xf32, #tpu.memory_space<hbm>>
      tpu.wait_dma2 semaphore(%arg21 : memref<!tpu.dma_semaphore, #tpu.memory_space<semaphore_mem>>) src(%arg13 : memref<80xf32, #tpu.memory_space<vmem>>) dst(%dma_wait3A_110 : memref<80xf32, #tpu.memory_space<hbm>>)
      %add3A_111 = arith.constant 2 : i32
      %add3A_112 = arith.addi %mul3A_42, %add3A_111 : i32
      %mul3A_113 = arith.constant 10000 : i32
      %mul3A_114 = arith.muli %add3A, %mul3A_113 : i32
      %mul3A_115 = arith.constant 80 : i32
      %mul3A_116 = arith.muli %add3A_112, %mul3A_115 : i32
      %add3A_117 = arith.addi %mul3A_114, %mul3A_116 : i32
      %dma_start3A_118 = tpu.memref_slice %arg4[%add3A_117] : memref<320000xi32, #tpu.memory_space<hbm>> -> memref<80xi32, #tpu.memory_space<hbm>>
      %dma_start3A_119 = tpu.memref_slice %arg4[%add3A_117] : memref<320000xi32, #tpu.memory_space<hbm>> -> memref<80xi32, #tpu.memory_space<hbm>>
      tpu.enqueue_dma source(%dma_start3A_119 : memref<80xi32, #tpu.memory_space<hbm>>) target(%arg9 : memref<80xi32, #tpu.memory_space<vmem>>) target_semaphore(%arg19 : memref<!tpu.dma_semaphore, #tpu.memory_space<semaphore_mem>>)
      %dma_start3A_120 = tpu.memref_slice %arg5[%add3A_117] : memref<320000xi32, #tpu.memory_space<hbm>> -> memref<80xi32, #tpu.memory_space<hbm>>
      %dma_start3A_121 = tpu.memref_slice %arg5[%add3A_117] : memref<320000xi32, #tpu.memory_space<hbm>> -> memref<80xi32, #tpu.memory_space<hbm>>
      tpu.enqueue_dma source(%dma_start3A_121 : memref<80xi32, #tpu.memory_space<hbm>>) target(%arg10 : memref<80xi32, #tpu.memory_space<vmem>>) target_semaphore(%arg19 : memref<!tpu.dma_semaphore, #tpu.memory_space<semaphore_mem>>)
      %dma_wait3A_122 = arith.constant 0 : i32
      %dma_wait3A_123 = arith.constant 0 : i32
      %dma_wait3A_124 = tpu.memref_slice %arg2[%dma_wait3A_122, %dma_wait3A_123] : memref<10000x128xf32, #tpu.memory_space<hbm>> -> memref<10000x128xf32, #tpu.memory_space<hbm>>
      tpu.wait_indirect_dma semaphore(%arg23 : memref<!tpu.dma_semaphore, #tpu.memory_space<semaphore_mem>>) src(%dma_wait3A_124 : memref<10000x128xf32, #tpu.memory_space<hbm>>) dst(%arg16 : memref<80x128xf32, #tpu.memory_space<vmem>>)
      %dma_wait3A_125 = arith.constant 0 : i32
      %dma_wait3A_126 = arith.constant 0 : i32
      %dma_wait3A_127 = tpu.memref_slice %arg2[%dma_wait3A_125, %dma_wait3A_126] : memref<10000x128xf32, #tpu.memory_space<hbm>> -> memref<10000x128xf32, #tpu.memory_space<hbm>>
      tpu.wait_indirect_dma semaphore(%arg23 : memref<!tpu.dma_semaphore, #tpu.memory_space<semaphore_mem>>) src(%dma_wait3A_127 : memref<10000x128xf32, #tpu.memory_space<hbm>>) dst(%arg17 : memref<80x128xf32, #tpu.memory_space<vmem>>)
      %dma_wait3A_128 = arith.constant 0 : i32
      %dma_wait3A_129 = tpu.memref_slice %arg3[%dma_wait3A_128] : memref<10000xf32, #tpu.memory_space<hbm>> -> memref<10000xf32, #tpu.memory_space<hbm>>
      tpu.wait_indirect_dma semaphore(%arg23 : memref<!tpu.dma_semaphore, #tpu.memory_space<semaphore_mem>>) src(%dma_wait3A_129 : memref<10000xf32, #tpu.memory_space<hbm>>) dst(%arg18 : memref<80xf32, #tpu.memory_space<vmem>>)
      %add3A_130 = arith.constant 1 : i32
      %add3A_131 = arith.addi %mul3A_42, %add3A_130 : i32
      %mul3A_132 = arith.constant 10000 : i32
      %mul3A_133 = arith.muli %add3A, %mul3A_132 : i32
      %mul3A_134 = arith.constant 80 : i32
      %mul3A_135 = arith.muli %add3A_131, %mul3A_134 : i32
      %add3A_136 = arith.addi %mul3A_133, %mul3A_135 : i32
      %dma_start3A_137 = arith.constant 0 : i32
      %dma_start3A_138 = tpu.memref_slice %arg6[%add3A_136, %dma_start3A_137] : memref<320000x128xf32, #tpu.memory_space<hbm>> -> memref<80x128xf32, #tpu.memory_space<hbm>>
      %dma_start3A_139 = arith.constant 0 : i32
      %dma_start3A_140 = tpu.memref_slice %arg6[%add3A_136, %dma_start3A_139] : memref<320000x128xf32, #tpu.memory_space<hbm>> -> memref<80x128xf32, #tpu.memory_space<hbm>>
      tpu.enqueue_dma source(%arg16 : memref<80x128xf32, #tpu.memory_space<vmem>>) target(%dma_start3A_140 : memref<80x128xf32, #tpu.memory_space<hbm>>) target_semaphore(%arg24 : memref<!tpu.dma_semaphore, #tpu.memory_space<semaphore_mem>>)
      %dma_start3A_141 = arith.constant 0 : i32
      %dma_start3A_142 = tpu.memref_slice %arg7[%add3A_136, %dma_start3A_141] : memref<320000x128xf32, #tpu.memory_space<hbm>> -> memref<80x128xf32, #tpu.memory_space<hbm>>
      %dma_start3A_143 = arith.constant 0 : i32
      %dma_start3A_144 = tpu.memref_slice %arg7[%add3A_136, %dma_start3A_143] : memref<320000x128xf32, #tpu.memory_space<hbm>> -> memref<80x128xf32, #tpu.memory_space<hbm>>
      tpu.enqueue_dma source(%arg17 : memref<80x128xf32, #tpu.memory_space<vmem>>) target(%dma_start3A_144 : memref<80x128xf32, #tpu.memory_space<hbm>>) target_semaphore(%arg24 : memref<!tpu.dma_semaphore, #tpu.memory_space<semaphore_mem>>)
      %dma_start3A_145 = tpu.memref_slice %arg8[%add3A_136] : memref<320000xf32, #tpu.memory_space<hbm>> -> memref<80xf32, #tpu.memory_space<hbm>>
      %dma_start3A_146 = tpu.memref_slice %arg8[%add3A_136] : memref<320000xf32, #tpu.memory_space<hbm>> -> memref<80xf32, #tpu.memory_space<hbm>>
      tpu.enqueue_dma source(%arg18 : memref<80xf32, #tpu.memory_space<vmem>>) target(%dma_start3A_146 : memref<80xf32, #tpu.memory_space<hbm>>) target_semaphore(%arg24 : memref<!tpu.dma_semaphore, #tpu.memory_space<semaphore_mem>>)
      %add3A_147 = arith.constant 2 : i32
      %add3A_148 = arith.addi %mul3A_42, %add3A_147 : i32
      %mul3A_149 = arith.constant 10000 : i32
      %mul3A_150 = arith.muli %add3A, %mul3A_149 : i32
      %mul3A_151 = arith.constant 80 : i32
      %mul3A_152 = arith.muli %add3A_148, %mul3A_151 : i32
      %add3A_153 = arith.addi %mul3A_150, %mul3A_152 : i32
      %dma_wait3A_154 = tpu.memref_slice %arg4[%add3A_153] : memref<320000xi32, #tpu.memory_space<hbm>> -> memref<80xi32, #tpu.memory_space<hbm>>
      %dma_wait3A_155 = tpu.memref_slice %arg4[%add3A_153] : memref<320000xi32, #tpu.memory_space<hbm>> -> memref<80xi32, #tpu.memory_space<hbm>>
      tpu.wait_dma2 semaphore(%arg19 : memref<!tpu.dma_semaphore, #tpu.memory_space<semaphore_mem>>) src(%dma_wait3A_155 : memref<80xi32, #tpu.memory_space<hbm>>) dst(%arg9 : memref<80xi32, #tpu.memory_space<vmem>>)
      %dma_wait3A_156 = tpu.memref_slice %arg5[%add3A_153] : memref<320000xi32, #tpu.memory_space<hbm>> -> memref<80xi32, #tpu.memory_space<hbm>>
      %dma_wait3A_157 = tpu.memref_slice %arg5[%add3A_153] : memref<320000xi32, #tpu.memory_space<hbm>> -> memref<80xi32, #tpu.memory_space<hbm>>
      tpu.wait_dma2 semaphore(%arg19 : memref<!tpu.dma_semaphore, #tpu.memory_space<semaphore_mem>>) src(%dma_wait3A_157 : memref<80xi32, #tpu.memory_space<hbm>>) dst(%arg10 : memref<80xi32, #tpu.memory_space<vmem>>)
      %dma_start3A_158 = arith.constant 0 : i32
      %dma_start3A_159 = arith.constant 0 : i32
      %dma_start3A_160 = tpu.memref_slice %arg2[%dma_start3A_158, %dma_start3A_159] : memref<10000x128xf32, #tpu.memory_space<hbm>> -> memref<10000x128xf32, #tpu.memory_space<hbm>>
      tpu.enqueue_indirect_dma source(%dma_start3A_160 : memref<10000x128xf32, #tpu.memory_space<hbm>>) target(%arg11 : memref<80x128xf32, #tpu.memory_space<vmem>>) offsets(%arg9 : memref<80xi32, #tpu.memory_space<vmem>>) semaphore(%arg20 : memref<!tpu.dma_semaphore, #tpu.memory_space<semaphore_mem>>)
      %dma_start3A_161 = arith.constant 0 : i32
      %dma_start3A_162 = arith.constant 0 : i32
      %dma_start3A_163 = tpu.memref_slice %arg2[%dma_start3A_161, %dma_start3A_162] : memref<10000x128xf32, #tpu.memory_space<hbm>> -> memref<10000x128xf32, #tpu.memory_space<hbm>>
      tpu.enqueue_indirect_dma source(%dma_start3A_163 : memref<10000x128xf32, #tpu.memory_space<hbm>>) target(%arg12 : memref<80x128xf32, #tpu.memory_space<vmem>>) offsets(%arg10 : memref<80xi32, #tpu.memory_space<vmem>>) semaphore(%arg20 : memref<!tpu.dma_semaphore, #tpu.memory_space<semaphore_mem>>)
      %dma_start3A_164 = arith.constant 0 : i32
      %dma_start3A_165 = tpu.memref_slice %arg3[%dma_start3A_164] : memref<10000xf32, #tpu.memory_space<hbm>> -> memref<10000xf32, #tpu.memory_space<hbm>>
      tpu.enqueue_indirect_dma source(%dma_start3A_165 : memref<10000xf32, #tpu.memory_space<hbm>>) target(%arg13 : memref<80xf32, #tpu.memory_space<vmem>>) offsets(%arg10 : memref<80xi32, #tpu.memory_space<vmem>>) semaphore(%arg20 : memref<!tpu.dma_semaphore, #tpu.memory_space<semaphore_mem>>)
      %add3A_166 = arith.constant 1 : i32
      %add3A_167 = arith.addi %mul3A_42, %add3A_166 : i32
      %mul3A_168 = arith.constant 10000 : i32
      %mul3A_169 = arith.muli %add3A, %mul3A_168 : i32
      %mul3A_170 = arith.constant 80 : i32
      %mul3A_171 = arith.muli %add3A_167, %mul3A_170 : i32
      %add3A_172 = arith.addi %mul3A_169, %mul3A_171 : i32
      %dma_wait3A_173 = arith.constant 0 : i32
      %dma_wait3A_174 = tpu.memref_slice %arg6[%add3A_172, %dma_wait3A_173] : memref<320000x128xf32, #tpu.memory_space<hbm>> -> memref<80x128xf32, #tpu.memory_space<hbm>>
      %dma_wait3A_175 = arith.constant 0 : i32
      %dma_wait3A_176 = tpu.memref_slice %arg6[%add3A_172, %dma_wait3A_175] : memref<320000x128xf32, #tpu.memory_space<hbm>> -> memref<80x128xf32, #tpu.memory_space<hbm>>
      tpu.wait_dma2 semaphore(%arg24 : memref<!tpu.dma_semaphore, #tpu.memory_space<semaphore_mem>>) src(%arg16 : memref<80x128xf32, #tpu.memory_space<vmem>>) dst(%dma_wait3A_176 : memref<80x128xf32, #tpu.memory_space<hbm>>)
      %dma_wait3A_177 = arith.constant 0 : i32
      %dma_wait3A_178 = tpu.memref_slice %arg7[%add3A_172, %dma_wait3A_177] : memref<320000x128xf32, #tpu.memory_space<hbm>> -> memref<80x128xf32, #tpu.memory_space<hbm>>
      %dma_wait3A_179 = arith.constant 0 : i32
      %dma_wait3A_180 = tpu.memref_slice %arg7[%add3A_172, %dma_wait3A_179] : memref<320000x128xf32, #tpu.memory_space<hbm>> -> memref<80x128xf32, #tpu.memory_space<hbm>>
      tpu.wait_dma2 semaphore(%arg24 : memref<!tpu.dma_semaphore, #tpu.memory_space<semaphore_mem>>) src(%arg17 : memref<80x128xf32, #tpu.memory_space<vmem>>) dst(%dma_wait3A_180 : memref<80x128xf32, #tpu.memory_space<hbm>>)
      %dma_wait3A_181 = tpu.memref_slice %arg8[%add3A_172] : memref<320000xf32, #tpu.memory_space<hbm>> -> memref<80xf32, #tpu.memory_space<hbm>>
      %dma_wait3A_182 = tpu.memref_slice %arg8[%add3A_172] : memref<320000xf32, #tpu.memory_space<hbm>> -> memref<80xf32, #tpu.memory_space<hbm>>
      tpu.wait_dma2 semaphore(%arg24 : memref<!tpu.dma_semaphore, #tpu.memory_space<semaphore_mem>>) src(%arg18 : memref<80xf32, #tpu.memory_space<vmem>>) dst(%dma_wait3A_182 : memref<80xf32, #tpu.memory_space<hbm>>)
    }
    %scan3A_27 = arith.constant 62 : i32
    %dma_wait3A_28 = arith.constant 0 : i32
    %dma_wait3A_29 = arith.constant 0 : i32
    %dma_wait3A_30 = tpu.memref_slice %arg2[%dma_wait3A_28, %dma_wait3A_29] : memref<10000x128xf32, #tpu.memory_space<hbm>> -> memref<10000x128xf32, #tpu.memory_space<hbm>>
    tpu.wait_indirect_dma semaphore(%arg20 : memref<!tpu.dma_semaphore, #tpu.memory_space<semaphore_mem>>) src(%dma_wait3A_30 : memref<10000x128xf32, #tpu.memory_space<hbm>>) dst(%arg11 : memref<80x128xf32, #tpu.memory_space<vmem>>)
    %dma_wait3A_31 = arith.constant 0 : i32
    %dma_wait3A_32 = arith.constant 0 : i32
    %dma_wait3A_33 = tpu.memref_slice %arg2[%dma_wait3A_31, %dma_wait3A_32] : memref<10000x128xf32, #tpu.memory_space<hbm>> -> memref<10000x128xf32, #tpu.memory_space<hbm>>
    tpu.wait_indirect_dma semaphore(%arg20 : memref<!tpu.dma_semaphore, #tpu.memory_space<semaphore_mem>>) src(%dma_wait3A_33 : memref<10000x128xf32, #tpu.memory_space<hbm>>) dst(%arg12 : memref<80x128xf32, #tpu.memory_space<vmem>>)
    %dma_wait3A_34 = arith.constant 0 : i32
    %dma_wait3A_35 = tpu.memref_slice %arg3[%dma_wait3A_34] : memref<10000xf32, #tpu.memory_space<hbm>> -> memref<10000xf32, #tpu.memory_space<hbm>>
    tpu.wait_indirect_dma semaphore(%arg20 : memref<!tpu.dma_semaphore, #tpu.memory_space<semaphore_mem>>) src(%dma_wait3A_35 : memref<10000xf32, #tpu.memory_space<hbm>>) dst(%arg13 : memref<80xf32, #tpu.memory_space<vmem>>)
    %mul3A_36 = arith.constant 10000 : i32
    %mul3A_37 = arith.muli %add3A, %mul3A_36 : i32
    %add3A_38 = arith.constant 9920 : i32
    %add3A_39 = arith.addi %mul3A_37, %add3A_38 : i32
    "tpu.region"() ({
      %run_scoped3A = tpu.sem_alloc : memref<!tpu.dma_semaphore, #tpu.memory_space<semaphore_mem>>
      %dma_start3A_40 = arith.constant 0 : i32
      %dma_start3A_41 = tpu.memref_slice %arg6[%add3A_39, %dma_start3A_40] : memref<320000x128xf32, #tpu.memory_space<hbm>> -> memref<80x128xf32, #tpu.memory_space<hbm>>
      %dma_start3A_42 = arith.constant 0 : i32
      %dma_start3A_43 = tpu.memref_slice %arg6[%add3A_39, %dma_start3A_42] : memref<320000x128xf32, #tpu.memory_space<hbm>> -> memref<80x128xf32, #tpu.memory_space<hbm>>
      tpu.enqueue_dma source(%arg11 : memref<80x128xf32, #tpu.memory_space<vmem>>) target(%dma_start3A_43 : memref<80x128xf32, #tpu.memory_space<hbm>>) target_semaphore(%run_scoped3A : memref<!tpu.dma_semaphore, #tpu.memory_space<semaphore_mem>>)
      %dma_wait3A_44 = arith.constant 0 : i32
      %dma_wait3A_45 = tpu.memref_slice %arg6[%add3A_39, %dma_wait3A_44] : memref<320000x128xf32, #tpu.memory_space<hbm>> -> memref<80x128xf32, #tpu.memory_space<hbm>>
      %dma_wait3A_46 = arith.constant 0 : i32
      %dma_wait3A_47 = tpu.memref_slice %arg6[%add3A_39, %dma_wait3A_46] : memref<320000x128xf32, #tpu.memory_space<hbm>> -> memref<80x128xf32, #tpu.memory_space<hbm>>
      tpu.wait_dma2 semaphore(%run_scoped3A : memref<!tpu.dma_semaphore, #tpu.memory_space<semaphore_mem>>) src(%arg11 : memref<80x128xf32, #tpu.memory_space<vmem>>) dst(%dma_wait3A_47 : memref<80x128xf32, #tpu.memory_space<hbm>>)
      tpu.yield
    }) : () -> ()
    "tpu.region"() ({
      %run_scoped3A = tpu.sem_alloc : memref<!tpu.dma_semaphore, #tpu.memory_space<semaphore_mem>>
      %dma_start3A_40 = arith.constant 0 : i32
      %dma_start3A_41 = tpu.memref_slice %arg7[%add3A_39, %dma_start3A_40] : memref<320000x128xf32, #tpu.memory_space<hbm>> -> memref<80x128xf32, #tpu.memory_space<hbm>>
      %dma_start3A_42 = arith.constant 0 : i32
      %dma_start3A_43 = tpu.memref_slice %arg7[%add3A_39, %dma_start3A_42] : memref<320000x128xf32, #tpu.memory_space<hbm>> -> memref<80x128xf32, #tpu.memory_space<hbm>>
      tpu.enqueue_dma source(%arg12 : memref<80x128xf32, #tpu.memory_space<vmem>>) target(%dma_start3A_43 : memref<80x128xf32, #tpu.memory_space<hbm>>) target_semaphore(%run_scoped3A : memref<!tpu.dma_semaphore, #tpu.memory_space<semaphore_mem>>)
      %dma_wait3A_44 = arith.constant 0 : i32
      %dma_wait3A_45 = tpu.memref_slice %arg7[%add3A_39, %dma_wait3A_44] : memref<320000x128xf32, #tpu.memory_space<hbm>> -> memref<80x128xf32, #tpu.memory_space<hbm>>
      %dma_wait3A_46 = arith.constant 0 : i32
      %dma_wait3A_47 = tpu.memref_slice %arg7[%add3A_39, %dma_wait3A_46] : memref<320000x128xf32, #tpu.memory_space<hbm>> -> memref<80x128xf32, #tpu.memory_space<hbm>>
      tpu.wait_dma2 semaphore(%run_scoped3A : memref<!tpu.dma_semaphore, #tpu.memory_space<semaphore_mem>>) src(%arg12 : memref<80x128xf32, #tpu.memory_space<vmem>>) dst(%dma_wait3A_47 : memref<80x128xf32, #tpu.memory_space<hbm>>)
      tpu.yield
    }) : () -> ()
    "tpu.region"() ({
      %run_scoped3A = tpu.sem_alloc : memref<!tpu.dma_semaphore, #tpu.memory_space<semaphore_mem>>
      %dma_start3A_40 = tpu.memref_slice %arg8[%add3A_39] : memref<320000xf32, #tpu.memory_space<hbm>> -> memref<80xf32, #tpu.memory_space<hbm>>
      %dma_start3A_41 = tpu.memref_slice %arg8[%add3A_39] : memref<320000xf32, #tpu.memory_space<hbm>> -> memref<80xf32, #tpu.memory_space<hbm>>
      tpu.enqueue_dma source(%arg13 : memref<80xf32, #tpu.memory_space<vmem>>) target(%dma_start3A_41 : memref<80xf32, #tpu.memory_space<hbm>>) target_semaphore(%run_scoped3A : memref<!tpu.dma_semaphore, #tpu.memory_space<semaphore_mem>>)
      %dma_wait3A_42 = tpu.memref_slice %arg8[%add3A_39] : memref<320000xf32, #tpu.memory_space<hbm>> -> memref<80xf32, #tpu.memory_space<hbm>>
      %dma_wait3A_43 = tpu.memref_slice %arg8[%add3A_39] : memref<320000xf32, #tpu.memory_space<hbm>> -> memref<80xf32, #tpu.memory_space<hbm>>
      tpu.wait_dma2 semaphore(%run_scoped3A : memref<!tpu.dma_semaphore, #tpu.memory_space<semaphore_mem>>) src(%arg13 : memref<80xf32, #tpu.memory_space<vmem>>) dst(%dma_wait3A_43 : memref<80xf32, #tpu.memory_space<hbm>>)
      tpu.yield
    }) : () -> ()
    return
  }
}

#map = affine_map<(d0, d1) -> (0, 0)>
#map1 = affine_map<(d0, d1) -> (0)>
#map2 = affine_map<(d0, d1) -> (0, 0, 0, 0)>
#map3 = affine_map<(d0, d1) -> (0, 0, 0)>
module attributes {stable_mosaic.version = 14 : i64} {
  func.func @k(%arg0: i32, %arg1: i32, %arg2: memref<320000x384xf32, #tpu.memory_space<hbm>>, %arg3: memref<320000x128xf32, #tpu.memory_space<hbm>>, %arg4: memref<320000xi32, #tpu.memory_space<hbm>>, %arg5: memref<10240x128xf32, #tpu.memory_space<hbm>>, %arg6: memref<1280x128xf32, #tpu.memory_space<hbm>>, %arg7: memref<2x3x10240x128xf32, #tpu.memory_space<hbm>>, %arg8: memref<2x1280x128xf32, #tpu.memory_space<hbm>>, %arg9: memref<10240x128xf32, #tpu.memory_space<vmem_shared>>, %arg10: memref<1280x128xf32, #tpu.memory_space<vmem_shared>>, %arg11: memref<80xi32, #tpu.memory_space<vmem>>, %arg12: memref<80xi32, #tpu.memory_space<vmem>>, %arg13: memref<80xi32, #tpu.memory_space<vmem>>, %arg14: memref<80x128xf32, #tpu.memory_space<vmem>>, %arg15: memref<80x128xf32, #tpu.memory_space<vmem>>, %arg16: memref<80x128xf32, #tpu.memory_space<vmem>>, %arg17: memref<!tpu.dma_semaphore, #tpu.memory_space<semaphore_mem>>, %arg18: memref<!tpu.dma_semaphore, #tpu.memory_space<semaphore_mem>>, %arg19: memref<!tpu.dma_semaphore, #tpu.memory_space<semaphore_mem>>, %arg20: memref<!tpu.dma_semaphore, #tpu.memory_space<semaphore_mem>>) attributes {dimension_semantics = [#tpu.dimension_semantics<core_parallel>, #tpu.dimension_semantics<subcore_parallel>], iteration_bounds = array<i64: 2, 16>, scalar_prefetch = 0 : i64, scratch_operands = 12 : i64, tpu.core_type = #tpu.core_type<sc_vector_subcore>, window_params = [{transform_indices = #map}, {transform_indices = #map}, {transform_indices = #map1}, {transform_indices = #map}, {transform_indices = #map}, {transform_indices = #map2}, {transform_indices = #map3}]} {
    %mul3A = arith.constant 16 : i32
    %mul3A_0 = arith.muli %arg0, %mul3A : i32
    %add3A = arith.addi %mul3A_0, %arg1 : i32
    %mul3A_1 = arith.constant 640 : i32
    %mul3A_2 = arith.muli %arg1, %mul3A_1 : i32
    %mul3A_3 = arith.constant 80 : i32
    %mul3A_4 = arith.muli %arg1, %mul3A_3 : i32
    "tpu.region"() ({
      %run_scoped3A_129 = tpu.sem_alloc : memref<!tpu.dma_semaphore, #tpu.memory_space<semaphore_mem>>
      %dma_start3A_130 = arith.constant 0 : i32
      %dma_start3A_131 = tpu.memref_slice %arg10[%mul3A_4, %dma_start3A_130] : memref<1280x128xf32, #tpu.memory_space<vmem_shared>> -> memref<80x128xf32, #tpu.memory_space<vmem_shared>>
      %dma_start3A_132 = arith.constant 0 : i32
      %dma_start3A_133 = tpu.memref_slice %arg6[%mul3A_4, %dma_start3A_132] : memref<1280x128xf32, #tpu.memory_space<hbm>> -> memref<80x128xf32, #tpu.memory_space<hbm>>
      tpu.enqueue_dma source(%dma_start3A_133 : memref<80x128xf32, #tpu.memory_space<hbm>>) target(%dma_start3A_131 : memref<80x128xf32, #tpu.memory_space<vmem_shared>>) target_semaphore(%run_scoped3A_129 : memref<!tpu.dma_semaphore, #tpu.memory_space<semaphore_mem>>)
      %dma_wait3A_134 = arith.constant 0 : i32
      %dma_wait3A_135 = tpu.memref_slice %arg10[%mul3A_4, %dma_wait3A_134] : memref<1280x128xf32, #tpu.memory_space<vmem_shared>> -> memref<80x128xf32, #tpu.memory_space<vmem_shared>>
      %dma_wait3A_136 = arith.constant 0 : i32
      %dma_wait3A_137 = tpu.memref_slice %arg6[%mul3A_4, %dma_wait3A_136] : memref<1280x128xf32, #tpu.memory_space<hbm>> -> memref<80x128xf32, #tpu.memory_space<hbm>>
      tpu.wait_dma2 semaphore(%run_scoped3A_129 : memref<!tpu.dma_semaphore, #tpu.memory_space<semaphore_mem>>) src(%dma_wait3A_137 : memref<80x128xf32, #tpu.memory_space<hbm>>) dst(%dma_wait3A_135 : memref<80x128xf32, #tpu.memory_space<vmem_shared>>)
      tpu.yield
    }) : () -> ()
    %broadcast_in_dim3A = arith.constant 8 : i32
    %broadcast_in_dim3A_5 = vector.broadcast %broadcast_in_dim3A : i32 to vector<16xi32>
    "tpu.region"() ({
      %run_scoped3A_129 = tpu.sem_alloc : memref<!tpu.dma_semaphore, #tpu.memory_space<semaphore_mem>>
      %dma_start3A_130 = arith.constant 0 : i32
      %dma_start3A_131 = tpu.memref_slice %arg9[%mul3A_2, %dma_start3A_130] : memref<10240x128xf32, #tpu.memory_space<vmem_shared>> -> memref<640x128xf32, #tpu.memory_space<vmem_shared>>
      %dma_start3A_132 = arith.constant 0 : i32
      %dma_start3A_133 = tpu.memref_slice %arg5[%mul3A_2, %dma_start3A_132] : memref<10240x128xf32, #tpu.memory_space<hbm>> -> memref<640x128xf32, #tpu.memory_space<hbm>>
      tpu.enqueue_dma source(%dma_start3A_133 : memref<640x128xf32, #tpu.memory_space<hbm>>) target(%dma_start3A_131 : memref<640x128xf32, #tpu.memory_space<vmem_shared>>) target_semaphore(%run_scoped3A_129 : memref<!tpu.dma_semaphore, #tpu.memory_space<semaphore_mem>>)
      %dma_wait3A_134 = arith.constant 0 : i32
      %dma_wait3A_135 = tpu.memref_slice %arg9[%mul3A_2, %dma_wait3A_134] : memref<10240x128xf32, #tpu.memory_space<vmem_shared>> -> memref<640x128xf32, #tpu.memory_space<vmem_shared>>
      %dma_wait3A_136 = arith.constant 0 : i32
      %dma_wait3A_137 = tpu.memref_slice %arg5[%mul3A_2, %dma_wait3A_136] : memref<10240x128xf32, #tpu.memory_space<hbm>> -> memref<640x128xf32, #tpu.memory_space<hbm>>
      tpu.wait_dma2 semaphore(%run_scoped3A_129 : memref<!tpu.dma_semaphore, #tpu.memory_space<semaphore_mem>>) src(%dma_wait3A_137 : memref<640x128xf32, #tpu.memory_space<hbm>>) dst(%dma_wait3A_135 : memref<640x128xf32, #tpu.memory_space<vmem_shared>>)
      tpu.yield
    }) : () -> ()
    %barrier3A = arith.constant 0 : index
    tpu.barrier barrier_id(%barrier3A)
    %mul3A_6 = arith.constant 10000 : i32
    %mul3A_7 = arith.muli %add3A, %mul3A_6 : i32
    %add3A_8 = arith.constant 0 : i32
    %add3A_9 = arith.addi %mul3A_7, %add3A_8 : i32
    %dma_start3A = tpu.memref_slice %arg4[%add3A_9] : memref<320000xi32, #tpu.memory_space<hbm>> -> memref<80xi32, #tpu.memory_space<hbm>>
    %dma_start3A_10 = tpu.memref_slice %arg4[%add3A_9] : memref<320000xi32, #tpu.memory_space<hbm>> -> memref<80xi32, #tpu.memory_space<hbm>>
    tpu.enqueue_dma source(%dma_start3A_10 : memref<80xi32, #tpu.memory_space<hbm>>) target(%arg11 : memref<80xi32, #tpu.memory_space<vmem>>) target_semaphore(%arg17 : memref<!tpu.dma_semaphore, #tpu.memory_space<semaphore_mem>>)
    %dma_start3A_11 = arith.constant 0 : i32
    %dma_start3A_12 = tpu.memref_slice %arg2[%add3A_9, %dma_start3A_11] : memref<320000x384xf32, #tpu.memory_space<hbm>> -> memref<80x128xf32, #tpu.memory_space<hbm>>
    %dma_start3A_13 = arith.constant 0 : i32
    %dma_start3A_14 = tpu.memref_slice %arg2[%add3A_9, %dma_start3A_13] : memref<320000x384xf32, #tpu.memory_space<hbm>> -> memref<80x128xf32, #tpu.memory_space<hbm>>
    tpu.enqueue_dma source(%dma_start3A_14 : memref<80x128xf32, #tpu.memory_space<hbm>>) target(%arg14 : memref<80x128xf32, #tpu.memory_space<vmem>>) target_semaphore(%arg19 : memref<!tpu.dma_semaphore, #tpu.memory_space<semaphore_mem>>)
    %scan3A = arith.constant 0 : i32
    %scan3A_15 = arith.constant 0 : i32
    %scan3A_16 = arith.constant 62 : i32
    %scan3A_17 = arith.addi %scan3A_15, %scan3A_16 : i32
    %scan3A_18 = arith.constant 1 : i32
    scf.for %scan3A_129 = %scan3A_15 to %scan3A_17 step %scan3A_18  : i32 {
      %mul3A_130 = arith.constant 2 : i32
      %mul3A_131 = arith.muli %mul3A_130, %scan3A_129 : i32
      %add3A_132 = arith.constant 1 : i32
      %add3A_133 = arith.addi %mul3A_131, %add3A_132 : i32
      %mul3A_134 = arith.constant 10000 : i32
      %mul3A_135 = arith.muli %add3A, %mul3A_134 : i32
      %mul3A_136 = arith.constant 80 : i32
      %mul3A_137 = arith.muli %add3A_133, %mul3A_136 : i32
      %add3A_138 = arith.addi %mul3A_135, %mul3A_137 : i32
      %dma_start3A_139 = tpu.memref_slice %arg4[%add3A_138] : memref<320000xi32, #tpu.memory_space<hbm>> -> memref<80xi32, #tpu.memory_space<hbm>>
      %dma_start3A_140 = tpu.memref_slice %arg4[%add3A_138] : memref<320000xi32, #tpu.memory_space<hbm>> -> memref<80xi32, #tpu.memory_space<hbm>>
      tpu.enqueue_dma source(%dma_start3A_140 : memref<80xi32, #tpu.memory_space<hbm>>) target(%arg12 : memref<80xi32, #tpu.memory_space<vmem>>) target_semaphore(%arg18 : memref<!tpu.dma_semaphore, #tpu.memory_space<semaphore_mem>>)
      %dma_start3A_141 = arith.constant 0 : i32
      %dma_start3A_142 = tpu.memref_slice %arg2[%add3A_138, %dma_start3A_141] : memref<320000x384xf32, #tpu.memory_space<hbm>> -> memref<80x128xf32, #tpu.memory_space<hbm>>
      %dma_start3A_143 = arith.constant 0 : i32
      %dma_start3A_144 = tpu.memref_slice %arg2[%add3A_138, %dma_start3A_143] : memref<320000x384xf32, #tpu.memory_space<hbm>> -> memref<80x128xf32, #tpu.memory_space<hbm>>
      tpu.enqueue_dma source(%dma_start3A_144 : memref<80x128xf32, #tpu.memory_space<hbm>>) target(%arg15 : memref<80x128xf32, #tpu.memory_space<vmem>>) target_semaphore(%arg20 : memref<!tpu.dma_semaphore, #tpu.memory_space<semaphore_mem>>)
      %mul3A_145 = arith.constant 10000 : i32
      %mul3A_146 = arith.muli %add3A, %mul3A_145 : i32
      %mul3A_147 = arith.constant 80 : i32
      %mul3A_148 = arith.muli %mul3A_131, %mul3A_147 : i32
      %add3A_149 = arith.addi %mul3A_146, %mul3A_148 : i32
      %dma_wait3A_150 = tpu.memref_slice %arg4[%add3A_149] : memref<320000xi32, #tpu.memory_space<hbm>> -> memref<80xi32, #tpu.memory_space<hbm>>
      %dma_wait3A_151 = tpu.memref_slice %arg4[%add3A_149] : memref<320000xi32, #tpu.memory_space<hbm>> -> memref<80xi32, #tpu.memory_space<hbm>>
      tpu.wait_dma2 semaphore(%arg17 : memref<!tpu.dma_semaphore, #tpu.memory_space<semaphore_mem>>) src(%dma_wait3A_151 : memref<80xi32, #tpu.memory_space<hbm>>) dst(%arg11 : memref<80xi32, #tpu.memory_space<vmem>>)
      %dma_wait3A_152 = arith.constant 0 : i32
      %dma_wait3A_153 = tpu.memref_slice %arg2[%add3A_149, %dma_wait3A_152] : memref<320000x384xf32, #tpu.memory_space<hbm>> -> memref<80x128xf32, #tpu.memory_space<hbm>>
      %dma_wait3A_154 = arith.constant 0 : i32
      %dma_wait3A_155 = tpu.memref_slice %arg2[%add3A_149, %dma_wait3A_154] : memref<320000x384xf32, #tpu.memory_space<hbm>> -> memref<80x128xf32, #tpu.memory_space<hbm>>
      tpu.wait_dma2 semaphore(%arg19 : memref<!tpu.dma_semaphore, #tpu.memory_space<semaphore_mem>>) src(%dma_wait3A_155 : memref<80x128xf32, #tpu.memory_space<hbm>>) dst(%arg14 : memref<80x128xf32, #tpu.memory_space<vmem>>)
      %mul3A_156 = arith.constant 10000 : i32
      %mul3A_157 = arith.muli %add3A, %mul3A_156 : i32
      %mul3A_158 = arith.constant 80 : i32
      %mul3A_159 = arith.muli %mul3A_131, %mul3A_158 : i32
      %add3A_160 = arith.addi %mul3A_157, %mul3A_159 : i32
      "tpu.region"() ({
        %run_scoped3A_274 = tpu.sem_alloc : memref<!tpu.dma_semaphore, #tpu.memory_space<semaphore_mem>>
        %dma_start3A_275 = arith.constant 0 : i32
        %dma_start3A_276 = tpu.memref_slice %arg3[%add3A_160, %dma_start3A_275] : memref<320000x128xf32, #tpu.memory_space<hbm>> -> memref<80x128xf32, #tpu.memory_space<hbm>>
        %dma_start3A_277 = arith.constant 0 : i32
        %dma_start3A_278 = tpu.memref_slice %arg3[%add3A_160, %dma_start3A_277] : memref<320000x128xf32, #tpu.memory_space<hbm>> -> memref<80x128xf32, #tpu.memory_space<hbm>>
        tpu.enqueue_dma source(%dma_start3A_278 : memref<80x128xf32, #tpu.memory_space<hbm>>) target(%arg16 : memref<80x128xf32, #tpu.memory_space<vmem>>) target_semaphore(%run_scoped3A_274 : memref<!tpu.dma_semaphore, #tpu.memory_space<semaphore_mem>>)
        %dma_wait3A_279 = arith.constant 0 : i32
        %dma_wait3A_280 = tpu.memref_slice %arg3[%add3A_160, %dma_wait3A_279] : memref<320000x128xf32, #tpu.memory_space<hbm>> -> memref<80x128xf32, #tpu.memory_space<hbm>>
        %dma_wait3A_281 = arith.constant 0 : i32
        %dma_wait3A_282 = tpu.memref_slice %arg3[%add3A_160, %dma_wait3A_281] : memref<320000x128xf32, #tpu.memory_space<hbm>> -> memref<80x128xf32, #tpu.memory_space<hbm>>
        tpu.wait_dma2 semaphore(%run_scoped3A_274 : memref<!tpu.dma_semaphore, #tpu.memory_space<semaphore_mem>>) src(%dma_wait3A_282 : memref<80x128xf32, #tpu.memory_space<hbm>>) dst(%arg16 : memref<80x128xf32, #tpu.memory_space<vmem>>)
        tpu.yield
      }) : () -> ()
      %get3A_161 = arith.constant 0 : index
      %get3A_162 = tpu.vector_load %arg11[%get3A_161] {strides = array<i32>} : memref<80xi32, #tpu.memory_space<vmem>>, vector<16xi32>,
      %get3A_163 = vector.shape_cast %get3A_162 : vector<16xi32> to vector<16xi32>
      %div3A_164 = arith.divsi %get3A_163, %broadcast_in_dim3A_5 : vector<16xi32>
      %swap3A_165 = arith.constant 0 : index
      %swap3A_166 = tpu.vector_load %arg13[%swap3A_165] {strides = array<i32>} : memref<80xi32, #tpu.memory_space<vmem>>, vector<16xi32>,
      %swap3A_167 = vector.shape_cast %swap3A_166 : vector<16xi32> to vector<16xi32>
      %swap3A_168 = vector.shape_cast %div3A_164 : vector<16xi32> to vector<16xi32>
      tpu.vector_store %arg13[%swap3A_165], %swap3A_168 {strides = array<i32>} : memref<80xi32, #tpu.memory_space<vmem>>, vector<16xi32>,
      %get3A_169 = arith.constant 16 : index
      %get3A_170 = tpu.vector_load %arg11[%get3A_169] {strides = array<i32>} : memref<80xi32, #tpu.memory_space<vmem>>, vector<16xi32>,
      %get3A_171 = vector.shape_cast %get3A_170 : vector<16xi32> to vector<16xi32>
      %div3A_172 = arith.divsi %get3A_171, %broadcast_in_dim3A_5 : vector<16xi32>
      %swap3A_173 = arith.constant 16 : index
      %swap3A_174 = tpu.vector_load %arg13[%swap3A_173] {strides = array<i32>} : memref<80xi32, #tpu.memory_space<vmem>>, vector<16xi32>,
      %swap3A_175 = vector.shape_cast %swap3A_174 : vector<16xi32> to vector<16xi32>
      %swap3A_176 = vector.shape_cast %div3A_172 : vector<16xi32> to vector<16xi32>
      tpu.vector_store %arg13[%swap3A_173], %swap3A_176 {strides = array<i32>} : memref<80xi32, #tpu.memory_space<vmem>>, vector<16xi32>,
      %get3A_177 = arith.constant 32 : index
      %get3A_178 = tpu.vector_load %arg11[%get3A_177] {strides = array<i32>} : memref<80xi32, #tpu.memory_space<vmem>>, vector<16xi32>,
      %get3A_179 = vector.shape_cast %get3A_178 : vector<16xi32> to vector<16xi32>
      %div3A_180 = arith.divsi %get3A_179, %broadcast_in_dim3A_5 : vector<16xi32>
      %swap3A_181 = arith.constant 32 : index
      %swap3A_182 = tpu.vector_load %arg13[%swap3A_181] {strides = array<i32>} : memref<80xi32, #tpu.memory_space<vmem>>, vector<16xi32>,
      %swap3A_183 = vector.shape_cast %swap3A_182 : vector<16xi32> to vector<16xi32>
      %swap3A_184 = vector.shape_cast %div3A_180 : vector<16xi32> to vector<16xi32>
      tpu.vector_store %arg13[%swap3A_181], %swap3A_184 {strides = array<i32>} : memref<80xi32, #tpu.memory_space<vmem>>, vector<16xi32>,
      %get3A_185 = arith.constant 48 : index
      %get3A_186 = tpu.vector_load %arg11[%get3A_185] {strides = array<i32>} : memref<80xi32, #tpu.memory_space<vmem>>, vector<16xi32>,
      %get3A_187 = vector.shape_cast %get3A_186 : vector<16xi32> to vector<16xi32>
      %div3A_188 = arith.divsi %get3A_187, %broadcast_in_dim3A_5 : vector<16xi32>
      %swap3A_189 = arith.constant 48 : index
      %swap3A_190 = tpu.vector_load %arg13[%swap3A_189] {strides = array<i32>} : memref<80xi32, #tpu.memory_space<vmem>>, vector<16xi32>,
      %swap3A_191 = vector.shape_cast %swap3A_190 : vector<16xi32> to vector<16xi32>
      %swap3A_192 = vector.shape_cast %div3A_188 : vector<16xi32> to vector<16xi32>
      tpu.vector_store %arg13[%swap3A_189], %swap3A_192 {strides = array<i32>} : memref<80xi32, #tpu.memory_space<vmem>>, vector<16xi32>,
      %get3A_193 = arith.constant 64 : index
      %get3A_194 = tpu.vector_load %arg11[%get3A_193] {strides = array<i32>} : memref<80xi32, #tpu.memory_space<vmem>>, vector<16xi32>,
      %get3A_195 = vector.shape_cast %get3A_194 : vector<16xi32> to vector<16xi32>
      %div3A_196 = arith.divsi %get3A_195, %broadcast_in_dim3A_5 : vector<16xi32>
      %swap3A_197 = arith.constant 64 : index
      %swap3A_198 = tpu.vector_load %arg13[%swap3A_197] {strides = array<i32>} : memref<80xi32, #tpu.memory_space<vmem>>, vector<16xi32>,
      %swap3A_199 = vector.shape_cast %swap3A_198 : vector<16xi32> to vector<16xi32>
      %swap3A_200 = vector.shape_cast %div3A_196 : vector<16xi32> to vector<16xi32>
      tpu.vector_store %arg13[%swap3A_197], %swap3A_200 {strides = array<i32>} : memref<80xi32, #tpu.memory_space<vmem>>, vector<16xi32>,
      "tpu.region"() ({
        %run_scoped3A_274 = tpu.sem_alloc : memref<!tpu.dma_semaphore, #tpu.memory_space<semaphore_mem>>
        %dma_start3A_275 = arith.constant 0 : i32
        %dma_start3A_276 = arith.constant 0 : i32
        %dma_start3A_277 = tpu.memref_slice %arg9[%dma_start3A_275, %dma_start3A_276] : memref<10240x128xf32, #tpu.memory_space<vmem_shared>> -> memref<10240x128xf32, #tpu.memory_space<vmem_shared>>
        tpu.enqueue_indirect_dma source(%arg14 : memref<80x128xf32, #tpu.memory_space<vmem>>) target(%dma_start3A_277 : memref<10240x128xf32, #tpu.memory_space<vmem_shared>>) offsets(%arg11 : memref<80xi32, #tpu.memory_space<vmem>>) semaphore(%run_scoped3A_274 : memref<!tpu.dma_semaphore, #tpu.memory_space<semaphore_mem>>) {add = true}
        %dma_wait3A_278 = arith.constant 0 : i32
        %dma_wait3A_279 = arith.constant 0 : i32
        %dma_wait3A_280 = tpu.memref_slice %arg9[%dma_wait3A_278, %dma_wait3A_279] : memref<10240x128xf32, #tpu.memory_space<vmem_shared>> -> memref<10240x128xf32, #tpu.memory_space<vmem_shared>>
        tpu.wait_indirect_dma semaphore(%run_scoped3A_274 : memref<!tpu.dma_semaphore, #tpu.memory_space<semaphore_mem>>) src(%arg14 : memref<80x128xf32, #tpu.memory_space<vmem>>) dst(%dma_wait3A_280 : memref<10240x128xf32, #tpu.memory_space<vmem_shared>>)
        tpu.yield
      }) : () -> ()
      "tpu.region"() ({
        %run_scoped3A_274 = tpu.sem_alloc : memref<!tpu.dma_semaphore, #tpu.memory_space<semaphore_mem>>
        %dma_start3A_275 = arith.constant 0 : i32
        %dma_start3A_276 = arith.constant 0 : i32
        %dma_start3A_277 = tpu.memref_slice %arg10[%dma_start3A_275, %dma_start3A_276] : memref<1280x128xf32, #tpu.memory_space<vmem_shared>> -> memref<1280x128xf32, #tpu.memory_space<vmem_shared>>
        tpu.enqueue_indirect_dma source(%arg16 : memref<80x128xf32, #tpu.memory_space<vmem>>) target(%dma_start3A_277 : memref<1280x128xf32, #tpu.memory_space<vmem_shared>>) offsets(%arg13 : memref<80xi32, #tpu.memory_space<vmem>>) semaphore(%run_scoped3A_274 : memref<!tpu.dma_semaphore, #tpu.memory_space<semaphore_mem>>) {add = true}
        %dma_wait3A_278 = arith.constant 0 : i32
        %dma_wait3A_279 = arith.constant 0 : i32
        %dma_wait3A_280 = tpu.memref_slice %arg10[%dma_wait3A_278, %dma_wait3A_279] : memref<1280x128xf32, #tpu.memory_space<vmem_shared>> -> memref<1280x128xf32, #tpu.memory_space<vmem_shared>>
        tpu.wait_indirect_dma semaphore(%run_scoped3A_274 : memref<!tpu.dma_semaphore, #tpu.memory_space<semaphore_mem>>) src(%arg16 : memref<80x128xf32, #tpu.memory_space<vmem>>) dst(%dma_wait3A_280 : memref<1280x128xf32, #tpu.memory_space<vmem_shared>>)
        tpu.yield
      }) : () -> ()
      %add3A_201 = arith.constant 2 : i32
      %add3A_202 = arith.addi %mul3A_131, %add3A_201 : i32
      %mul3A_203 = arith.constant 10000 : i32
      %mul3A_204 = arith.muli %add3A, %mul3A_203 : i32
      %mul3A_205 = arith.constant 80 : i32
      %mul3A_206 = arith.muli %add3A_202, %mul3A_205 : i32
      %add3A_207 = arith.addi %mul3A_204, %mul3A_206 : i32
      %dma_start3A_208 = tpu.memref_slice %arg4[%add3A_207] : memref<320000xi32, #tpu.memory_space<hbm>> -> memref<80xi32, #tpu.memory_space<hbm>>
      %dma_start3A_209 = tpu.memref_slice %arg4[%add3A_207] : memref<320000xi32, #tpu.memory_space<hbm>> -> memref<80xi32, #tpu.memory_space<hbm>>
      tpu.enqueue_dma source(%dma_start3A_209 : memref<80xi32, #tpu.memory_space<hbm>>) target(%arg11 : memref<80xi32, #tpu.memory_space<vmem>>) target_semaphore(%arg17 : memref<!tpu.dma_semaphore, #tpu.memory_space<semaphore_mem>>)
      %dma_start3A_210 = arith.constant 0 : i32
      %dma_start3A_211 = tpu.memref_slice %arg2[%add3A_207, %dma_start3A_210] : memref<320000x384xf32, #tpu.memory_space<hbm>> -> memref<80x128xf32, #tpu.memory_space<hbm>>
      %dma_start3A_212 = arith.constant 0 : i32
      %dma_start3A_213 = tpu.memref_slice %arg2[%add3A_207, %dma_start3A_212] : memref<320000x384xf32, #tpu.memory_space<hbm>> -> memref<80x128xf32, #tpu.memory_space<hbm>>
      tpu.enqueue_dma source(%dma_start3A_213 : memref<80x128xf32, #tpu.memory_space<hbm>>) target(%arg14 : memref<80x128xf32, #tpu.memory_space<vmem>>) target_semaphore(%arg19 : memref<!tpu.dma_semaphore, #tpu.memory_space<semaphore_mem>>)
      %add3A_214 = arith.constant 1 : i32
      %add3A_215 = arith.addi %mul3A_131, %add3A_214 : i32
      %mul3A_216 = arith.constant 10000 : i32
      %mul3A_217 = arith.muli %add3A, %mul3A_216 : i32
      %mul3A_218 = arith.constant 80 : i32
      %mul3A_219 = arith.muli %add3A_215, %mul3A_218 : i32
      %add3A_220 = arith.addi %mul3A_217, %mul3A_219 : i32
      %dma_wait3A_221 = tpu.memref_slice %arg4[%add3A_220] : memref<320000xi32, #tpu.memory_space<hbm>> -> memref<80xi32, #tpu.memory_space<hbm>>
      %dma_wait3A_222 = tpu.memref_slice %arg4[%add3A_220] : memref<320000xi32, #tpu.memory_space<hbm>> -> memref<80xi32, #tpu.memory_space<hbm>>
      tpu.wait_dma2 semaphore(%arg18 : memref<!tpu.dma_semaphore, #tpu.memory_space<semaphore_mem>>) src(%dma_wait3A_222 : memref<80xi32, #tpu.memory_space<hbm>>) dst(%arg12 : memref<80xi32, #tpu.memory_space<vmem>>)
      %dma_wait3A_223 = arith.constant 0 : i32
      %dma_wait3A_224 = tpu.memref_slice %arg2[%add3A_220, %dma_wait3A_223] : memref<320000x384xf32, #tpu.memory_space<hbm>> -> memref<80x128xf32, #tpu.memory_space<hbm>>
      %dma_wait3A_225 = arith.constant 0 : i32
      %dma_wait3A_226 = tpu.memref_slice %arg2[%add3A_220, %dma_wait3A_225] : memref<320000x384xf32, #tpu.memory_space<hbm>> -> memref<80x128xf32, #tpu.memory_space<hbm>>
      tpu.wait_dma2 semaphore(%arg20 : memref<!tpu.dma_semaphore, #tpu.memory_space<semaphore_mem>>) src(%dma_wait3A_226 : memref<80x128xf32, #tpu.memory_space<hbm>>) dst(%arg15 : memref<80x128xf32, #tpu.memory_space<vmem>>)
      %add3A_227 = arith.constant 1 : i32
      %add3A_228 = arith.addi %mul3A_131, %add3A_227 : i32
      %mul3A_229 = arith.constant 10000 : i32
      %mul3A_230 = arith.muli %add3A, %mul3A_229 : i32
      %mul3A_231 = arith.constant 80 : i32
      %mul3A_232 = arith.muli %add3A_228, %mul3A_231 : i32
      %add3A_233 = arith.addi %mul3A_230, %mul3A_232 : i32
      "tpu.region"() ({
        %run_scoped3A_274 = tpu.sem_alloc : memref<!tpu.dma_semaphore, #tpu.memory_space<semaphore_mem>>
        %dma_start3A_275 = arith.constant 0 : i32
        %dma_start3A_276 = tpu.memref_slice %arg3[%add3A_233, %dma_start3A_275] : memref<320000x128xf32, #tpu.memory_space<hbm>> -> memref<80x128xf32, #tpu.memory_space<hbm>>
        %dma_start3A_277 = arith.constant 0 : i32
        %dma_start3A_278 = tpu.memref_slice %arg3[%add3A_233, %dma_start3A_277] : memref<320000x128xf32, #tpu.memory_space<hbm>> -> memref<80x128xf32, #tpu.memory_space<hbm>>
        tpu.enqueue_dma source(%dma_start3A_278 : memref<80x128xf32, #tpu.memory_space<hbm>>) target(%arg16 : memref<80x128xf32, #tpu.memory_space<vmem>>) target_semaphore(%run_scoped3A_274 : memref<!tpu.dma_semaphore, #tpu.memory_space<semaphore_mem>>)
        %dma_wait3A_279 = arith.constant 0 : i32
        %dma_wait3A_280 = tpu.memref_slice %arg3[%add3A_233, %dma_wait3A_279] : memref<320000x128xf32, #tpu.memory_space<hbm>> -> memref<80x128xf32, #tpu.memory_space<hbm>>
        %dma_wait3A_281 = arith.constant 0 : i32
        %dma_wait3A_282 = tpu.memref_slice %arg3[%add3A_233, %dma_wait3A_281] : memref<320000x128xf32, #tpu.memory_space<hbm>> -> memref<80x128xf32, #tpu.memory_space<hbm>>
        tpu.wait_dma2 semaphore(%run_scoped3A_274 : memref<!tpu.dma_semaphore, #tpu.memory_space<semaphore_mem>>) src(%dma_wait3A_282 : memref<80x128xf32, #tpu.memory_space<hbm>>) dst(%arg16 : memref<80x128xf32, #tpu.memory_space<vmem>>)
        tpu.yield
      }) : () -> ()
      %get3A_234 = arith.constant 0 : index
      %get3A_235 = tpu.vector_load %arg12[%get3A_234] {strides = array<i32>} : memref<80xi32, #tpu.memory_space<vmem>>, vector<16xi32>,
      %get3A_236 = vector.shape_cast %get3A_235 : vector<16xi32> to vector<16xi32>
      %div3A_237 = arith.divsi %get3A_236, %broadcast_in_dim3A_5 : vector<16xi32>
      %swap3A_238 = arith.constant 0 : index
      %swap3A_239 = tpu.vector_load %arg13[%swap3A_238] {strides = array<i32>} : memref<80xi32, #tpu.memory_space<vmem>>, vector<16xi32>,
      %swap3A_240 = vector.shape_cast %swap3A_239 : vector<16xi32> to vector<16xi32>
      %swap3A_241 = vector.shape_cast %div3A_237 : vector<16xi32> to vector<16xi32>
      tpu.vector_store %arg13[%swap3A_238], %swap3A_241 {strides = array<i32>} : memref<80xi32, #tpu.memory_space<vmem>>, vector<16xi32>,
      %get3A_242 = arith.constant 16 : index
      %get3A_243 = tpu.vector_load %arg12[%get3A_242] {strides = array<i32>} : memref<80xi32, #tpu.memory_space<vmem>>, vector<16xi32>,
      %get3A_244 = vector.shape_cast %get3A_243 : vector<16xi32> to vector<16xi32>
      %div3A_245 = arith.divsi %get3A_244, %broadcast_in_dim3A_5 : vector<16xi32>
      %swap3A_246 = arith.constant 16 : index
      %swap3A_247 = tpu.vector_load %arg13[%swap3A_246] {strides = array<i32>} : memref<80xi32, #tpu.memory_space<vmem>>, vector<16xi32>,
      %swap3A_248 = vector.shape_cast %swap3A_247 : vector<16xi32> to vector<16xi32>
      %swap3A_249 = vector.shape_cast %div3A_245 : vector<16xi32> to vector<16xi32>
      tpu.vector_store %arg13[%swap3A_246], %swap3A_249 {strides = array<i32>} : memref<80xi32, #tpu.memory_space<vmem>>, vector<16xi32>,
      %get3A_250 = arith.constant 32 : index
      %get3A_251 = tpu.vector_load %arg12[%get3A_250] {strides = array<i32>} : memref<80xi32, #tpu.memory_space<vmem>>, vector<16xi32>,
      %get3A_252 = vector.shape_cast %get3A_251 : vector<16xi32> to vector<16xi32>
      %div3A_253 = arith.divsi %get3A_252, %broadcast_in_dim3A_5 : vector<16xi32>
      %swap3A_254 = arith.constant 32 : index
      %swap3A_255 = tpu.vector_load %arg13[%swap3A_254] {strides = array<i32>} : memref<80xi32, #tpu.memory_space<vmem>>, vector<16xi32>,
      %swap3A_256 = vector.shape_cast %swap3A_255 : vector<16xi32> to vector<16xi32>
      %swap3A_257 = vector.shape_cast %div3A_253 : vector<16xi32> to vector<16xi32>
      tpu.vector_store %arg13[%swap3A_254], %swap3A_257 {strides = array<i32>} : memref<80xi32, #tpu.memory_space<vmem>>, vector<16xi32>,
      %get3A_258 = arith.constant 48 : index
      %get3A_259 = tpu.vector_load %arg12[%get3A_258] {strides = array<i32>} : memref<80xi32, #tpu.memory_space<vmem>>, vector<16xi32>,
      %get3A_260 = vector.shape_cast %get3A_259 : vector<16xi32> to vector<16xi32>
      %div3A_261 = arith.divsi %get3A_260, %broadcast_in_dim3A_5 : vector<16xi32>
      %swap3A_262 = arith.constant 48 : index
      %swap3A_263 = tpu.vector_load %arg13[%swap3A_262] {strides = array<i32>} : memref<80xi32, #tpu.memory_space<vmem>>, vector<16xi32>,
      %swap3A_264 = vector.shape_cast %swap3A_263 : vector<16xi32> to vector<16xi32>
      %swap3A_265 = vector.shape_cast %div3A_261 : vector<16xi32> to vector<16xi32>
      tpu.vector_store %arg13[%swap3A_262], %swap3A_265 {strides = array<i32>} : memref<80xi32, #tpu.memory_space<vmem>>, vector<16xi32>,
      %get3A_266 = arith.constant 64 : index
      %get3A_267 = tpu.vector_load %arg12[%get3A_266] {strides = array<i32>} : memref<80xi32, #tpu.memory_space<vmem>>, vector<16xi32>,
      %get3A_268 = vector.shape_cast %get3A_267 : vector<16xi32> to vector<16xi32>
      %div3A_269 = arith.divsi %get3A_268, %broadcast_in_dim3A_5 : vector<16xi32>
      %swap3A_270 = arith.constant 64 : index
      %swap3A_271 = tpu.vector_load %arg13[%swap3A_270] {strides = array<i32>} : memref<80xi32, #tpu.memory_space<vmem>>, vector<16xi32>,
      %swap3A_272 = vector.shape_cast %swap3A_271 : vector<16xi32> to vector<16xi32>
      %swap3A_273 = vector.shape_cast %div3A_269 : vector<16xi32> to vector<16xi32>
      tpu.vector_store %arg13[%swap3A_270], %swap3A_273 {strides = array<i32>} : memref<80xi32, #tpu.memory_space<vmem>>, vector<16xi32>,
      "tpu.region"() ({
        %run_scoped3A_274 = tpu.sem_alloc : memref<!tpu.dma_semaphore, #tpu.memory_space<semaphore_mem>>
        %dma_start3A_275 = arith.constant 0 : i32
        %dma_start3A_276 = arith.constant 0 : i32
        %dma_start3A_277 = tpu.memref_slice %arg9[%dma_start3A_275, %dma_start3A_276] : memref<10240x128xf32, #tpu.memory_space<vmem_shared>> -> memref<10240x128xf32, #tpu.memory_space<vmem_shared>>
        tpu.enqueue_indirect_dma source(%arg15 : memref<80x128xf32, #tpu.memory_space<vmem>>) target(%dma_start3A_277 : memref<10240x128xf32, #tpu.memory_space<vmem_shared>>) offsets(%arg12 : memref<80xi32, #tpu.memory_space<vmem>>) semaphore(%run_scoped3A_274 : memref<!tpu.dma_semaphore, #tpu.memory_space<semaphore_mem>>) {add = true}
        %dma_wait3A_278 = arith.constant 0 : i32
        %dma_wait3A_279 = arith.constant 0 : i32
        %dma_wait3A_280 = tpu.memref_slice %arg9[%dma_wait3A_278, %dma_wait3A_279] : memref<10240x128xf32, #tpu.memory_space<vmem_shared>> -> memref<10240x128xf32, #tpu.memory_space<vmem_shared>>
        tpu.wait_indirect_dma semaphore(%run_scoped3A_274 : memref<!tpu.dma_semaphore, #tpu.memory_space<semaphore_mem>>) src(%arg15 : memref<80x128xf32, #tpu.memory_space<vmem>>) dst(%dma_wait3A_280 : memref<10240x128xf32, #tpu.memory_space<vmem_shared>>)
        tpu.yield
      }) : () -> ()
      "tpu.region"() ({
        %run_scoped3A_274 = tpu.sem_alloc : memref<!tpu.dma_semaphore, #tpu.memory_space<semaphore_mem>>
        %dma_start3A_275 = arith.constant 0 : i32
        %dma_start3A_276 = arith.constant 0 : i32
        %dma_start3A_277 = tpu.memref_slice %arg10[%dma_start3A_275, %dma_start3A_276] : memref<1280x128xf32, #tpu.memory_space<vmem_shared>> -> memref<1280x128xf32, #tpu.memory_space<vmem_shared>>
        tpu.enqueue_indirect_dma source(%arg16 : memref<80x128xf32, #tpu.memory_space<vmem>>) target(%dma_start3A_277 : memref<1280x128xf32, #tpu.memory_space<vmem_shared>>) offsets(%arg13 : memref<80xi32, #tpu.memory_space<vmem>>) semaphore(%run_scoped3A_274 : memref<!tpu.dma_semaphore, #tpu.memory_space<semaphore_mem>>) {add = true}
        %dma_wait3A_278 = arith.constant 0 : i32
        %dma_wait3A_279 = arith.constant 0 : i32
        %dma_wait3A_280 = tpu.memref_slice %arg10[%dma_wait3A_278, %dma_wait3A_279] : memref<1280x128xf32, #tpu.memory_space<vmem_shared>> -> memref<1280x128xf32, #tpu.memory_space<vmem_shared>>
        tpu.wait_indirect_dma semaphore(%run_scoped3A_274 : memref<!tpu.dma_semaphore, #tpu.memory_space<semaphore_mem>>) src(%arg16 : memref<80x128xf32, #tpu.memory_space<vmem>>) dst(%dma_wait3A_280 : memref<1280x128xf32, #tpu.memory_space<vmem_shared>>)
        tpu.yield
      }) : () -> ()
    }
    %scan3A_19 = arith.constant 62 : i32
    %mul3A_20 = arith.constant 10000 : i32
    %mul3A_21 = arith.muli %add3A, %mul3A_20 : i32
    %add3A_22 = arith.constant 9920 : i32
    %add3A_23 = arith.addi %mul3A_21, %add3A_22 : i32
    %dma_wait3A = tpu.memref_slice %arg4[%add3A_23] : memref<320000xi32, #tpu.memory_space<hbm>> -> memref<80xi32, #tpu.memory_space<hbm>>
    %dma_wait3A_24 = tpu.memref_slice %arg4[%add3A_23] : memref<320000xi32, #tpu.memory_space<hbm>> -> memref<80xi32, #tpu.memory_space<hbm>>
    tpu.wait_dma2 semaphore(%arg17 : memref<!tpu.dma_semaphore, #tpu.memory_space<semaphore_mem>>) src(%dma_wait3A_24 : memref<80xi32, #tpu.memory_space<hbm>>) dst(%arg11 : memref<80xi32, #tpu.memory_space<vmem>>)
    %dma_wait3A_25 = arith.constant 0 : i32
    %dma_wait3A_26 = tpu.memref_slice %arg2[%add3A_23, %dma_wait3A_25] : memref<320000x384xf32, #tpu.memory_space<hbm>> -> memref<80x128xf32, #tpu.memory_space<hbm>>
    %dma_wait3A_27 = arith.constant 0 : i32
    %dma_wait3A_28 = tpu.memref_slice %arg2[%add3A_23, %dma_wait3A_27] : memref<320000x384xf32, #tpu.memory_space<hbm>> -> memref<80x128xf32, #tpu.memory_space<hbm>>
    tpu.wait_dma2 semaphore(%arg19 : memref<!tpu.dma_semaphore, #tpu.memory_space<semaphore_mem>>) src(%dma_wait3A_28 : memref<80x128xf32, #tpu.memory_space<hbm>>) dst(%arg14 : memref<80x128xf32, #tpu.memory_space<vmem>>)
    %mul3A_29 = arith.constant 10000 : i32
    %mul3A_30 = arith.muli %add3A, %mul3A_29 : i32
    %add3A_31 = arith.constant 9920 : i32
    %add3A_32 = arith.addi %mul3A_30, %add3A_31 : i32
    "tpu.region"() ({
      %run_scoped3A_129 = tpu.sem_alloc : memref<!tpu.dma_semaphore, #tpu.memory_space<semaphore_mem>>
      %dma_start3A_130 = arith.constant 0 : i32
      %dma_start3A_131 = tpu.memref_slice %arg3[%add3A_32, %dma_start3A_130] : memref<320000x128xf32, #tpu.memory_space<hbm>> -> memref<80x128xf32, #tpu.memory_space<hbm>>
      %dma_start3A_132 = arith.constant 0 : i32
      %dma_start3A_133 = tpu.memref_slice %arg3[%add3A_32, %dma_start3A_132] : memref<320000x128xf32, #tpu.memory_space<hbm>> -> memref<80x128xf32, #tpu.memory_space<hbm>>
      tpu.enqueue_dma source(%dma_start3A_133 : memref<80x128xf32, #tpu.memory_space<hbm>>) target(%arg16 : memref<80x128xf32, #tpu.memory_space<vmem>>) target_semaphore(%run_scoped3A_129 : memref<!tpu.dma_semaphore, #tpu.memory_space<semaphore_mem>>)
      %dma_wait3A_134 = arith.constant 0 : i32
      %dma_wait3A_135 = tpu.memref_slice %arg3[%add3A_32, %dma_wait3A_134] : memref<320000x128xf32, #tpu.memory_space<hbm>> -> memref<80x128xf32, #tpu.memory_space<hbm>>
      %dma_wait3A_136 = arith.constant 0 : i32
      %dma_wait3A_137 = tpu.memref_slice %arg3[%add3A_32, %dma_wait3A_136] : memref<320000x128xf32, #tpu.memory_space<hbm>> -> memref<80x128xf32, #tpu.memory_space<hbm>>
      tpu.wait_dma2 semaphore(%run_scoped3A_129 : memref<!tpu.dma_semaphore, #tpu.memory_space<semaphore_mem>>) src(%dma_wait3A_137 : memref<80x128xf32, #tpu.memory_space<hbm>>) dst(%arg16 : memref<80x128xf32, #tpu.memory_space<vmem>>)
      tpu.yield
    }) : () -> ()
    %get3A = arith.constant 0 : index
    %get3A_33 = tpu.vector_load %arg11[%get3A] {strides = array<i32>} : memref<80xi32, #tpu.memory_space<vmem>>, vector<16xi32>,
    %get3A_34 = vector.shape_cast %get3A_33 : vector<16xi32> to vector<16xi32>
    %div3A = arith.divsi %get3A_34, %broadcast_in_dim3A_5 : vector<16xi32>
    %swap3A = arith.constant 0 : index
    %swap3A_35 = tpu.vector_load %arg13[%swap3A] {strides = array<i32>} : memref<80xi32, #tpu.memory_space<vmem>>, vector<16xi32>,
    %swap3A_36 = vector.shape_cast %swap3A_35 : vector<16xi32> to vector<16xi32>
    %swap3A_37 = vector.shape_cast %div3A : vector<16xi32> to vector<16xi32>
    tpu.vector_store %arg13[%swap3A], %swap3A_37 {strides = array<i32>} : memref<80xi32, #tpu.memory_space<vmem>>, vector<16xi32>,
    %get3A_38 = arith.constant 16 : index
    %get3A_39 = tpu.vector_load %arg11[%get3A_38] {strides = array<i32>} : memref<80xi32, #tpu.memory_space<vmem>>, vector<16xi32>,
    %get3A_40 = vector.shape_cast %get3A_39 : vector<16xi32> to vector<16xi32>
    %div3A_41 = arith.divsi %get3A_40, %broadcast_in_dim3A_5 : vector<16xi32>
    %swap3A_42 = arith.constant 16 : index
    %swap3A_43 = tpu.vector_load %arg13[%swap3A_42] {strides = array<i32>} : memref<80xi32, #tpu.memory_space<vmem>>, vector<16xi32>,
    %swap3A_44 = vector.shape_cast %swap3A_43 : vector<16xi32> to vector<16xi32>
    %swap3A_45 = vector.shape_cast %div3A_41 : vector<16xi32> to vector<16xi32>
    tpu.vector_store %arg13[%swap3A_42], %swap3A_45 {strides = array<i32>} : memref<80xi32, #tpu.memory_space<vmem>>, vector<16xi32>,
    %get3A_46 = arith.constant 32 : index
    %get3A_47 = tpu.vector_load %arg11[%get3A_46] {strides = array<i32>} : memref<80xi32, #tpu.memory_space<vmem>>, vector<16xi32>,
    %get3A_48 = vector.shape_cast %get3A_47 : vector<16xi32> to vector<16xi32>
    %div3A_49 = arith.divsi %get3A_48, %broadcast_in_dim3A_5 : vector<16xi32>
    %swap3A_50 = arith.constant 32 : index
    %swap3A_51 = tpu.vector_load %arg13[%swap3A_50] {strides = array<i32>} : memref<80xi32, #tpu.memory_space<vmem>>, vector<16xi32>,
    %swap3A_52 = vector.shape_cast %swap3A_51 : vector<16xi32> to vector<16xi32>
    %swap3A_53 = vector.shape_cast %div3A_49 : vector<16xi32> to vector<16xi32>
    tpu.vector_store %arg13[%swap3A_50], %swap3A_53 {strides = array<i32>} : memref<80xi32, #tpu.memory_space<vmem>>, vector<16xi32>,
    %get3A_54 = arith.constant 48 : index
    %get3A_55 = tpu.vector_load %arg11[%get3A_54] {strides = array<i32>} : memref<80xi32, #tpu.memory_space<vmem>>, vector<16xi32>,
    %get3A_56 = vector.shape_cast %get3A_55 : vector<16xi32> to vector<16xi32>
    %div3A_57 = arith.divsi %get3A_56, %broadcast_in_dim3A_5 : vector<16xi32>
    %swap3A_58 = arith.constant 48 : index
    %swap3A_59 = tpu.vector_load %arg13[%swap3A_58] {strides = array<i32>} : memref<80xi32, #tpu.memory_space<vmem>>, vector<16xi32>,
    %swap3A_60 = vector.shape_cast %swap3A_59 : vector<16xi32> to vector<16xi32>
    %swap3A_61 = vector.shape_cast %div3A_57 : vector<16xi32> to vector<16xi32>
    tpu.vector_store %arg13[%swap3A_58], %swap3A_61 {strides = array<i32>} : memref<80xi32, #tpu.memory_space<vmem>>, vector<16xi32>,
    %get3A_62 = arith.constant 64 : index
    %get3A_63 = tpu.vector_load %arg11[%get3A_62] {strides = array<i32>} : memref<80xi32, #tpu.memory_space<vmem>>, vector<16xi32>,
    %get3A_64 = vector.shape_cast %get3A_63 : vector<16xi32> to vector<16xi32>
    %div3A_65 = arith.divsi %get3A_64, %broadcast_in_dim3A_5 : vector<16xi32>
    %swap3A_66 = arith.constant 64 : index
    %swap3A_67 = tpu.vector_load %arg13[%swap3A_66] {strides = array<i32>} : memref<80xi32, #tpu.memory_space<vmem>>, vector<16xi32>,
    %swap3A_68 = vector.shape_cast %swap3A_67 : vector<16xi32> to vector<16xi32>
    %swap3A_69 = vector.shape_cast %div3A_65 : vector<16xi32> to vector<16xi32>
    tpu.vector_store %arg13[%swap3A_66], %swap3A_69 {strides = array<i32>} : memref<80xi32, #tpu.memory_space<vmem>>, vector<16xi32>,
    "tpu.region"() ({
      %run_scoped3A_129 = tpu.sem_alloc : memref<!tpu.dma_semaphore, #tpu.memory_space<semaphore_mem>>
      %dma_start3A_130 = arith.constant 0 : i32
      %dma_start3A_131 = arith.constant 0 : i32
      %dma_start3A_132 = tpu.memref_slice %arg9[%dma_start3A_130, %dma_start3A_131] : memref<10240x128xf32, #tpu.memory_space<vmem_shared>> -> memref<10240x128xf32, #tpu.memory_space<vmem_shared>>
      tpu.enqueue_indirect_dma source(%arg14 : memref<80x128xf32, #tpu.memory_space<vmem>>) target(%dma_start3A_132 : memref<10240x128xf32, #tpu.memory_space<vmem_shared>>) offsets(%arg11 : memref<80xi32, #tpu.memory_space<vmem>>) semaphore(%run_scoped3A_129 : memref<!tpu.dma_semaphore, #tpu.memory_space<semaphore_mem>>) {add = true}
      %dma_wait3A_133 = arith.constant 0 : i32
      %dma_wait3A_134 = arith.constant 0 : i32
      %dma_wait3A_135 = tpu.memref_slice %arg9[%dma_wait3A_133, %dma_wait3A_134] : memref<10240x128xf32, #tpu.memory_space<vmem_shared>> -> memref<10240x128xf32, #tpu.memory_space<vmem_shared>>
      tpu.wait_indirect_dma semaphore(%run_scoped3A_129 : memref<!tpu.dma_semaphore, #tpu.memory_space<semaphore_mem>>) src(%arg14 : memref<80x128xf32, #tpu.memory_space<vmem>>) dst(%dma_wait3A_135 : memref<10240x128xf32, #tpu.memory_space<vmem_shared>>)
      tpu.yield
    }) : () -> ()
    "tpu.region"() ({
      %run_scoped3A_129 = tpu.sem_alloc : memref<!tpu.dma_semaphore, #tpu.memory_space<semaphore_mem>>
      %dma_start3A_130 = arith.constant 0 : i32
      %dma_start3A_131 = arith.constant 0 : i32
      %dma_start3A_132 = tpu.memref_slice %arg10[%dma_start3A_130, %dma_start3A_131] : memref<1280x128xf32, #tpu.memory_space<vmem_shared>> -> memref<1280x128xf32, #tpu.memory_space<vmem_shared>>
      tpu.enqueue_indirect_dma source(%arg16 : memref<80x128xf32, #tpu.memory_space<vmem>>) target(%dma_start3A_132 : memref<1280x128xf32, #tpu.memory_space<vmem_shared>>) offsets(%arg13 : memref<80xi32, #tpu.memory_space<vmem>>) semaphore(%run_scoped3A_129 : memref<!tpu.dma_semaphore, #tpu.memory_space<semaphore_mem>>) {add = true}
      %dma_wait3A_133 = arith.constant 0 : i32
      %dma_wait3A_134 = arith.constant 0 : i32
      %dma_wait3A_135 = tpu.memref_slice %arg10[%dma_wait3A_133, %dma_wait3A_134] : memref<1280x128xf32, #tpu.memory_space<vmem_shared>> -> memref<1280x128xf32, #tpu.memory_space<vmem_shared>>
      tpu.wait_indirect_dma semaphore(%run_scoped3A_129 : memref<!tpu.dma_semaphore, #tpu.memory_space<semaphore_mem>>) src(%arg16 : memref<80x128xf32, #tpu.memory_space<vmem>>) dst(%dma_wait3A_135 : memref<1280x128xf32, #tpu.memory_space<vmem_shared>>)
      tpu.yield
    }) : () -> ()
    %barrier3A_70 = arith.constant 0 : index
    tpu.barrier barrier_id(%barrier3A_70)
    %run_scoped3A = arith.constant 0 : i32
    "tpu.region"() ({
      %run_scoped3A_129 = tpu.sem_alloc : memref<!tpu.dma_semaphore, #tpu.memory_space<semaphore_mem>>
      %dma_start3A_130 = arith.constant 0 : i32
      %dma_start3A_131 = tpu.memref_slice %arg7[%arg0, %run_scoped3A, %mul3A_2, %dma_start3A_130] : memref<2x3x10240x128xf32, #tpu.memory_space<hbm>> -> memref<1x1x640x128xf32, #tpu.memory_space<hbm>>
      %dma_start3A_132 = tpu.memref_squeeze %dma_start3A_131 : memref<1x1x640x128xf32, #tpu.memory_space<hbm>> -> memref<640x128xf32, #tpu.memory_space<hbm>>
      %dma_start3A_133 = arith.constant 0 : i32
      %dma_start3A_134 = tpu.memref_slice %arg9[%mul3A_2, %dma_start3A_133] : memref<10240x128xf32, #tpu.memory_space<vmem_shared>> -> memref<640x128xf32, #tpu.memory_space<vmem_shared>>
      tpu.enqueue_dma source(%dma_start3A_134 : memref<640x128xf32, #tpu.memory_space<vmem_shared>>) target(%dma_start3A_132 : memref<640x128xf32, #tpu.memory_space<hbm>>) target_semaphore(%run_scoped3A_129 : memref<!tpu.dma_semaphore, #tpu.memory_space<semaphore_mem>>)
      %dma_wait3A_135 = arith.constant 0 : i32
      %dma_wait3A_136 = tpu.memref_slice %arg7[%arg0, %run_scoped3A, %mul3A_2, %dma_wait3A_135] : memref<2x3x10240x128xf32, #tpu.memory_space<hbm>> -> memref<1x1x640x128xf32, #tpu.memory_space<hbm>>
      %dma_wait3A_137 = tpu.memref_squeeze %dma_wait3A_136 : memref<1x1x640x128xf32, #tpu.memory_space<hbm>> -> memref<640x128xf32, #tpu.memory_space<hbm>>
      %dma_wait3A_138 = arith.constant 0 : i32
      %dma_wait3A_139 = tpu.memref_slice %arg9[%mul3A_2, %dma_wait3A_138] : memref<10240x128xf32, #tpu.memory_space<vmem_shared>> -> memref<640x128xf32, #tpu.memory_space<vmem_shared>>
      tpu.wait_dma2 semaphore(%run_scoped3A_129 : memref<!tpu.dma_semaphore, #tpu.memory_space<semaphore_mem>>) src(%dma_wait3A_139 : memref<640x128xf32, #tpu.memory_space<vmem_shared>>) dst(%dma_wait3A_137 : memref<640x128xf32, #tpu.memory_space<hbm>>)
      tpu.yield
    }) : () -> ()
    "tpu.region"() ({
      %run_scoped3A_129 = tpu.sem_alloc : memref<!tpu.dma_semaphore, #tpu.memory_space<semaphore_mem>>
      %dma_start3A_130 = arith.constant 0 : i32
      %dma_start3A_131 = tpu.memref_slice %arg9[%mul3A_2, %dma_start3A_130] : memref<10240x128xf32, #tpu.memory_space<vmem_shared>> -> memref<640x128xf32, #tpu.memory_space<vmem_shared>>
      %dma_start3A_132 = arith.constant 0 : i32
      %dma_start3A_133 = tpu.memref_slice %arg5[%mul3A_2, %dma_start3A_132] : memref<10240x128xf32, #tpu.memory_space<hbm>> -> memref<640x128xf32, #tpu.memory_space<hbm>>
      tpu.enqueue_dma source(%dma_start3A_133 : memref<640x128xf32, #tpu.memory_space<hbm>>) target(%dma_start3A_131 : memref<640x128xf32, #tpu.memory_space<vmem_shared>>) target_semaphore(%run_scoped3A_129 : memref<!tpu.dma_semaphore, #tpu.memory_space<semaphore_mem>>)
      %dma_wait3A_134 = arith.constant 0 : i32
      %dma_wait3A_135 = tpu.memref_slice %arg9[%mul3A_2, %dma_wait3A_134] : memref<10240x128xf32, #tpu.memory_space<vmem_shared>> -> memref<640x128xf32, #tpu.memory_space<vmem_shared>>
      %dma_wait3A_136 = arith.constant 0 : i32
      %dma_wait3A_137 = tpu.memref_slice %arg5[%mul3A_2, %dma_wait3A_136] : memref<10240x128xf32, #tpu.memory_space<hbm>> -> memref<640x128xf32, #tpu.memory_space<hbm>>
      tpu.wait_dma2 semaphore(%run_scoped3A_129 : memref<!tpu.dma_semaphore, #tpu.memory_space<semaphore_mem>>) src(%dma_wait3A_137 : memref<640x128xf32, #tpu.memory_space<hbm>>) dst(%dma_wait3A_135 : memref<640x128xf32, #tpu.memory_space<vmem_shared>>)
      tpu.yield
    }) : () -> ()
    %barrier3A_71 = arith.constant 0 : index
    tpu.barrier barrier_id(%barrier3A_71)
    %mul3A_72 = arith.constant 10000 : i32
    %mul3A_73 = arith.muli %add3A, %mul3A_72 : i32
    %add3A_74 = arith.constant 0 : i32
    %add3A_75 = arith.addi %mul3A_73, %add3A_74 : i32
    %dma_start3A_76 = tpu.memref_slice %arg4[%add3A_75] : memref<320000xi32, #tpu.memory_space<hbm>> -> memref<80xi32, #tpu.memory_space<hbm>>
    %dma_start3A_77 = tpu.memref_slice %arg4[%add3A_75] : memref<320000xi32, #tpu.memory_space<hbm>> -> memref<80xi32, #tpu.memory_space<hbm>>
    tpu.enqueue_dma source(%dma_start3A_77 : memref<80xi32, #tpu.memory_space<hbm>>) target(%arg11 : memref<80xi32, #tpu.memory_space<vmem>>) target_semaphore(%arg17 : memref<!tpu.dma_semaphore, #tpu.memory_space<semaphore_mem>>)
    %dma_start3A_78 = arith.constant 128 : i32
    %dma_start3A_79 = tpu.memref_slice %arg2[%add3A_75, %dma_start3A_78] : memref<320000x384xf32, #tpu.memory_space<hbm>> -> memref<80x128xf32, #tpu.memory_space<hbm>>
    %dma_start3A_80 = arith.constant 128 : i32
    %dma_start3A_81 = tpu.memref_slice %arg2[%add3A_75, %dma_start3A_80] : memref<320000x384xf32, #tpu.memory_space<hbm>> -> memref<80x128xf32, #tpu.memory_space<hbm>>
    tpu.enqueue_dma source(%dma_start3A_81 : memref<80x128xf32, #tpu.memory_space<hbm>>) target(%arg14 : memref<80x128xf32, #tpu.memory_space<vmem>>) target_semaphore(%arg19 : memref<!tpu.dma_semaphore, #tpu.memory_space<semaphore_mem>>)
    %scan3A_82 = arith.constant 0 : i32
    %scan3A_83 = arith.constant 0 : i32
    %scan3A_84 = arith.constant 62 : i32
    %scan3A_85 = arith.addi %scan3A_83, %scan3A_84 : i32
    %scan3A_86 = arith.constant 1 : i32
    scf.for %scan3A_129 = %scan3A_83 to %scan3A_85 step %scan3A_86  : i32 {
      %mul3A_130 = arith.constant 2 : i32
      %mul3A_131 = arith.muli %mul3A_130, %scan3A_129 : i32
      %add3A_132 = arith.constant 1 : i32
      %add3A_133 = arith.addi %mul3A_131, %add3A_132 : i32
      %mul3A_134 = arith.constant 10000 : i32
      %mul3A_135 = arith.muli %add3A, %mul3A_134 : i32
      %mul3A_136 = arith.constant 80 : i32
      %mul3A_137 = arith.muli %add3A_133, %mul3A_136 : i32
      %add3A_138 = arith.addi %mul3A_135, %mul3A_137 : i32
      %dma_start3A_139 = tpu.memref_slice %arg4[%add3A_138] : memref<320000xi32, #tpu.memory_space<hbm>> -> memref<80xi32, #tpu.memory_space<hbm>>
      %dma_start3A_140 = tpu.memref_slice %arg4[%add3A_138] : memref<320000xi32, #tpu.memory_space<hbm>> -> memref<80xi32, #tpu.memory_space<hbm>>
      tpu.enqueue_dma source(%dma_start3A_140 : memref<80xi32, #tpu.memory_space<hbm>>) target(%arg12 : memref<80xi32, #tpu.memory_space<vmem>>) target_semaphore(%arg18 : memref<!tpu.dma_semaphore, #tpu.memory_space<semaphore_mem>>)
      %dma_start3A_141 = arith.constant 128 : i32
      %dma_start3A_142 = tpu.memref_slice %arg2[%add3A_138, %dma_start3A_141] : memref<320000x384xf32, #tpu.memory_space<hbm>> -> memref<80x128xf32, #tpu.memory_space<hbm>>
      %dma_start3A_143 = arith.constant 128 : i32
      %dma_start3A_144 = tpu.memref_slice %arg2[%add3A_138, %dma_start3A_143] : memref<320000x384xf32, #tpu.memory_space<hbm>> -> memref<80x128xf32, #tpu.memory_space<hbm>>
      tpu.enqueue_dma source(%dma_start3A_144 : memref<80x128xf32, #tpu.memory_space<hbm>>) target(%arg15 : memref<80x128xf32, #tpu.memory_space<vmem>>) target_semaphore(%arg20 : memref<!tpu.dma_semaphore, #tpu.memory_space<semaphore_mem>>)
      %mul3A_145 = arith.constant 10000 : i32
      %mul3A_146 = arith.muli %add3A, %mul3A_145 : i32
      %mul3A_147 = arith.constant 80 : i32
      %mul3A_148 = arith.muli %mul3A_131, %mul3A_147 : i32
      %add3A_149 = arith.addi %mul3A_146, %mul3A_148 : i32
      %dma_wait3A_150 = tpu.memref_slice %arg4[%add3A_149] : memref<320000xi32, #tpu.memory_space<hbm>> -> memref<80xi32, #tpu.memory_space<hbm>>
      %dma_wait3A_151 = tpu.memref_slice %arg4[%add3A_149] : memref<320000xi32, #tpu.memory_space<hbm>> -> memref<80xi32, #tpu.memory_space<hbm>>
      tpu.wait_dma2 semaphore(%arg17 : memref<!tpu.dma_semaphore, #tpu.memory_space<semaphore_mem>>) src(%dma_wait3A_151 : memref<80xi32, #tpu.memory_space<hbm>>) dst(%arg11 : memref<80xi32, #tpu.memory_space<vmem>>)
      %dma_wait3A_152 = arith.constant 128 : i32
      %dma_wait3A_153 = tpu.memref_slice %arg2[%add3A_149, %dma_wait3A_152] : memref<320000x384xf32, #tpu.memory_space<hbm>> -> memref<80x128xf32, #tpu.memory_space<hbm>>
      %dma_wait3A_154 = arith.constant 128 : i32
      %dma_wait3A_155 = tpu.memref_slice %arg2[%add3A_149, %dma_wait3A_154] : memref<320000x384xf32, #tpu.memory_space<hbm>> -> memref<80x128xf32, #tpu.memory_space<hbm>>
      tpu.wait_dma2 semaphore(%arg19 : memref<!tpu.dma_semaphore, #tpu.memory_space<semaphore_mem>>) src(%dma_wait3A_155 : memref<80x128xf32, #tpu.memory_space<hbm>>) dst(%arg14 : memref<80x128xf32, #tpu.memory_space<vmem>>)
      "tpu.region"() ({
        %run_scoped3A_184 = tpu.sem_alloc : memref<!tpu.dma_semaphore, #tpu.memory_space<semaphore_mem>>
        %dma_start3A_185 = arith.constant 0 : i32
        %dma_start3A_186 = arith.constant 0 : i32
        %dma_start3A_187 = tpu.memref_slice %arg9[%dma_start3A_185, %dma_start3A_186] : memref<10240x128xf32, #tpu.memory_space<vmem_shared>> -> memref<10240x128xf32, #tpu.memory_space<vmem_shared>>
        tpu.enqueue_indirect_dma source(%arg14 : memref<80x128xf32, #tpu.memory_space<vmem>>) target(%dma_start3A_187 : memref<10240x128xf32, #tpu.memory_space<vmem_shared>>) offsets(%arg11 : memref<80xi32, #tpu.memory_space<vmem>>) semaphore(%run_scoped3A_184 : memref<!tpu.dma_semaphore, #tpu.memory_space<semaphore_mem>>) {add = true}
        %dma_wait3A_188 = arith.constant 0 : i32
        %dma_wait3A_189 = arith.constant 0 : i32
        %dma_wait3A_190 = tpu.memref_slice %arg9[%dma_wait3A_188, %dma_wait3A_189] : memref<10240x128xf32, #tpu.memory_space<vmem_shared>> -> memref<10240x128xf32, #tpu.memory_space<vmem_shared>>
        tpu.wait_indirect_dma semaphore(%run_scoped3A_184 : memref<!tpu.dma_semaphore, #tpu.memory_space<semaphore_mem>>) src(%arg14 : memref<80x128xf32, #tpu.memory_space<vmem>>) dst(%dma_wait3A_190 : memref<10240x128xf32, #tpu.memory_space<vmem_shared>>)
        tpu.yield
      }) : () -> ()
      %add3A_156 = arith.constant 2 : i32
      %add3A_157 = arith.addi %mul3A_131, %add3A_156 : i32
      %mul3A_158 = arith.constant 10000 : i32
      %mul3A_159 = arith.muli %add3A, %mul3A_158 : i32
      %mul3A_160 = arith.constant 80 : i32
      %mul3A_161 = arith.muli %add3A_157, %mul3A_160 : i32
      %add3A_162 = arith.addi %mul3A_159, %mul3A_161 : i32
      %dma_start3A_163 = tpu.memref_slice %arg4[%add3A_162] : memref<320000xi32, #tpu.memory_space<hbm>> -> memref<80xi32, #tpu.memory_space<hbm>>
      %dma_start3A_164 = tpu.memref_slice %arg4[%add3A_162] : memref<320000xi32, #tpu.memory_space<hbm>> -> memref<80xi32, #tpu.memory_space<hbm>>
      tpu.enqueue_dma source(%dma_start3A_164 : memref<80xi32, #tpu.memory_space<hbm>>) target(%arg11 : memref<80xi32, #tpu.memory_space<vmem>>) target_semaphore(%arg17 : memref<!tpu.dma_semaphore, #tpu.memory_space<semaphore_mem>>)
      %dma_start3A_165 = arith.constant 128 : i32
      %dma_start3A_166 = tpu.memref_slice %arg2[%add3A_162, %dma_start3A_165] : memref<320000x384xf32, #tpu.memory_space<hbm>> -> memref<80x128xf32, #tpu.memory_space<hbm>>
      %dma_start3A_167 = arith.constant 128 : i32
      %dma_start3A_168 = tpu.memref_slice %arg2[%add3A_162, %dma_start3A_167] : memref<320000x384xf32, #tpu.memory_space<hbm>> -> memref<80x128xf32, #tpu.memory_space<hbm>>
      tpu.enqueue_dma source(%dma_start3A_168 : memref<80x128xf32, #tpu.memory_space<hbm>>) target(%arg14 : memref<80x128xf32, #tpu.memory_space<vmem>>) target_semaphore(%arg19 : memref<!tpu.dma_semaphore, #tpu.memory_space<semaphore_mem>>)
      %add3A_169 = arith.constant 1 : i32
      %add3A_170 = arith.addi %mul3A_131, %add3A_169 : i32
      %mul3A_171 = arith.constant 10000 : i32
      %mul3A_172 = arith.muli %add3A, %mul3A_171 : i32
      %mul3A_173 = arith.constant 80 : i32
      %mul3A_174 = arith.muli %add3A_170, %mul3A_173 : i32
      %add3A_175 = arith.addi %mul3A_172, %mul3A_174 : i32
      %dma_wait3A_176 = tpu.memref_slice %arg4[%add3A_175] : memref<320000xi32, #tpu.memory_space<hbm>> -> memref<80xi32, #tpu.memory_space<hbm>>
      %dma_wait3A_177 = tpu.memref_slice %arg4[%add3A_175] : memref<320000xi32, #tpu.memory_space<hbm>> -> memref<80xi32, #tpu.memory_space<hbm>>
      tpu.wait_dma2 semaphore(%arg18 : memref<!tpu.dma_semaphore, #tpu.memory_space<semaphore_mem>>) src(%dma_wait3A_177 : memref<80xi32, #tpu.memory_space<hbm>>) dst(%arg12 : memref<80xi32, #tpu.memory_space<vmem>>)
      %dma_wait3A_178 = arith.constant 128 : i32
      %dma_wait3A_179 = tpu.memref_slice %arg2[%add3A_175, %dma_wait3A_178] : memref<320000x384xf32, #tpu.memory_space<hbm>> -> memref<80x128xf32, #tpu.memory_space<hbm>>
      %dma_wait3A_180 = arith.constant 128 : i32
      %dma_wait3A_181 = tpu.memref_slice %arg2[%add3A_175, %dma_wait3A_180] : memref<320000x384xf32, #tpu.memory_space<hbm>> -> memref<80x128xf32, #tpu.memory_space<hbm>>
      tpu.wait_dma2 semaphore(%arg20 : memref<!tpu.dma_semaphore, #tpu.memory_space<semaphore_mem>>) src(%dma_wait3A_181 : memref<80x128xf32, #tpu.memory_space<hbm>>) dst(%arg15 : memref<80x128xf32, #tpu.memory_space<vmem>>)
      %add3A_182 = arith.constant 1 : i32
      %add3A_183 = arith.addi %mul3A_131, %add3A_182 : i32
      "tpu.region"() ({
        %run_scoped3A_184 = tpu.sem_alloc : memref<!tpu.dma_semaphore, #tpu.memory_space<semaphore_mem>>
        %dma_start3A_185 = arith.constant 0 : i32
        %dma_start3A_186 = arith.constant 0 : i32
        %dma_start3A_187 = tpu.memref_slice %arg9[%dma_start3A_185, %dma_start3A_186] : memref<10240x128xf32, #tpu.memory_space<vmem_shared>> -> memref<10240x128xf32, #tpu.memory_space<vmem_shared>>
        tpu.enqueue_indirect_dma source(%arg15 : memref<80x128xf32, #tpu.memory_space<vmem>>) target(%dma_start3A_187 : memref<10240x128xf32, #tpu.memory_space<vmem_shared>>) offsets(%arg12 : memref<80xi32, #tpu.memory_space<vmem>>) semaphore(%run_scoped3A_184 : memref<!tpu.dma_semaphore, #tpu.memory_space<semaphore_mem>>) {add = true}
        %dma_wait3A_188 = arith.constant 0 : i32
        %dma_wait3A_189 = arith.constant 0 : i32
        %dma_wait3A_190 = tpu.memref_slice %arg9[%dma_wait3A_188, %dma_wait3A_189] : memref<10240x128xf32, #tpu.memory_space<vmem_shared>> -> memref<10240x128xf32, #tpu.memory_space<vmem_shared>>
        tpu.wait_indirect_dma semaphore(%run_scoped3A_184 : memref<!tpu.dma_semaphore, #tpu.memory_space<semaphore_mem>>) src(%arg15 : memref<80x128xf32, #tpu.memory_space<vmem>>) dst(%dma_wait3A_190 : memref<10240x128xf32, #tpu.memory_space<vmem_shared>>)
        tpu.yield
      }) : () -> ()
    }
    %scan3A_87 = arith.constant 62 : i32
    %mul3A_88 = arith.constant 10000 : i32
    %mul3A_89 = arith.muli %add3A, %mul3A_88 : i32
    %add3A_90 = arith.constant 9920 : i32
    %add3A_91 = arith.addi %mul3A_89, %add3A_90 : i32
    %dma_wait3A_92 = tpu.memref_slice %arg4[%add3A_91] : memref<320000xi32, #tpu.memory_space<hbm>> -> memref<80xi32, #tpu.memory_space<hbm>>
    %dma_wait3A_93 = tpu.memref_slice %arg4[%add3A_91] : memref<320000xi32, #tpu.memory_space<hbm>> -> memref<80xi32, #tpu.memory_space<hbm>>
    tpu.wait_dma2 semaphore(%arg17 : memref<!tpu.dma_semaphore, #tpu.memory_space<semaphore_mem>>) src(%dma_wait3A_93 : memref<80xi32, #tpu.memory_space<hbm>>) dst(%arg11 : memref<80xi32, #tpu.memory_space<vmem>>)
    %dma_wait3A_94 = arith.constant 128 : i32
    %dma_wait3A_95 = tpu.memref_slice %arg2[%add3A_91, %dma_wait3A_94] : memref<320000x384xf32, #tpu.memory_space<hbm>> -> memref<80x128xf32, #tpu.memory_space<hbm>>
    %dma_wait3A_96 = arith.constant 128 : i32
    %dma_wait3A_97 = tpu.memref_slice %arg2[%add3A_91, %dma_wait3A_96] : memref<320000x384xf32, #tpu.memory_space<hbm>> -> memref<80x128xf32, #tpu.memory_space<hbm>>
    tpu.wait_dma2 semaphore(%arg19 : memref<!tpu.dma_semaphore, #tpu.memory_space<semaphore_mem>>) src(%dma_wait3A_97 : memref<80x128xf32, #tpu.memory_space<hbm>>) dst(%arg14 : memref<80x128xf32, #tpu.memory_space<vmem>>)
    "tpu.region"() ({
      %run_scoped3A_129 = tpu.sem_alloc : memref<!tpu.dma_semaphore, #tpu.memory_space<semaphore_mem>>
      %dma_start3A_130 = arith.constant 0 : i32
      %dma_start3A_131 = arith.constant 0 : i32
      %dma_start3A_132 = tpu.memref_slice %arg9[%dma_start3A_130, %dma_start3A_131] : memref<10240x128xf32, #tpu.memory_space<vmem_shared>> -> memref<10240x128xf32, #tpu.memory_space<vmem_shared>>
      tpu.enqueue_indirect_dma source(%arg14 : memref<80x128xf32, #tpu.memory_space<vmem>>) target(%dma_start3A_132 : memref<10240x128xf32, #tpu.memory_space<vmem_shared>>) offsets(%arg11 : memref<80xi32, #tpu.memory_space<vmem>>) semaphore(%run_scoped3A_129 : memref<!tpu.dma_semaphore, #tpu.memory_space<semaphore_mem>>) {add = true}
      %dma_wait3A_133 = arith.constant 0 : i32
      %dma_wait3A_134 = arith.constant 0 : i32
      %dma_wait3A_135 = tpu.memref_slice %arg9[%dma_wait3A_133, %dma_wait3A_134] : memref<10240x128xf32, #tpu.memory_space<vmem_shared>> -> memref<10240x128xf32, #tpu.memory_space<vmem_shared>>
      tpu.wait_indirect_dma semaphore(%run_scoped3A_129 : memref<!tpu.dma_semaphore, #tpu.memory_space<semaphore_mem>>) src(%arg14 : memref<80x128xf32, #tpu.memory_space<vmem>>) dst(%dma_wait3A_135 : memref<10240x128xf32, #tpu.memory_space<vmem_shared>>)
      tpu.yield
    }) : () -> ()
    %barrier3A_98 = arith.constant 0 : index
    tpu.barrier barrier_id(%barrier3A_98)
    %run_scoped3A_99 = arith.constant 1 : i32
    "tpu.region"() ({
      %run_scoped3A_129 = tpu.sem_alloc : memref<!tpu.dma_semaphore, #tpu.memory_space<semaphore_mem>>
      %dma_start3A_130 = arith.constant 0 : i32
      %dma_start3A_131 = tpu.memref_slice %arg7[%arg0, %run_scoped3A_99, %mul3A_2, %dma_start3A_130] : memref<2x3x10240x128xf32, #tpu.memory_space<hbm>> -> memref<1x1x640x128xf32, #tpu.memory_space<hbm>>
      %dma_start3A_132 = tpu.memref_squeeze %dma_start3A_131 : memref<1x1x640x128xf32, #tpu.memory_space<hbm>> -> memref<640x128xf32, #tpu.memory_space<hbm>>
      %dma_start3A_133 = arith.constant 0 : i32
      %dma_start3A_134 = tpu.memref_slice %arg9[%mul3A_2, %dma_start3A_133] : memref<10240x128xf32, #tpu.memory_space<vmem_shared>> -> memref<640x128xf32, #tpu.memory_space<vmem_shared>>
      tpu.enqueue_dma source(%dma_start3A_134 : memref<640x128xf32, #tpu.memory_space<vmem_shared>>) target(%dma_start3A_132 : memref<640x128xf32, #tpu.memory_space<hbm>>) target_semaphore(%run_scoped3A_129 : memref<!tpu.dma_semaphore, #tpu.memory_space<semaphore_mem>>)
      %dma_wait3A_135 = arith.constant 0 : i32
      %dma_wait3A_136 = tpu.memref_slice %arg7[%arg0, %run_scoped3A_99, %mul3A_2, %dma_wait3A_135] : memref<2x3x10240x128xf32, #tpu.memory_space<hbm>> -> memref<1x1x640x128xf32, #tpu.memory_space<hbm>>
      %dma_wait3A_137 = tpu.memref_squeeze %dma_wait3A_136 : memref<1x1x640x128xf32, #tpu.memory_space<hbm>> -> memref<640x128xf32, #tpu.memory_space<hbm>>
      %dma_wait3A_138 = arith.constant 0 : i32
      %dma_wait3A_139 = tpu.memref_slice %arg9[%mul3A_2, %dma_wait3A_138] : memref<10240x128xf32, #tpu.memory_space<vmem_shared>> -> memref<640x128xf32, #tpu.memory_space<vmem_shared>>
      tpu.wait_dma2 semaphore(%run_scoped3A_129 : memref<!tpu.dma_semaphore, #tpu.memory_space<semaphore_mem>>) src(%dma_wait3A_139 : memref<640x128xf32, #tpu.memory_space<vmem_shared>>) dst(%dma_wait3A_137 : memref<640x128xf32, #tpu.memory_space<hbm>>)
      tpu.yield
    }) : () -> ()
    "tpu.region"() ({
      %run_scoped3A_129 = tpu.sem_alloc : memref<!tpu.dma_semaphore, #tpu.memory_space<semaphore_mem>>
      %dma_start3A_130 = arith.constant 0 : i32
      %dma_start3A_131 = tpu.memref_slice %arg9[%mul3A_2, %dma_start3A_130] : memref<10240x128xf32, #tpu.memory_space<vmem_shared>> -> memref<640x128xf32, #tpu.memory_space<vmem_shared>>
      %dma_start3A_132 = arith.constant 0 : i32
      %dma_start3A_133 = tpu.memref_slice %arg5[%mul3A_2, %dma_start3A_132] : memref<10240x128xf32, #tpu.memory_space<hbm>> -> memref<640x128xf32, #tpu.memory_space<hbm>>
      tpu.enqueue_dma source(%dma_start3A_133 : memref<640x128xf32, #tpu.memory_space<hbm>>) target(%dma_start3A_131 : memref<640x128xf32, #tpu.memory_space<vmem_shared>>) target_semaphore(%run_scoped3A_129 : memref<!tpu.dma_semaphore, #tpu.memory_space<semaphore_mem>>)
      %dma_wait3A_134 = arith.constant 0 : i32
      %dma_wait3A_135 = tpu.memref_slice %arg9[%mul3A_2, %dma_wait3A_134] : memref<10240x128xf32, #tpu.memory_space<vmem_shared>> -> memref<640x128xf32, #tpu.memory_space<vmem_shared>>
      %dma_wait3A_136 = arith.constant 0 : i32
      %dma_wait3A_137 = tpu.memref_slice %arg5[%mul3A_2, %dma_wait3A_136] : memref<10240x128xf32, #tpu.memory_space<hbm>> -> memref<640x128xf32, #tpu.memory_space<hbm>>
      tpu.wait_dma2 semaphore(%run_scoped3A_129 : memref<!tpu.dma_semaphore, #tpu.memory_space<semaphore_mem>>) src(%dma_wait3A_137 : memref<640x128xf32, #tpu.memory_space<hbm>>) dst(%dma_wait3A_135 : memref<640x128xf32, #tpu.memory_space<vmem_shared>>)
      tpu.yield
    }) : () -> ()
    %barrier3A_100 = arith.constant 0 : index
    tpu.barrier barrier_id(%barrier3A_100)
    %mul3A_101 = arith.constant 10000 : i32
    %mul3A_102 = arith.muli %add3A, %mul3A_101 : i32
    %add3A_103 = arith.constant 0 : i32
    %add3A_104 = arith.addi %mul3A_102, %add3A_103 : i32
    %dma_start3A_105 = tpu.memref_slice %arg4[%add3A_104] : memref<320000xi32, #tpu.memory_space<hbm>> -> memref<80xi32, #tpu.memory_space<hbm>>
    %dma_start3A_106 = tpu.memref_slice %arg4[%add3A_104] : memref<320000xi32, #tpu.memory_space<hbm>> -> memref<80xi32, #tpu.memory_space<hbm>>
    tpu.enqueue_dma source(%dma_start3A_106 : memref<80xi32, #tpu.memory_space<hbm>>) target(%arg11 : memref<80xi32, #tpu.memory_space<vmem>>) target_semaphore(%arg17 : memref<!tpu.dma_semaphore, #tpu.memory_space<semaphore_mem>>)
    %dma_start3A_107 = arith.constant 256 : i32
    %dma_start3A_108 = tpu.memref_slice %arg2[%add3A_104, %dma_start3A_107] : memref<320000x384xf32, #tpu.memory_space<hbm>> -> memref<80x128xf32, #tpu.memory_space<hbm>>
    %dma_start3A_109 = arith.constant 256 : i32
    %dma_start3A_110 = tpu.memref_slice %arg2[%add3A_104, %dma_start3A_109] : memref<320000x384xf32, #tpu.memory_space<hbm>> -> memref<80x128xf32, #tpu.memory_space<hbm>>
    tpu.enqueue_dma source(%dma_start3A_110 : memref<80x128xf32, #tpu.memory_space<hbm>>) target(%arg14 : memref<80x128xf32, #tpu.memory_space<vmem>>) target_semaphore(%arg19 : memref<!tpu.dma_semaphore, #tpu.memory_space<semaphore_mem>>)
    %scan3A_111 = arith.constant 0 : i32
    %scan3A_112 = arith.constant 0 : i32
    %scan3A_113 = arith.constant 62 : i32
    %scan3A_114 = arith.addi %scan3A_112, %scan3A_113 : i32
    %scan3A_115 = arith.constant 1 : i32
    scf.for %scan3A_129 = %scan3A_112 to %scan3A_114 step %scan3A_115  : i32 {
      %mul3A_130 = arith.constant 2 : i32
      %mul3A_131 = arith.muli %mul3A_130, %scan3A_129 : i32
      %add3A_132 = arith.constant 1 : i32
      %add3A_133 = arith.addi %mul3A_131, %add3A_132 : i32
      %mul3A_134 = arith.constant 10000 : i32
      %mul3A_135 = arith.muli %add3A, %mul3A_134 : i32
      %mul3A_136 = arith.constant 80 : i32
      %mul3A_137 = arith.muli %add3A_133, %mul3A_136 : i32
      %add3A_138 = arith.addi %mul3A_135, %mul3A_137 : i32
      %dma_start3A_139 = tpu.memref_slice %arg4[%add3A_138] : memref<320000xi32, #tpu.memory_space<hbm>> -> memref<80xi32, #tpu.memory_space<hbm>>
      %dma_start3A_140 = tpu.memref_slice %arg4[%add3A_138] : memref<320000xi32, #tpu.memory_space<hbm>> -> memref<80xi32, #tpu.memory_space<hbm>>
      tpu.enqueue_dma source(%dma_start3A_140 : memref<80xi32, #tpu.memory_space<hbm>>) target(%arg12 : memref<80xi32, #tpu.memory_space<vmem>>) target_semaphore(%arg18 : memref<!tpu.dma_semaphore, #tpu.memory_space<semaphore_mem>>)
      %dma_start3A_141 = arith.constant 256 : i32
      %dma_start3A_142 = tpu.memref_slice %arg2[%add3A_138, %dma_start3A_141] : memref<320000x384xf32, #tpu.memory_space<hbm>> -> memref<80x128xf32, #tpu.memory_space<hbm>>
      %dma_start3A_143 = arith.constant 256 : i32
      %dma_start3A_144 = tpu.memref_slice %arg2[%add3A_138, %dma_start3A_143] : memref<320000x384xf32, #tpu.memory_space<hbm>> -> memref<80x128xf32, #tpu.memory_space<hbm>>
      tpu.enqueue_dma source(%dma_start3A_144 : memref<80x128xf32, #tpu.memory_space<hbm>>) target(%arg15 : memref<80x128xf32, #tpu.memory_space<vmem>>) target_semaphore(%arg20 : memref<!tpu.dma_semaphore, #tpu.memory_space<semaphore_mem>>)
      %mul3A_145 = arith.constant 10000 : i32
      %mul3A_146 = arith.muli %add3A, %mul3A_145 : i32
      %mul3A_147 = arith.constant 80 : i32
      %mul3A_148 = arith.muli %mul3A_131, %mul3A_147 : i32
      %add3A_149 = arith.addi %mul3A_146, %mul3A_148 : i32
      %dma_wait3A_150 = tpu.memref_slice %arg4[%add3A_149] : memref<320000xi32, #tpu.memory_space<hbm>> -> memref<80xi32, #tpu.memory_space<hbm>>
      %dma_wait3A_151 = tpu.memref_slice %arg4[%add3A_149] : memref<320000xi32, #tpu.memory_space<hbm>> -> memref<80xi32, #tpu.memory_space<hbm>>
      tpu.wait_dma2 semaphore(%arg17 : memref<!tpu.dma_semaphore, #tpu.memory_space<semaphore_mem>>) src(%dma_wait3A_151 : memref<80xi32, #tpu.memory_space<hbm>>) dst(%arg11 : memref<80xi32, #tpu.memory_space<vmem>>)
      %dma_wait3A_152 = arith.constant 256 : i32
      %dma_wait3A_153 = tpu.memref_slice %arg2[%add3A_149, %dma_wait3A_152] : memref<320000x384xf32, #tpu.memory_space<hbm>> -> memref<80x128xf32, #tpu.memory_space<hbm>>
      %dma_wait3A_154 = arith.constant 256 : i32
      %dma_wait3A_155 = tpu.memref_slice %arg2[%add3A_149, %dma_wait3A_154] : memref<320000x384xf32, #tpu.memory_space<hbm>> -> memref<80x128xf32, #tpu.memory_space<hbm>>
      tpu.wait_dma2 semaphore(%arg19 : memref<!tpu.dma_semaphore, #tpu.memory_space<semaphore_mem>>) src(%dma_wait3A_155 : memref<80x128xf32, #tpu.memory_space<hbm>>) dst(%arg14 : memref<80x128xf32, #tpu.memory_space<vmem>>)
      "tpu.region"() ({
        %run_scoped3A_184 = tpu.sem_alloc : memref<!tpu.dma_semaphore, #tpu.memory_space<semaphore_mem>>
        %dma_start3A_185 = arith.constant 0 : i32
        %dma_start3A_186 = arith.constant 0 : i32
        %dma_start3A_187 = tpu.memref_slice %arg9[%dma_start3A_185, %dma_start3A_186] : memref<10240x128xf32, #tpu.memory_space<vmem_shared>> -> memref<10240x128xf32, #tpu.memory_space<vmem_shared>>
        tpu.enqueue_indirect_dma source(%arg14 : memref<80x128xf32, #tpu.memory_space<vmem>>) target(%dma_start3A_187 : memref<10240x128xf32, #tpu.memory_space<vmem_shared>>) offsets(%arg11 : memref<80xi32, #tpu.memory_space<vmem>>) semaphore(%run_scoped3A_184 : memref<!tpu.dma_semaphore, #tpu.memory_space<semaphore_mem>>) {add = true}
        %dma_wait3A_188 = arith.constant 0 : i32
        %dma_wait3A_189 = arith.constant 0 : i32
        %dma_wait3A_190 = tpu.memref_slice %arg9[%dma_wait3A_188, %dma_wait3A_189] : memref<10240x128xf32, #tpu.memory_space<vmem_shared>> -> memref<10240x128xf32, #tpu.memory_space<vmem_shared>>
        tpu.wait_indirect_dma semaphore(%run_scoped3A_184 : memref<!tpu.dma_semaphore, #tpu.memory_space<semaphore_mem>>) src(%arg14 : memref<80x128xf32, #tpu.memory_space<vmem>>) dst(%dma_wait3A_190 : memref<10240x128xf32, #tpu.memory_space<vmem_shared>>)
        tpu.yield
      }) : () -> ()
      %add3A_156 = arith.constant 2 : i32
      %add3A_157 = arith.addi %mul3A_131, %add3A_156 : i32
      %mul3A_158 = arith.constant 10000 : i32
      %mul3A_159 = arith.muli %add3A, %mul3A_158 : i32
      %mul3A_160 = arith.constant 80 : i32
      %mul3A_161 = arith.muli %add3A_157, %mul3A_160 : i32
      %add3A_162 = arith.addi %mul3A_159, %mul3A_161 : i32
      %dma_start3A_163 = tpu.memref_slice %arg4[%add3A_162] : memref<320000xi32, #tpu.memory_space<hbm>> -> memref<80xi32, #tpu.memory_space<hbm>>
      %dma_start3A_164 = tpu.memref_slice %arg4[%add3A_162] : memref<320000xi32, #tpu.memory_space<hbm>> -> memref<80xi32, #tpu.memory_space<hbm>>
      tpu.enqueue_dma source(%dma_start3A_164 : memref<80xi32, #tpu.memory_space<hbm>>) target(%arg11 : memref<80xi32, #tpu.memory_space<vmem>>) target_semaphore(%arg17 : memref<!tpu.dma_semaphore, #tpu.memory_space<semaphore_mem>>)
      %dma_start3A_165 = arith.constant 256 : i32
      %dma_start3A_166 = tpu.memref_slice %arg2[%add3A_162, %dma_start3A_165] : memref<320000x384xf32, #tpu.memory_space<hbm>> -> memref<80x128xf32, #tpu.memory_space<hbm>>
      %dma_start3A_167 = arith.constant 256 : i32
      %dma_start3A_168 = tpu.memref_slice %arg2[%add3A_162, %dma_start3A_167] : memref<320000x384xf32, #tpu.memory_space<hbm>> -> memref<80x128xf32, #tpu.memory_space<hbm>>
      tpu.enqueue_dma source(%dma_start3A_168 : memref<80x128xf32, #tpu.memory_space<hbm>>) target(%arg14 : memref<80x128xf32, #tpu.memory_space<vmem>>) target_semaphore(%arg19 : memref<!tpu.dma_semaphore, #tpu.memory_space<semaphore_mem>>)
      %add3A_169 = arith.constant 1 : i32
      %add3A_170 = arith.addi %mul3A_131, %add3A_169 : i32
      %mul3A_171 = arith.constant 10000 : i32
      %mul3A_172 = arith.muli %add3A, %mul3A_171 : i32
      %mul3A_173 = arith.constant 80 : i32
      %mul3A_174 = arith.muli %add3A_170, %mul3A_173 : i32
      %add3A_175 = arith.addi %mul3A_172, %mul3A_174 : i32
      %dma_wait3A_176 = tpu.memref_slice %arg4[%add3A_175] : memref<320000xi32, #tpu.memory_space<hbm>> -> memref<80xi32, #tpu.memory_space<hbm>>
      %dma_wait3A_177 = tpu.memref_slice %arg4[%add3A_175] : memref<320000xi32, #tpu.memory_space<hbm>> -> memref<80xi32, #tpu.memory_space<hbm>>
      tpu.wait_dma2 semaphore(%arg18 : memref<!tpu.dma_semaphore, #tpu.memory_space<semaphore_mem>>) src(%dma_wait3A_177 : memref<80xi32, #tpu.memory_space<hbm>>) dst(%arg12 : memref<80xi32, #tpu.memory_space<vmem>>)
      %dma_wait3A_178 = arith.constant 256 : i32
      %dma_wait3A_179 = tpu.memref_slice %arg2[%add3A_175, %dma_wait3A_178] : memref<320000x384xf32, #tpu.memory_space<hbm>> -> memref<80x128xf32, #tpu.memory_space<hbm>>
      %dma_wait3A_180 = arith.constant 256 : i32
      %dma_wait3A_181 = tpu.memref_slice %arg2[%add3A_175, %dma_wait3A_180] : memref<320000x384xf32, #tpu.memory_space<hbm>> -> memref<80x128xf32, #tpu.memory_space<hbm>>
      tpu.wait_dma2 semaphore(%arg20 : memref<!tpu.dma_semaphore, #tpu.memory_space<semaphore_mem>>) src(%dma_wait3A_181 : memref<80x128xf32, #tpu.memory_space<hbm>>) dst(%arg15 : memref<80x128xf32, #tpu.memory_space<vmem>>)
      %add3A_182 = arith.constant 1 : i32
      %add3A_183 = arith.addi %mul3A_131, %add3A_182 : i32
      "tpu.region"() ({
        %run_scoped3A_184 = tpu.sem_alloc : memref<!tpu.dma_semaphore, #tpu.memory_space<semaphore_mem>>
        %dma_start3A_185 = arith.constant 0 : i32
        %dma_start3A_186 = arith.constant 0 : i32
        %dma_start3A_187 = tpu.memref_slice %arg9[%dma_start3A_185, %dma_start3A_186] : memref<10240x128xf32, #tpu.memory_space<vmem_shared>> -> memref<10240x128xf32, #tpu.memory_space<vmem_shared>>
        tpu.enqueue_indirect_dma source(%arg15 : memref<80x128xf32, #tpu.memory_space<vmem>>) target(%dma_start3A_187 : memref<10240x128xf32, #tpu.memory_space<vmem_shared>>) offsets(%arg12 : memref<80xi32, #tpu.memory_space<vmem>>) semaphore(%run_scoped3A_184 : memref<!tpu.dma_semaphore, #tpu.memory_space<semaphore_mem>>) {add = true}
        %dma_wait3A_188 = arith.constant 0 : i32
        %dma_wait3A_189 = arith.constant 0 : i32
        %dma_wait3A_190 = tpu.memref_slice %arg9[%dma_wait3A_188, %dma_wait3A_189] : memref<10240x128xf32, #tpu.memory_space<vmem_shared>> -> memref<10240x128xf32, #tpu.memory_space<vmem_shared>>
        tpu.wait_indirect_dma semaphore(%run_scoped3A_184 : memref<!tpu.dma_semaphore, #tpu.memory_space<semaphore_mem>>) src(%arg15 : memref<80x128xf32, #tpu.memory_space<vmem>>) dst(%dma_wait3A_190 : memref<10240x128xf32, #tpu.memory_space<vmem_shared>>)
        tpu.yield
      }) : () -> ()
    }
    %scan3A_116 = arith.constant 62 : i32
    %mul3A_117 = arith.constant 10000 : i32
    %mul3A_118 = arith.muli %add3A, %mul3A_117 : i32
    %add3A_119 = arith.constant 9920 : i32
    %add3A_120 = arith.addi %mul3A_118, %add3A_119 : i32
    %dma_wait3A_121 = tpu.memref_slice %arg4[%add3A_120] : memref<320000xi32, #tpu.memory_space<hbm>> -> memref<80xi32, #tpu.memory_space<hbm>>
    %dma_wait3A_122 = tpu.memref_slice %arg4[%add3A_120] : memref<320000xi32, #tpu.memory_space<hbm>> -> memref<80xi32, #tpu.memory_space<hbm>>
    tpu.wait_dma2 semaphore(%arg17 : memref<!tpu.dma_semaphore, #tpu.memory_space<semaphore_mem>>) src(%dma_wait3A_122 : memref<80xi32, #tpu.memory_space<hbm>>) dst(%arg11 : memref<80xi32, #tpu.memory_space<vmem>>)
    %dma_wait3A_123 = arith.constant 256 : i32
    %dma_wait3A_124 = tpu.memref_slice %arg2[%add3A_120, %dma_wait3A_123] : memref<320000x384xf32, #tpu.memory_space<hbm>> -> memref<80x128xf32, #tpu.memory_space<hbm>>
    %dma_wait3A_125 = arith.constant 256 : i32
    %dma_wait3A_126 = tpu.memref_slice %arg2[%add3A_120, %dma_wait3A_125] : memref<320000x384xf32, #tpu.memory_space<hbm>> -> memref<80x128xf32, #tpu.memory_space<hbm>>
    tpu.wait_dma2 semaphore(%arg19 : memref<!tpu.dma_semaphore, #tpu.memory_space<semaphore_mem>>) src(%dma_wait3A_126 : memref<80x128xf32, #tpu.memory_space<hbm>>) dst(%arg14 : memref<80x128xf32, #tpu.memory_space<vmem>>)
    "tpu.region"() ({
      %run_scoped3A_129 = tpu.sem_alloc : memref<!tpu.dma_semaphore, #tpu.memory_space<semaphore_mem>>
      %dma_start3A_130 = arith.constant 0 : i32
      %dma_start3A_131 = arith.constant 0 : i32
      %dma_start3A_132 = tpu.memref_slice %arg9[%dma_start3A_130, %dma_start3A_131] : memref<10240x128xf32, #tpu.memory_space<vmem_shared>> -> memref<10240x128xf32, #tpu.memory_space<vmem_shared>>
      tpu.enqueue_indirect_dma source(%arg14 : memref<80x128xf32, #tpu.memory_space<vmem>>) target(%dma_start3A_132 : memref<10240x128xf32, #tpu.memory_space<vmem_shared>>) offsets(%arg11 : memref<80xi32, #tpu.memory_space<vmem>>) semaphore(%run_scoped3A_129 : memref<!tpu.dma_semaphore, #tpu.memory_space<semaphore_mem>>) {add = true}
      %dma_wait3A_133 = arith.constant 0 : i32
      %dma_wait3A_134 = arith.constant 0 : i32
      %dma_wait3A_135 = tpu.memref_slice %arg9[%dma_wait3A_133, %dma_wait3A_134] : memref<10240x128xf32, #tpu.memory_space<vmem_shared>> -> memref<10240x128xf32, #tpu.memory_space<vmem_shared>>
      tpu.wait_indirect_dma semaphore(%run_scoped3A_129 : memref<!tpu.dma_semaphore, #tpu.memory_space<semaphore_mem>>) src(%arg14 : memref<80x128xf32, #tpu.memory_space<vmem>>) dst(%dma_wait3A_135 : memref<10240x128xf32, #tpu.memory_space<vmem_shared>>)
      tpu.yield
    }) : () -> ()
    %barrier3A_127 = arith.constant 0 : index
    tpu.barrier barrier_id(%barrier3A_127)
    %run_scoped3A_128 = arith.constant 2 : i32
    "tpu.region"() ({
      %run_scoped3A_129 = tpu.sem_alloc : memref<!tpu.dma_semaphore, #tpu.memory_space<semaphore_mem>>
      %dma_start3A_130 = arith.constant 0 : i32
      %dma_start3A_131 = tpu.memref_slice %arg7[%arg0, %run_scoped3A_128, %mul3A_2, %dma_start3A_130] : memref<2x3x10240x128xf32, #tpu.memory_space<hbm>> -> memref<1x1x640x128xf32, #tpu.memory_space<hbm>>
      %dma_start3A_132 = tpu.memref_squeeze %dma_start3A_131 : memref<1x1x640x128xf32, #tpu.memory_space<hbm>> -> memref<640x128xf32, #tpu.memory_space<hbm>>
      %dma_start3A_133 = arith.constant 0 : i32
      %dma_start3A_134 = tpu.memref_slice %arg9[%mul3A_2, %dma_start3A_133] : memref<10240x128xf32, #tpu.memory_space<vmem_shared>> -> memref<640x128xf32, #tpu.memory_space<vmem_shared>>
      tpu.enqueue_dma source(%dma_start3A_134 : memref<640x128xf32, #tpu.memory_space<vmem_shared>>) target(%dma_start3A_132 : memref<640x128xf32, #tpu.memory_space<hbm>>) target_semaphore(%run_scoped3A_129 : memref<!tpu.dma_semaphore, #tpu.memory_space<semaphore_mem>>)
      %dma_wait3A_135 = arith.constant 0 : i32
      %dma_wait3A_136 = tpu.memref_slice %arg7[%arg0, %run_scoped3A_128, %mul3A_2, %dma_wait3A_135] : memref<2x3x10240x128xf32, #tpu.memory_space<hbm>> -> memref<1x1x640x128xf32, #tpu.memory_space<hbm>>
      %dma_wait3A_137 = tpu.memref_squeeze %dma_wait3A_136 : memref<1x1x640x128xf32, #tpu.memory_space<hbm>> -> memref<640x128xf32, #tpu.memory_space<hbm>>
      %dma_wait3A_138 = arith.constant 0 : i32
      %dma_wait3A_139 = tpu.memref_slice %arg9[%mul3A_2, %dma_wait3A_138] : memref<10240x128xf32, #tpu.memory_space<vmem_shared>> -> memref<640x128xf32, #tpu.memory_space<vmem_shared>>
      tpu.wait_dma2 semaphore(%run_scoped3A_129 : memref<!tpu.dma_semaphore, #tpu.memory_space<semaphore_mem>>) src(%dma_wait3A_139 : memref<640x128xf32, #tpu.memory_space<vmem_shared>>) dst(%dma_wait3A_137 : memref<640x128xf32, #tpu.memory_space<hbm>>)
      tpu.yield
    }) : () -> ()
    "tpu.region"() ({
      %run_scoped3A_129 = tpu.sem_alloc : memref<!tpu.dma_semaphore, #tpu.memory_space<semaphore_mem>>
      %dma_start3A_130 = arith.constant 0 : i32
      %dma_start3A_131 = tpu.memref_slice %arg8[%arg0, %mul3A_4, %dma_start3A_130] : memref<2x1280x128xf32, #tpu.memory_space<hbm>> -> memref<1x80x128xf32, #tpu.memory_space<hbm>>
      %dma_start3A_132 = tpu.memref_squeeze %dma_start3A_131 : memref<1x80x128xf32, #tpu.memory_space<hbm>> -> memref<80x128xf32, #tpu.memory_space<hbm>>
      %dma_start3A_133 = arith.constant 0 : i32
      %dma_start3A_134 = tpu.memref_slice %arg10[%mul3A_4, %dma_start3A_133] : memref<1280x128xf32, #tpu.memory_space<vmem_shared>> -> memref<80x128xf32, #tpu.memory_space<vmem_shared>>
      tpu.enqueue_dma source(%dma_start3A_134 : memref<80x128xf32, #tpu.memory_space<vmem_shared>>) target(%dma_start3A_132 : memref<80x128xf32, #tpu.memory_space<hbm>>) target_semaphore(%run_scoped3A_129 : memref<!tpu.dma_semaphore, #tpu.memory_space<semaphore_mem>>)
      %dma_wait3A_135 = arith.constant 0 : i32
      %dma_wait3A_136 = tpu.memref_slice %arg8[%arg0, %mul3A_4, %dma_wait3A_135] : memref<2x1280x128xf32, #tpu.memory_space<hbm>> -> memref<1x80x128xf32, #tpu.memory_space<hbm>>
      %dma_wait3A_137 = tpu.memref_squeeze %dma_wait3A_136 : memref<1x80x128xf32, #tpu.memory_space<hbm>> -> memref<80x128xf32, #tpu.memory_space<hbm>>
      %dma_wait3A_138 = arith.constant 0 : i32
      %dma_wait3A_139 = tpu.memref_slice %arg10[%mul3A_4, %dma_wait3A_138] : memref<1280x128xf32, #tpu.memory_space<vmem_shared>> -> memref<80x128xf32, #tpu.memory_space<vmem_shared>>
      tpu.wait_dma2 semaphore(%run_scoped3A_129 : memref<!tpu.dma_semaphore, #tpu.memory_space<semaphore_mem>>) src(%dma_wait3A_139 : memref<80x128xf32, #tpu.memory_space<vmem_shared>>) dst(%dma_wait3A_137 : memref<80x128xf32, #tpu.memory_space<hbm>>)
      tpu.yield
    }) : () -> ()
    return
  }
}

module attributes {stable_mosaic.version = 14 : i64} {
  func.func @body(%arg0: i32, %arg1: memref<1280x128xf32, #tpu.memory_space<vmem>>, %arg2: memref<1280x128xf32, #tpu.memory_space<vmem>>, %arg3: memref<1x1x1280xf32, #tpu.memory_space<vmem>>, %arg4: memref<1x1x1280xi32, #tpu.memory_space<vmem>>, %arg5: memref<1536x128xbf16, #tpu.memory_space<vmem>>, %arg6: memref<1536x128xbf16, #tpu.memory_space<vmem>>, %arg7: memref<8x1536xf32, #tpu.memory_space<vmem>>, %arg8: memref<768x8xbf16, #tpu.memory_space<vmem>>, %arg9: memref<768x128xbf16, #tpu.memory_space<vmem>>, %arg10: memref<8x128xf32, #tpu.memory_space<vmem>>, %arg11: memref<8x8xf32, #tpu.memory_space<vmem>>, %arg12: memref<1280x384xf32, #tpu.memory_space<vmem>>, %arg13: memref<1280x128xf32, #tpu.memory_space<vmem>>) attributes {dimension_semantics = [#tpu.dimension_semantics<arbitrary>], iteration_bounds = array<i64: 250>, scalar_prefetch = 0 : i64, scratch_operands = 0 : i64, tpu.core_type = #tpu.core_type<tc>, window_params = [{transform_indices = @transform_0, window_bounds = array<i64: 1280, 128>}, {transform_indices = @transform_1, window_bounds = array<i64: 1280, 128>}, {transform_indices = @transform_2, window_bounds = array<i64: 1, 1, 1280>}, {transform_indices = @transform_3, window_bounds = array<i64: 1, 1, 1280>}, {pipeline_mode = #tpu.pipeline_mode<synchronous>, transform_indices = @transform_4, window_bounds = array<i64: 1536, 128>}, {pipeline_mode = #tpu.pipeline_mode<synchronous>, transform_indices = @transform_5, window_bounds = array<i64: 1536, 128>}, {pipeline_mode = #tpu.pipeline_mode<synchronous>, transform_indices = @transform_6, window_bounds = array<i64: 8, 1536>}, {pipeline_mode = #tpu.pipeline_mode<synchronous>, transform_indices = @transform_7, window_bounds = array<i64: 768, 8>}, {pipeline_mode = #tpu.pipeline_mode<synchronous>, transform_indices = @transform_8, window_bounds = array<i64: 768, 128>}, {pipeline_mode = #tpu.pipeline_mode<synchronous>, transform_indices = @transform_9, window_bounds = array<i64: 8, 128>}, {pipeline_mode = #tpu.pipeline_mode<synchronous>, transform_indices = @transform_10, window_bounds = array<i64: 8, 8>}, {transform_indices = @transform_11, window_bounds = array<i64: 1280, 384>}, {transform_indices = @transform_12, window_bounds = array<i64: 1280, 128>}]} {
    %get3A = arith.constant 0 : index
    %get3A_0 = arith.constant 0 : index
    %get3A_1 = vector.load %arg1[%get3A, %get3A_0] : memref<1280x128xf32, #tpu.memory_space<vmem>>, vector<1280x128xf32>
    %convert_element_type3A = arith.truncf %get3A_1 : vector<1280x128xf32> to vector<1280x128xbf16>
    %get3A_2 = arith.constant 0 : index
    %get3A_3 = arith.constant 0 : index
    %get3A_4 = vector.load %arg2[%get3A_2, %get3A_3] : memref<1280x128xf32, #tpu.memory_space<vmem>>, vector<1280x128xf32>
    %convert_element_type3A_5 = arith.truncf %get3A_4 : vector<1280x128xf32> to vector<1280x128xbf16>
    %get3A_6 = arith.constant 0 : index
    %get3A_7 = arith.constant 0 : index
    %get3A_8 = vector.load %arg5[%get3A_6, %get3A_7] : memref<1536x128xbf16, #tpu.memory_space<vmem>>, vector<1536x128xbf16>
    %dot_general3A = arith.constant dense<0.000000e+00> : vector<1280x1536xf32>
    %dot_general3A_9 = tpu.matmul %convert_element_type3A, %get3A_8, %dot_general3A {dimension_numbers = #tpu.dot_dimension_numbers<[1], [1], [0], [0], [0, 0, 1, 0], [], []>, transpose_lhs_hint = false} : vector<1280x128xbf16>, vector<1536x128xbf16>, vector<1280x1536xf32> -> vector<1280x1536xf32>
    %get3A_10 = arith.constant 0 : index
    %get3A_11 = arith.constant 0 : index
    %get3A_12 = vector.load %arg6[%get3A_10, %get3A_11] : memref<1536x128xbf16, #tpu.memory_space<vmem>>, vector<1536x128xbf16>
    %dot_general3A_13 = arith.constant dense<0.000000e+00> : vector<1280x1536xf32>
    %dot_general3A_14 = tpu.matmul %convert_element_type3A_5, %get3A_12, %dot_general3A_13 {dimension_numbers = #tpu.dot_dimension_numbers<[1], [1], [0], [0], [0, 0, 1, 0], [], []>, transpose_lhs_hint = false} : vector<1280x128xbf16>, vector<1536x128xbf16>, vector<1280x1536xf32> -> vector<1280x1536xf32>
    %add3A = arith.addf %dot_general3A_9, %dot_general3A_14 : vector<1280x1536xf32>
    %get3A_15 = arith.constant 0 : index
    %get3A_16 = arith.constant 0 : index
    %get3A_17 = vector.load %arg7[%get3A_15, %get3A_16] : memref<8x1536xf32, #tpu.memory_space<vmem>>, vector<8x1536xf32>
    %slice3A = vector.extract_strided_slice %get3A_17 {offsets = [0, 0], sizes = [1, 1536], strides = [1, 1]} : vector<8x1536xf32> to vector<1x1536xf32>
    %squeeze3A = vector.shape_cast %slice3A : vector<1x1536xf32> to vector<1536xf32>
    %broadcast_in_dim3A = vector.shape_cast %squeeze3A : vector<1536xf32> to vector<1x1536xf32>
    %add3A_18 = vector.broadcast %broadcast_in_dim3A : vector<1x1536xf32> to vector<1280x1536xf32>
    %add3A_19 = arith.addf %add3A, %add3A_18 : vector<1280x1536xf32>
    %ge3A = arith.constant 0.000000e+00 : f32
    %ge3A_20 = vector.broadcast %ge3A : f32 to vector<1280x1536xf32>
    %ge3A_21 = arith.cmpf oge, %add3A_19, %ge3A_20 : vector<1280x1536xf32>
    %mul3A = arith.constant 0.00999999977 : f32
    %mul3A_22 = vector.broadcast %mul3A : f32 to vector<1280x1536xf32>
    %mul3A_23 = arith.mulf %mul3A_22, %add3A_19 : vector<1280x1536xf32>
    %select_n3A = arith.select %ge3A_21, %add3A_19, %mul3A_23 : vector<1280x1536xi1>, vector<1280x1536xf32>
    %convert_element_type3A_24 = arith.truncf %select_n3A : vector<1280x1536xf32> to vector<1280x1536xbf16>
    %slice3A_25 = vector.extract_strided_slice %convert_element_type3A_24 {offsets = [0, 0], sizes = [1280, 768], strides = [1, 1]} : vector<1280x1536xbf16> to vector<1280x768xbf16>
    %get3A_26 = arith.constant 0 : index
    %get3A_27 = arith.constant 0 : index
    %get3A_28 = vector.load %arg8[%get3A_26, %get3A_27] : memref<768x8xbf16, #tpu.memory_space<vmem>>, vector<768x8xbf16>
    %dot_general3A_29 = arith.constant dense<0.000000e+00> : vector<1280x8xf32>
    %dot_general3A_30 = tpu.matmul %slice3A_25, %get3A_28, %dot_general3A_29 {dimension_numbers = #tpu.dot_dimension_numbers<[1], [0], [0], [1], [0, 0, 1, 1], [], []>, transpose_lhs_hint = false} : vector<1280x768xbf16>, vector<768x8xbf16>, vector<1280x8xf32> -> vector<1280x8xf32>
    %get3A_31 = arith.constant 0 : index
    %get3A_32 = arith.constant 0 : index
    %get3A_33 = vector.load %arg11[%get3A_31, %get3A_32] : memref<8x8xf32, #tpu.memory_space<vmem>>, vector<8x8xf32>
    %slice3A_34 = vector.extract_strided_slice %get3A_33 {offsets = [1, 0], sizes = [1, 8], strides = [1, 1]} : vector<8x8xf32> to vector<1x8xf32>
    %squeeze3A_35 = vector.shape_cast %slice3A_34 : vector<1x8xf32> to vector<8xf32>
    %broadcast_in_dim3A_36 = vector.shape_cast %squeeze3A_35 : vector<8xf32> to vector<1x8xf32>
    %add3A_37 = vector.broadcast %broadcast_in_dim3A_36 : vector<1x8xf32> to vector<1280x8xf32>
    %add3A_38 = arith.addf %dot_general3A_30, %add3A_37 : vector<1280x8xf32>
    %get3A_39 = arith.constant 0 : index
    %get3A_40 = arith.constant 0 : index
    %get3A_41 = arith.constant 0 : index
    %get3A_42 = vector.load %arg3[%get3A_39, %get3A_40, %get3A_41] : memref<1x1x1280xf32, #tpu.memory_space<vmem>>, vector<1x1x1280xf32>
    %squeeze3A_43 = vector.shape_cast %get3A_42 : vector<1x1x1280xf32> to vector<1280xf32>
    %log3A = math.log %squeeze3A_43 : vector<1280xf32>
    %broadcast_in_dim3A_44 = vector.shape_cast %log3A : vector<1280xf32> to vector<1280x1xf32>
    %get3A_45 = arith.constant 0 : index
    %get3A_46 = arith.constant 0 : index
    %get3A_47 = vector.load %arg11[%get3A_45, %get3A_46] : memref<8x8xf32, #tpu.memory_space<vmem>>, vector<8x8xf32>
    %slice3A_48 = vector.extract_strided_slice %get3A_47 {offsets = [0, 0], sizes = [1, 8], strides = [1, 1]} : vector<8x8xf32> to vector<1x8xf32>
    %squeeze3A_49 = vector.shape_cast %slice3A_48 : vector<1x8xf32> to vector<8xf32>
    %broadcast_in_dim3A_50 = vector.shape_cast %squeeze3A_49 : vector<8xf32> to vector<1x8xf32>
    %mul3A_51 = vector.broadcast %broadcast_in_dim3A_44 : vector<1280x1xf32> to vector<1280x8xf32>
    %mul3A_52 = vector.broadcast %broadcast_in_dim3A_50 : vector<1x8xf32> to vector<1280x8xf32>
    %mul3A_53 = arith.mulf %mul3A_51, %mul3A_52 : vector<1280x8xf32>
    %add3A_54 = arith.addf %add3A_38, %mul3A_53 : vector<1280x8xf32>
    %exp3A = math.exp %add3A_54 : vector<1280x8xf32>
    %slice3A_55 = vector.extract_strided_slice %convert_element_type3A_24 {offsets = [0, 768], sizes = [1280, 256], strides = [1, 1]} : vector<1280x1536xbf16> to vector<1280x256xbf16>
    %get3A_56 = arith.constant 0 : index
    %get3A_57 = arith.constant 0 : index
    %get3A_58 = vector.load %arg9[%get3A_56, %get3A_57] : memref<768x128xbf16, #tpu.memory_space<vmem>>, vector<768x128xbf16>
    %slice3A_59 = vector.extract_strided_slice %get3A_58 {offsets = [0, 0], sizes = [256, 128], strides = [1, 1]} : vector<768x128xbf16> to vector<256x128xbf16>
    %dot_general3A_60 = arith.constant dense<0.000000e+00> : vector<1280x128xf32>
    %dot_general3A_61 = tpu.matmul %slice3A_55, %slice3A_59, %dot_general3A_60 {dimension_numbers = #tpu.dot_dimension_numbers<[1], [0], [0], [1], [0, 0, 1, 1], [], []>, transpose_lhs_hint = false} : vector<1280x256xbf16>, vector<256x128xbf16>, vector<1280x128xf32> -> vector<1280x128xf32>
    %get3A_62 = arith.constant 0 : index
    %get3A_63 = arith.constant 0 : index
    %get3A_64 = vector.load %arg10[%get3A_62, %get3A_63] : memref<8x128xf32, #tpu.memory_space<vmem>>, vector<8x128xf32>
    %slice3A_65 = vector.extract_strided_slice %get3A_64 {offsets = [0, 0], sizes = [1, 128], strides = [1, 1]} : vector<8x128xf32> to vector<1x128xf32>
    %squeeze3A_66 = vector.shape_cast %slice3A_65 : vector<1x128xf32> to vector<128xf32>
    %broadcast_in_dim3A_67 = vector.shape_cast %squeeze3A_66 : vector<128xf32> to vector<1x128xf32>
    %add3A_68 = vector.broadcast %broadcast_in_dim3A_67 : vector<1x128xf32> to vector<1280x128xf32>
    %add3A_69 = arith.addf %dot_general3A_61, %add3A_68 : vector<1280x128xf32>
    %slice3A_70 = vector.extract_strided_slice %exp3A {offsets = [0, 0], sizes = [1280, 1], strides = [1, 1]} : vector<1280x8xf32> to vector<1280x1xf32>
    %mul3A_71 = vector.broadcast %slice3A_70 : vector<1280x1xf32> to vector<1280x128xf32>
    %mul3A_72 = arith.mulf %mul3A_71, %add3A_69 : vector<1280x128xf32>
    %slice3A_73 = vector.extract_strided_slice %convert_element_type3A_24 {offsets = [0, 1024], sizes = [1280, 256], strides = [1, 1]} : vector<1280x1536xbf16> to vector<1280x256xbf16>
    %get3A_74 = arith.constant 0 : index
    %get3A_75 = arith.constant 0 : index
    %get3A_76 = vector.load %arg9[%get3A_74, %get3A_75] : memref<768x128xbf16, #tpu.memory_space<vmem>>, vector<768x128xbf16>
    %slice3A_77 = vector.extract_strided_slice %get3A_76 {offsets = [256, 0], sizes = [256, 128], strides = [1, 1]} : vector<768x128xbf16> to vector<256x128xbf16>
    %dot_general3A_78 = arith.constant dense<0.000000e+00> : vector<1280x128xf32>
    %dot_general3A_79 = tpu.matmul %slice3A_73, %slice3A_77, %dot_general3A_78 {dimension_numbers = #tpu.dot_dimension_numbers<[1], [0], [0], [1], [0, 0, 1, 1], [], []>, transpose_lhs_hint = false} : vector<1280x256xbf16>, vector<256x128xbf16>, vector<1280x128xf32> -> vector<1280x128xf32>
    %get3A_80 = arith.constant 0 : index
    %get3A_81 = arith.constant 0 : index
    %get3A_82 = vector.load %arg10[%get3A_80, %get3A_81] : memref<8x128xf32, #tpu.memory_space<vmem>>, vector<8x128xf32>
    %slice3A_83 = vector.extract_strided_slice %get3A_82 {offsets = [1, 0], sizes = [1, 128], strides = [1, 1]} : vector<8x128xf32> to vector<1x128xf32>
    %squeeze3A_84 = vector.shape_cast %slice3A_83 : vector<1x128xf32> to vector<128xf32>
    %broadcast_in_dim3A_85 = vector.shape_cast %squeeze3A_84 : vector<128xf32> to vector<1x128xf32>
    %add3A_86 = vector.broadcast %broadcast_in_dim3A_85 : vector<1x128xf32> to vector<1280x128xf32>
    %add3A_87 = arith.addf %dot_general3A_79, %add3A_86 : vector<1280x128xf32>
    %slice3A_88 = vector.extract_strided_slice %exp3A {offsets = [0, 1], sizes = [1280, 1], strides = [1, 1]} : vector<1280x8xf32> to vector<1280x1xf32>
    %mul3A_89 = vector.broadcast %slice3A_88 : vector<1280x1xf32> to vector<1280x128xf32>
    %mul3A_90 = arith.mulf %mul3A_89, %add3A_87 : vector<1280x128xf32>
    %slice3A_91 = vector.extract_strided_slice %convert_element_type3A_24 {offsets = [0, 1280], sizes = [1280, 256], strides = [1, 1]} : vector<1280x1536xbf16> to vector<1280x256xbf16>
    %get3A_92 = arith.constant 0 : index
    %get3A_93 = arith.constant 0 : index
    %get3A_94 = vector.load %arg9[%get3A_92, %get3A_93] : memref<768x128xbf16, #tpu.memory_space<vmem>>, vector<768x128xbf16>
    %slice3A_95 = vector.extract_strided_slice %get3A_94 {offsets = [512, 0], sizes = [256, 128], strides = [1, 1]} : vector<768x128xbf16> to vector<256x128xbf16>
    %dot_general3A_96 = arith.constant dense<0.000000e+00> : vector<1280x128xf32>
    %dot_general3A_97 = tpu.matmul %slice3A_91, %slice3A_95, %dot_general3A_96 {dimension_numbers = #tpu.dot_dimension_numbers<[1], [0], [0], [1], [0, 0, 1, 1], [], []>, transpose_lhs_hint = false} : vector<1280x256xbf16>, vector<256x128xbf16>, vector<1280x128xf32> -> vector<1280x128xf32>
    %get3A_98 = arith.constant 0 : index
    %get3A_99 = arith.constant 0 : index
    %get3A_100 = vector.load %arg10[%get3A_98, %get3A_99] : memref<8x128xf32, #tpu.memory_space<vmem>>, vector<8x128xf32>
    %slice3A_101 = vector.extract_strided_slice %get3A_100 {offsets = [2, 0], sizes = [1, 128], strides = [1, 1]} : vector<8x128xf32> to vector<1x128xf32>
    %squeeze3A_102 = vector.shape_cast %slice3A_101 : vector<1x128xf32> to vector<128xf32>
    %broadcast_in_dim3A_103 = vector.shape_cast %squeeze3A_102 : vector<128xf32> to vector<1x128xf32>
    %add3A_104 = vector.broadcast %broadcast_in_dim3A_103 : vector<1x128xf32> to vector<1280x128xf32>
    %add3A_105 = arith.addf %dot_general3A_97, %add3A_104 : vector<1280x128xf32>
    %slice3A_106 = vector.extract_strided_slice %exp3A {offsets = [0, 2], sizes = [1280, 1], strides = [1, 1]} : vector<1280x8xf32> to vector<1280x1xf32>
    %mul3A_107 = vector.broadcast %slice3A_106 : vector<1280x1xf32> to vector<1280x128xf32>
    %mul3A_108 = arith.mulf %mul3A_107, %add3A_105 : vector<1280x128xf32>
    %concatenate3A = tpu.concatenate %mul3A_72, %mul3A_90, %mul3A_108 in 1 : vector<1280x128xf32>, vector<1280x128xf32>, vector<1280x128xf32> -> vector<1280x384xf32>
    %swap3A = arith.constant 0 : index
    %swap3A_109 = arith.constant 0 : index
    %swap3A_110 = vector.load %arg12[%swap3A, %swap3A_109] : memref<1280x384xf32, #tpu.memory_space<vmem>>, vector<1280x384xf32>
    tpu.vector_store %arg12[%swap3A, %swap3A_109], %concatenate3A {strides = array<i32>} : memref<1280x384xf32, #tpu.memory_space<vmem>>, vector<1280x384xf32>,
    %get3A_111 = arith.constant 0 : index
    %get3A_112 = arith.constant 0 : index
    %get3A_113 = arith.constant 0 : index
    %get3A_114 = vector.load %arg4[%get3A_111, %get3A_112, %get3A_113] : memref<1x1x1280xi32, #tpu.memory_space<vmem>>, vector<1x1x1280xi32>
    %squeeze3A_115 = vector.shape_cast %get3A_114 : vector<1x1x1280xi32> to vector<1280xi32>
    %broadcast_in_dim3A_116 = arith.constant 8 : i32
    %broadcast_in_dim3A_117 = vector.broadcast %broadcast_in_dim3A_116 : i32 to vector<1280xi32>
    %rem3A = arith.remsi %squeeze3A_115, %broadcast_in_dim3A_117 : vector<1280xi32>
    %mul3A_118 = arith.constant 16 : i32
    %mul3A_119 = vector.broadcast %mul3A_118 : i32 to vector<1280xi32>
    %mul3A_120 = arith.muli %rem3A, %mul3A_119 : vector<1280xi32>
    %broadcast_in_dim3A_121 = vector.shape_cast %mul3A_120 : vector<1280xi32> to vector<1280x1xi32>
    %iota3A = tpu.iota {dimensions = array<i32: 1>} : vector<1280x128xi32>
    %broadcast_in_dim3A_122 = arith.constant 0.000000e+00 : f32
    %broadcast_in_dim3A_123 = vector.broadcast %broadcast_in_dim3A_122 : f32 to vector<1280x128xf32>
    %add3A_124 = arith.constant 0 : i32
    %add3A_125 = vector.broadcast %add3A_124 : i32 to vector<1280x1xi32>
    %add3A_126 = arith.addi %broadcast_in_dim3A_121, %add3A_125 : vector<1280x1xi32>
    %eq3A = vector.broadcast %add3A_126 : vector<1280x1xi32> to vector<1280x128xi32>
    %eq3A_127 = arith.cmpi eq, %iota3A, %eq3A : vector<1280x128xi32>
    %slice3A_128 = vector.extract_strided_slice %exp3A {offsets = [0, 0], sizes = [1280, 1], strides = [1, 1]} : vector<1280x8xf32> to vector<1280x1xf32>
    %jit3A = arith.constant 0.000000e+00 : f32
    %broadcast_in_dim3A_129 = vector.shape_cast %slice3A_128 : vector<1280x1xf32> to vector<1280x1xf32>
    %broadcast_in_dim3A_130 = vector.broadcast %broadcast_in_dim3A_129 : vector<1280x1xf32> to vector<1280x128xf32>
    %broadcast_in_dim3A_131 = vector.broadcast %jit3A : f32 to vector<1280x128xf32>
    %select_n3A_132 = arith.select %eq3A_127, %broadcast_in_dim3A_130, %broadcast_in_dim3A_131 : vector<1280x128xi1>, vector<1280x128xf32>
    %add3A_133 = arith.addf %broadcast_in_dim3A_123, %select_n3A_132 : vector<1280x128xf32>
    %add3A_134 = arith.constant 1 : i32
    %add3A_135 = vector.broadcast %add3A_134 : i32 to vector<1280x1xi32>
    %add3A_136 = arith.addi %broadcast_in_dim3A_121, %add3A_135 : vector<1280x1xi32>
    %eq3A_137 = vector.broadcast %add3A_136 : vector<1280x1xi32> to vector<1280x128xi32>
    %eq3A_138 = arith.cmpi eq, %iota3A, %eq3A_137 : vector<1280x128xi32>
    %slice3A_139 = vector.extract_strided_slice %exp3A {offsets = [0, 1], sizes = [1280, 1], strides = [1, 1]} : vector<1280x8xf32> to vector<1280x1xf32>
    %jit3A_140 = arith.constant 0.000000e+00 : f32
    %broadcast_in_dim3A_141 = vector.shape_cast %slice3A_139 : vector<1280x1xf32> to vector<1280x1xf32>
    %broadcast_in_dim3A_142 = vector.broadcast %broadcast_in_dim3A_141 : vector<1280x1xf32> to vector<1280x128xf32>
    %broadcast_in_dim3A_143 = vector.broadcast %jit3A_140 : f32 to vector<1280x128xf32>
    %select_n3A_144 = arith.select %eq3A_138, %broadcast_in_dim3A_142, %broadcast_in_dim3A_143 : vector<1280x128xi1>, vector<1280x128xf32>
    %add3A_145 = arith.addf %add3A_133, %select_n3A_144 : vector<1280x128xf32>
    %add3A_146 = arith.constant 2 : i32
    %add3A_147 = vector.broadcast %add3A_146 : i32 to vector<1280x1xi32>
    %add3A_148 = arith.addi %broadcast_in_dim3A_121, %add3A_147 : vector<1280x1xi32>
    %eq3A_149 = vector.broadcast %add3A_148 : vector<1280x1xi32> to vector<1280x128xi32>
    %eq3A_150 = arith.cmpi eq, %iota3A, %eq3A_149 : vector<1280x128xi32>
    %slice3A_151 = vector.extract_strided_slice %exp3A {offsets = [0, 2], sizes = [1280, 1], strides = [1, 1]} : vector<1280x8xf32> to vector<1280x1xf32>
    %jit3A_152 = arith.constant 0.000000e+00 : f32
    %broadcast_in_dim3A_153 = vector.shape_cast %slice3A_151 : vector<1280x1xf32> to vector<1280x1xf32>
    %broadcast_in_dim3A_154 = vector.broadcast %broadcast_in_dim3A_153 : vector<1280x1xf32> to vector<1280x128xf32>
    %broadcast_in_dim3A_155 = vector.broadcast %jit3A_152 : f32 to vector<1280x128xf32>
    %select_n3A_156 = arith.select %eq3A_150, %broadcast_in_dim3A_154, %broadcast_in_dim3A_155 : vector<1280x128xi1>, vector<1280x128xf32>
    %add3A_157 = arith.addf %add3A_145, %select_n3A_156 : vector<1280x128xf32>
    %swap3A_158 = arith.constant 0 : index
    %swap3A_159 = arith.constant 0 : index
    %swap3A_160 = vector.load %arg13[%swap3A_158, %swap3A_159] : memref<1280x128xf32, #tpu.memory_space<vmem>>, vector<1280x128xf32>
    tpu.vector_store %arg13[%swap3A_158, %swap3A_159], %add3A_157 {strides = array<i32>} : memref<1280x128xf32, #tpu.memory_space<vmem>>, vector<1280x128xf32>,
    return
  }
  func.func @transform_0(%arg0: i32) -> (i32, i32) {
    %c0_i32 = arith.constant 0 : i32
    %c0_i32_0 = arith.constant 0 : i32
    return %arg0, %c0_i32 : i32, i32
  }
  func.func @transform_1(%arg0: i32) -> (i32, i32) {
    %c0_i32 = arith.constant 0 : i32
    %c0_i32_0 = arith.constant 0 : i32
    return %arg0, %c0_i32 : i32, i32
  }
  func.func @transform_2(%arg0: i32) -> (i32, i32, i32) {
    %c0_i32 = arith.constant 0 : i32
    %c0_i32_0 = arith.constant 0 : i32
    %c0_i32_1 = arith.constant 0 : i32
    return %arg0, %c0_i32, %c0_i32_0 : i32, i32, i32
  }
  func.func @transform_3(%arg0: i32) -> (i32, i32, i32) {
    %c0_i32 = arith.constant 0 : i32
    %c0_i32_0 = arith.constant 0 : i32
    %c0_i32_1 = arith.constant 0 : i32
    return %arg0, %c0_i32, %c0_i32_0 : i32, i32, i32
  }
  func.func @transform_4(%arg0: i32) -> (i32, i32) {
    %c0_i32 = arith.constant 0 : i32
    %c0_i32_0 = arith.constant 0 : i32
    %c0_i32_1 = arith.constant 0 : i32
    return %c0_i32, %c0_i32_0 : i32, i32
  }
  func.func @transform_5(%arg0: i32) -> (i32, i32) {
    %c0_i32 = arith.constant 0 : i32
    %c0_i32_0 = arith.constant 0 : i32
    %c0_i32_1 = arith.constant 0 : i32
    return %c0_i32, %c0_i32_0 : i32, i32
  }
  func.func @transform_6(%arg0: i32) -> (i32, i32) {
    %c0_i32 = arith.constant 0 : i32
    %c0_i32_0 = arith.constant 0 : i32
    %c0_i32_1 = arith.constant 0 : i32
    return %c0_i32, %c0_i32_0 : i32, i32
  }
  func.func @transform_7(%arg0: i32) -> (i32, i32) {
    %c0_i32 = arith.constant 0 : i32
    %c0_i32_0 = arith.constant 0 : i32
    %c0_i32_1 = arith.constant 0 : i32
    return %c0_i32, %c0_i32_0 : i32, i32
  }
  func.func @transform_8(%arg0: i32) -> (i32, i32) {
    %c0_i32 = arith.constant 0 : i32
    %c0_i32_0 = arith.constant 0 : i32
    %c0_i32_1 = arith.constant 0 : i32
    return %c0_i32, %c0_i32_0 : i32, i32
  }
  func.func @transform_9(%arg0: i32) -> (i32, i32) {
    %c0_i32 = arith.constant 0 : i32
    %c0_i32_0 = arith.constant 0 : i32
    %c0_i32_1 = arith.constant 0 : i32
    return %c0_i32, %c0_i32_0 : i32, i32
  }
  func.func @transform_10(%arg0: i32) -> (i32, i32) {
    %c0_i32 = arith.constant 0 : i32
    %c0_i32_0 = arith.constant 0 : i32
    %c0_i32_1 = arith.constant 0 : i32
    return %c0_i32, %c0_i32_0 : i32, i32
  }
  func.func @transform_11(%arg0: i32) -> (i32, i32) {
    %c0_i32 = arith.constant 0 : i32
    %c0_i32_0 = arith.constant 0 : i32
    return %arg0, %c0_i32 : i32, i32
  }
  func.func @transform_12(%arg0: i32) -> (i32, i32) {
    %c0_i32 = arith.constant 0 : i32
    %c0_i32_0 = arith.constant 0 : i32
    return %arg0, %c0_i32 : i32, i32
  }
}

module attributes {stable_mosaic.version = 14 : i64} {
  func.func @body(%arg0: i32, %arg1: memref<2x3x1000x128xf32, #tpu.memory_space<vmem>>, %arg2: memref<2x1000x16xf32, #tpu.memory_space<vmem>>, %arg3: memref<1000x128xf32, #tpu.memory_space<vmem>>, %arg4: memref<1000x128xf32, #tpu.memory_space<vmem>>) attributes {dimension_semantics = [#tpu.dimension_semantics<arbitrary>], iteration_bounds = array<i64: 10>, scalar_prefetch = 0 : i64, scratch_operands = 0 : i64, tpu.core_type = #tpu.core_type<tc>, window_params = [{transform_indices = @transform_0, window_bounds = array<i64: 2, 3, 1000, 128>}, {transform_indices = @transform_1, window_bounds = array<i64: 2, 1000, 16>}, {transform_indices = @transform_2, window_bounds = array<i64: 1000, 128>}, {transform_indices = @transform_3, window_bounds = array<i64: 1000, 128>}]} {
    %get3A = arith.constant 0 : index
    %get3A_0 = arith.constant 0 : index
    %get3A_1 = arith.constant 0 : index
    %get3A_2 = arith.constant 0 : index
    %get3A_3 = vector.load %arg1[%get3A, %get3A_0, %get3A_1, %get3A_2] : memref<2x3x1000x128xf32, #tpu.memory_space<vmem>>, vector<2x3x1000x128xf32>
    %get3A_4 = arith.constant 0 : index
    %get3A_5 = arith.constant 0 : index
    %get3A_6 = arith.constant 0 : index
    %get3A_7 = vector.load %arg2[%get3A_4, %get3A_5, %get3A_6] : memref<2x1000x16xf32, #tpu.memory_space<vmem>>, vector<2x1000x16xf32>
    %slice3A = vector.extract_strided_slice %get3A_7 {offsets = [0, 0, 0], sizes = [1, 1000, 16], strides = [1, 1, 1]} : vector<2x1000x16xf32> to vector<1x1000x16xf32>
    %squeeze3A = vector.shape_cast %slice3A : vector<1x1000x16xf32> to vector<1000x16xf32>
    %get3A_8 = arith.constant 0 : index
    %get3A_9 = arith.constant 0 : index
    %get3A_10 = arith.constant 0 : index
    %get3A_11 = vector.load %arg2[%get3A_8, %get3A_9, %get3A_10] : memref<2x1000x16xf32, #tpu.memory_space<vmem>>, vector<2x1000x16xf32>
    %slice3A_12 = vector.extract_strided_slice %get3A_11 {offsets = [1, 0, 0], sizes = [1, 1000, 16], strides = [1, 1, 1]} : vector<2x1000x16xf32> to vector<1x1000x16xf32>
    %squeeze3A_13 = vector.shape_cast %slice3A_12 : vector<1x1000x16xf32> to vector<1000x16xf32>
    %add3A = arith.addf %squeeze3A, %squeeze3A_13 : vector<1000x16xf32>
    %get3A_14 = arith.constant 0 : index
    %get3A_15 = arith.constant 0 : index
    %get3A_16 = vector.load %arg3[%get3A_14, %get3A_15] : memref<1000x128xf32, #tpu.memory_space<vmem>>, vector<1000x128xf32>
    %slice3A_17 = vector.extract_strided_slice %get3A_3 {offsets = [0, 0, 0, 0], sizes = [1, 1, 1000, 128], strides = [1, 1, 1, 1]} : vector<2x3x1000x128xf32> to vector<1x1x1000x128xf32>
    %squeeze3A_18 = vector.shape_cast %slice3A_17 : vector<1x1x1000x128xf32> to vector<1000x128xf32>
    %slice3A_19 = vector.extract_strided_slice %get3A_3 {offsets = [1, 0, 0, 0], sizes = [1, 1, 1000, 128], strides = [1, 1, 1, 1]} : vector<2x3x1000x128xf32> to vector<1x1x1000x128xf32>
    %squeeze3A_20 = vector.shape_cast %slice3A_19 : vector<1x1x1000x128xf32> to vector<1000x128xf32>
    %add3A_21 = arith.addf %squeeze3A_18, %squeeze3A_20 : vector<1000x128xf32>
    %slice3A_22 = vector.extract_strided_slice %add3A {offsets = [0, 0], sizes = [1000, 1], strides = [1, 1]} : vector<1000x16xf32> to vector<1000x1xf32>
    %add3A_23 = arith.constant 1.000000e-10 : f32
    %add3A_24 = vector.broadcast %add3A_23 : f32 to vector<1000x1xf32>
    %add3A_25 = arith.addf %slice3A_22, %add3A_24 : vector<1000x1xf32>
    %div3A = vector.broadcast %add3A_25 : vector<1000x1xf32> to vector<1000x128xf32>
    %div3A_26 = arith.divf %add3A_21, %div3A : vector<1000x128xf32>
    %mul3A = arith.constant 0.333333343 : f32
    %mul3A_27 = vector.broadcast %mul3A : f32 to vector<1000x128xf32>
    %mul3A_28 = arith.mulf %div3A_26, %mul3A_27 : vector<1000x128xf32>
    %add3A_29 = arith.addf %get3A_16, %mul3A_28 : vector<1000x128xf32>
    %slice3A_30 = vector.extract_strided_slice %get3A_3 {offsets = [0, 1, 0, 0], sizes = [1, 1, 1000, 128], strides = [1, 1, 1, 1]} : vector<2x3x1000x128xf32> to vector<1x1x1000x128xf32>
    %squeeze3A_31 = vector.shape_cast %slice3A_30 : vector<1x1x1000x128xf32> to vector<1000x128xf32>
    %slice3A_32 = vector.extract_strided_slice %get3A_3 {offsets = [1, 1, 0, 0], sizes = [1, 1, 1000, 128], strides = [1, 1, 1, 1]} : vector<2x3x1000x128xf32> to vector<1x1x1000x128xf32>
    %squeeze3A_33 = vector.shape_cast %slice3A_32 : vector<1x1x1000x128xf32> to vector<1000x128xf32>
    %add3A_34 = arith.addf %squeeze3A_31, %squeeze3A_33 : vector<1000x128xf32>
    %slice3A_35 = vector.extract_strided_slice %add3A {offsets = [0, 1], sizes = [1000, 1], strides = [1, 1]} : vector<1000x16xf32> to vector<1000x1xf32>
    %add3A_36 = arith.constant 1.000000e-10 : f32
    %add3A_37 = vector.broadcast %add3A_36 : f32 to vector<1000x1xf32>
    %add3A_38 = arith.addf %slice3A_35, %add3A_37 : vector<1000x1xf32>
    %div3A_39 = vector.broadcast %add3A_38 : vector<1000x1xf32> to vector<1000x128xf32>
    %div3A_40 = arith.divf %add3A_34, %div3A_39 : vector<1000x128xf32>
    %mul3A_41 = arith.constant 0.333333343 : f32
    %mul3A_42 = vector.broadcast %mul3A_41 : f32 to vector<1000x128xf32>
    %mul3A_43 = arith.mulf %div3A_40, %mul3A_42 : vector<1000x128xf32>
    %add3A_44 = arith.addf %add3A_29, %mul3A_43 : vector<1000x128xf32>
    %slice3A_45 = vector.extract_strided_slice %get3A_3 {offsets = [0, 2, 0, 0], sizes = [1, 1, 1000, 128], strides = [1, 1, 1, 1]} : vector<2x3x1000x128xf32> to vector<1x1x1000x128xf32>
    %squeeze3A_46 = vector.shape_cast %slice3A_45 : vector<1x1x1000x128xf32> to vector<1000x128xf32>
    %slice3A_47 = vector.extract_strided_slice %get3A_3 {offsets = [1, 2, 0, 0], sizes = [1, 1, 1000, 128], strides = [1, 1, 1, 1]} : vector<2x3x1000x128xf32> to vector<1x1x1000x128xf32>
    %squeeze3A_48 = vector.shape_cast %slice3A_47 : vector<1x1x1000x128xf32> to vector<1000x128xf32>
    %add3A_49 = arith.addf %squeeze3A_46, %squeeze3A_48 : vector<1000x128xf32>
    %slice3A_50 = vector.extract_strided_slice %add3A {offsets = [0, 2], sizes = [1000, 1], strides = [1, 1]} : vector<1000x16xf32> to vector<1000x1xf32>
    %add3A_51 = arith.constant 1.000000e-10 : f32
    %add3A_52 = vector.broadcast %add3A_51 : f32 to vector<1000x1xf32>
    %add3A_53 = arith.addf %slice3A_50, %add3A_52 : vector<1000x1xf32>
    %div3A_54 = vector.broadcast %add3A_53 : vector<1000x1xf32> to vector<1000x128xf32>
    %div3A_55 = arith.divf %add3A_49, %div3A_54 : vector<1000x128xf32>
    %mul3A_56 = arith.constant 0.333333343 : f32
    %mul3A_57 = vector.broadcast %mul3A_56 : f32 to vector<1000x128xf32>
    %mul3A_58 = arith.mulf %div3A_55, %mul3A_57 : vector<1000x128xf32>
    %add3A_59 = arith.addf %add3A_44, %mul3A_58 : vector<1000x128xf32>
    %swap3A = arith.constant 0 : index
    %swap3A_60 = arith.constant 0 : index
    %swap3A_61 = vector.load %arg4[%swap3A, %swap3A_60] : memref<1000x128xf32, #tpu.memory_space<vmem>>, vector<1000x128xf32>
    tpu.vector_store %arg4[%swap3A, %swap3A_60], %add3A_59 {strides = array<i32>} : memref<1000x128xf32, #tpu.memory_space<vmem>>, vector<1000x128xf32>,
    return
  }
  func.func @transform_0(%arg0: i32) -> (i32, i32, i32, i32) {
    %c0_i32 = arith.constant 0 : i32
    %c0_i32_0 = arith.constant 0 : i32
    %c0_i32_1 = arith.constant 0 : i32
    %c0_i32_2 = arith.constant 0 : i32
    return %c0_i32, %c0_i32_0, %arg0, %c0_i32_1 : i32, i32, i32, i32
  }
  func.func @transform_1(%arg0: i32) -> (i32, i32, i32) {
    %c0_i32 = arith.constant 0 : i32
    %c0_i32_0 = arith.constant 0 : i32
    %c0_i32_1 = arith.constant 0 : i32
    return %c0_i32, %arg0, %c0_i32_0 : i32, i32, i32
  }
  func.func @transform_2(%arg0: i32) -> (i32, i32) {
    %c0_i32 = arith.constant 0 : i32
    %c0_i32_0 = arith.constant 0 : i32
    return %arg0, %c0_i32 : i32, i32
  }
  func.func @transform_3(%arg0: i32) -> (i32, i32) {
    %c0_i32 = arith.constant 0 : i32
    %c0_i32_0 = arith.constant 0 : i32
    return %arg0, %c0_i32 : i32, i32
  }
}

</mosaic_0001>

<sc_bundles>
// kernel: kernel.6.cloned.1.call-start
scs
__scs_entry_jumppad:
0x0: {  	(pc) =	sbr.rel $0x88, $3  }
0x1: {  	(tag) =	ssettag $0x0;
	lr =	simm.s32 $0x1  }
0x2: {  	[smem:$0x3F94] =	sst lr;
	_ =	strace $0xD0000000  }
0x3: {  	_ = 	snop  }
0x4: {  	_ = 	snop  }
0x5: {  	_ = 	snop  }
0x6: {  	_ = 	snop  }
0x7: {  	_ = 	snop  }
__scs_overlays_trampoline_lowered:
0x8: {  	[smem:$0x3FA3] =	sst s0  }
0x9: {  	[smem:$0x3FA4] =	sst s1  }
0xa: {  	[smem:$0x3FA5] =	sst s2  }
0xb: {  	[smem:$0x3FA6] =	sst s3  }
0xc: {  	[smem:$0x3FA7] =	sst s4  }
0xd: {  	[smem:$0x3FA8] =	sst s5  }
0xe: {  	[smem:$0x3FA9] =	sst s6  }
0xf: {  	[smem:$0x3FAA] =	sst s7  }
0x10: {  	[smem:$0x3FAB] =	sst s8  }
0x11: {  	[smem:$0x3FAC] =	sst s9;
	s0 =	simm.s32 @!p0 $0x0  }
0x12: {  	s1 =	sld [smem:$0x3F92];
	s0 =	simm.s32 @p0 $0x1  }
0x13: {  	[smem:$0x3FAD] =	sst s0;
	s0 =	simm.s32 @!p1 $0x0  }
0x14: {  	s2 =	sld [smem:$0x3F91];
	s0 =	simm.s32 @p1 $0x1  }
0x15: {  	[smem:$0x3FAE] =	sst s0;
	s0 =	simm.s32 @!p2 $0x0  }
0x16: {  	s3 =	sld [smem:$0x3FDB];
	s0 =	simm.s32 @p2 $0x1  }
0x17: {  	s4 =	simm.s32 $0x1BF5;
	[smem:$0x3FB0] =	sst s0  }
0x18: {  	s0 =	sld [smem:$0x3F93];
	_ =	swait.ge [sflag:s4], $0x0  }
0x19: {  	s7 =	sld [smem:$0x3F94]  }
0x1a: {  	s8 =	sadd.s32 $0xFFFFE003, lr  }
0x1b: {  	s9 =	sadd.s32 $0xFFFFFEF7, lr;
	s5 =	simm.s32 $0xFFFFFFFF;
	p2 =	slt.u32 s8, $0xFFFFF086  }
0x1c: {  	p1 =	slt.u32 s9, $0xF7A;
	s5 =	simm.s32 @!p2 $0x0  }
0x1d: {  	s5 =	simm.s32 @p1 $0x1;
	p0 =	seq.s32 s7, s2  }
0x1e: {  	s7 =	smul.u32 @!p0 $0xF7A, s2;
	p2 =	seq.s32 @!p0 s5, $0x0  }
0x1f: {  	s9 =	smul.u32 $0xF7A, s1;
	s8 =	simm.s32 @!p0 $0x1BF5;
	p2 =	por !p2, p0  }
0x20: {  	[sflag:s8] =	ssyncset.s32 @!p0 $0xFFFFF086;
	s6 =	sadd.s32 @!p0 s3, s7;
	s7 =	simm.s32 @!p0 $0x108  }
0x21: {  	s3 =	sadd.s32 s3, s9;
	s6 =	sadd.s32 @!p0 $0x88, s6;
	s7 =	simm.s32 @p2 $0x1082  }
0x22: {  	[simem:s7], [sflag:s8] =	dma.local @!p0 [hbm:s6], $0xF7A  }
0x23: {  	s9 =	sor.u32 $0xD0000000, s2;
	s6 =	simm.s32 $0x108;
	_ =	swait.ge @!p0 [sflag:s8], $0x0  }
0x24: {  	s3 =	sadd.s32 $0x88, s3;
	s6 =	simm.s32 @!p1 $0x1082;
	[sflag:s4] =	ssyncset.s32 $0xFFFFF086  }
0x25: {  	[simem:s6], [sflag:s4] =	dma.local [hbm:s3], $0xF7A  }
0x26: {  	[smem:$0x3F94] =	sst s1;
	(tag) =	ssettag s2;
	_ =	strace s9  }
0x27: {  	s1 =	sld [smem:$0x3FA4]  }
0x28: {  	s2 =	sld [smem:$0x3FA5]  }
0x29: {  	s4 =	sld [smem:$0x3FA7]  }
0x2a: {  	p0 =	seq.s32 s5, $0x0;
	s5 =	sld [smem:$0x3FA8]  }
0x2b: {  	s6 =	sld [smem:$0x3FA9]  }
0x2c: {  	s7 =	sld [smem:$0x3FAA]  }
0x2d: {  	s3 =	simm.s32 $0x108;
	s8 =	sld [smem:$0x3FAB]  }
0x2e: {  	s3 =	simm.s32 @!p0 $0x1082;
	s9 =	sld [smem:$0x3FAC]  }
0x2f: {  	lr =	sadd.s32 s0, s3;
	s0 =	sld [smem:$0x3FA3]  }
0x30: {  	s3 =	sld [smem:$0x3FA6]  }
0x31: {  	[smem:$0x3FAF] =	sst s10  }
0x32: {  	s10 =	sld [smem:$0x3FAD];
	_ =	sdelay $0x3  }
0x33: {  	p0 =	seq.s32 s10, $0x1;
	s10 =	sld [smem:$0x3FAF];
	_ =	sdelay $0x3  }
0x34: {  	[smem:$0x3FAF] =	sst s10  }
0x35: {  	s10 =	sld [smem:$0x3FAE];
	_ =	sdelay $0x3  }
0x36: {  	p1 =	seq.s32 s10, $0x1;
	s10 =	sld [smem:$0x3FAF];
	_ =	sdelay $0x3  }
0x37: {  	[smem:$0x3FAF] =	sst s10  }
0x38: {  	s10 =	sld [smem:$0x3FB0]  }
0x39: {  	_ = 	snop;
	(pc) =	sbr.ind lr, $3  }
0x3a: {  	_ = 	snop  }
0x3b: {  	_ = 	snop  }
0x3c: {  	p2 =	seq.s32 s10, $0x1;
	s10 =	sld [smem:$0x3FAF]  }
0x3d: {  	_ =	shalt  }
0x3e: {  	_ =	shalt  }
0x3f: {  	_ =	shalt  }
0x40: {  	_ =	shalt  }
0x41: {  	_ =	shalt  }
0x42: {  	_ =	shalt  }
0x43: {  	_ =	shalt  }
0x44: {  	_ =	shalt  }
0x45: {  	_ =	shalt  }
0x46: {  	_ =	shalt  }
0x47: {  	_ =	shalt  }
0x48: {  	_ =	shalt  }
0x49: {  	_ =	shalt  }
0x4a: {  	_ =	shalt  }
0x4b: {  	_ =	shalt  }
0x4c: {  	_ =	shalt  }
0x4d: {  	_ =	shalt  }
0x4e: {  	_ =	shalt  }
0x4f: {  	_ =	shalt  }
0x50: {  	_ =	shalt  }
0x51: {  	_ =	shalt  }
0x52: {  	_ =	shalt  }
0x53: {  	_ =	shalt  }
0x54: {  	_ =	shalt  }
0x55: {  	_ =	shalt  }
0x56: {  	_ =	shalt  }
0x57: {  	_ =	shalt  }
0x58: {  	_ =	shalt  }
0x59: {  	_ =	shalt  }
0x5a: {  	_ =	shalt  }
0x5b: {  	_ =	shalt  }
0x5c: {  	_ =	shalt  }
0x5d: {  	_ =	shalt  }
0x5e: {  	_ =	shalt  }
0x5f: {  	_ =	shalt  }
0x60: {  	_ =	shalt  }
0x61: {  	_ =	shalt  }
0x62: {  	_ =	shalt  }
0x63: {  	_ =	shalt  }
0x64: {  	_ =	shalt  }
0x65: {  	_ =	shalt  }
0x66: {  	_ =	shalt  }
0x67: {  	_ =	shalt  }
0x68: {  	_ =	shalt  }
0x69: {  	_ =	shalt  }
0x6a: {  	_ =	shalt  }
0x6b: {  	_ =	shalt  }
0x6c: {  	_ =	shalt  }
0x6d: {  	_ =	shalt  }
0x6e: {  	_ =	shalt  }
0x6f: {  	_ =	shalt  }
0x70: {  	_ =	shalt  }
0x71: {  	_ =	shalt  }
0x72: {  	_ =	shalt  }
0x73: {  	_ =	shalt  }
0x74: {  	_ =	shalt  }
0x75: {  	_ =	shalt  }
0x76: {  	_ =	shalt  }
0x77: {  	_ =	shalt  }
0x78: {  	_ =	shalt  }
0x79: {  	_ =	shalt  }
0x7a: {  	_ =	shalt  }
0x7b: {  	_ =	shalt  }
0x7c: {  	_ =	shalt  }
0x7d: {  	_ =	shalt  }
0x7e: {  	_ =	shalt  }
0x7f: {  	_ =	shalt  }
0x80: {  	_ =	shalt  }
0x81: {  	_ =	shalt  }
0x82: {  	_ =	shalt  }
0x83: {  	_ =	shalt  }
0x84: {  	_ =	shalt  }
0x85: {  	_ =	shalt  }
0x86: {  	_ =	shalt  }
0x87: {  	_ =	shalt  }
.Lfunc_end0:
.L_simem_size_0:
called_computation_lowered:
.L_overlay_start_0:
0x88: {  	s2 =	sld [smem:$0x3FD9]  }
0x89: {  	s3 =	sld [smem:$0x3FFE];
	_ =	sdelay $0x1  }
0x8a: {  	s1 =	srdreg.scid  }
0x8b: {  	s0 =	sand.u32 $0x1, s1  }
0x8c: {  	s17 =	sshll.u32 s0, $0xA;
	s2 =	sadd.s32 s3, s2  }
0x8d: {  	s2 =	sadd.s32 s2, s17  }
0x8e: {  	[smem:$0x3FBB] =	sst s2  }
0x8f: {  	_ = 	snop  }
0x90: {  	s2 =	sld [smem:$0x3FC8]  }
0x91: {  	s18 =	sld [smem:$0x3FC7]  }
0x92: {  	s4 =	sld [smem:$0x3FC6]  }
0x93: {  	s5 =	sld [smem:$0x3FD0];
	(tm) =	ssettm $0x1  }
0x94: {  	s6 =	sld [smem:$0x3FFB];
	_ =	sdelay $0x3  }
0x95: {  	_ =	strace s6  }
0x96: {  	s6 =	sld [smem:$0x3FFC];
	_ =	sdelay $0x3  }
0x97: {  	_ =	strace s6  }
0x98: {  	s6 =	sld [smem:$0x3FFD];
	_ =	sdelay $0x3  }
0x99: {  	_ =	strace s6  }
0x9a: {  	_ =	strace $0x8FFFFFFF  }
0x9b: {  	s19 =	sld [smem:$0x3FDB];
	_ =	sdelay $0x1  }
0x9c: {  	s7 =	simm.s32 $_scs_section_size  }
0x9d: {  	s8 =	simm.s32 $_size__tile_overlayer_lowered;
	s9 =	simm.s32 $_tile_overlayer_lowered  }
0x9e: {  	s22 =	simm.s32 $0x1BFF;
	s21 =	sshll.u32 s9, $0x1;
	s6 =	sadd.s32 s7, s19  }
0x9f: {  	s10 =	simm.s32 $0x0;
	s20 =	sshll.u32 s8, $0x1;
	s8 =	sadd.s32 s21, s6  }
0xa0: {  	[timem:s10], [sflag:s22] =	dma.local [hbm:s8], s20  }
0xa1: {  	_ =	swait.ge [sflag:s22], s20  }
0xa2: {  	s7 =	ssub.s32 $0x0, s20;
	[sflag:s22] =	ssyncset.done $0x0  }
0xa3: {  	[sflag:s22] =	ssyncadd.s32 s7;
	_ =	sdelay $0x1  }
0xa4: {  	s23 =	simm.s32 $0x1B8B  }
0xa5: {  	_ =	swait.ge [sflag:s23], $0x1  }
0xa6: {  	[sflag:s23] =	ssyncset.done $0x0  }
0xa7: {  	s25 =	simm.s32 $0x1B8E;
	s24 =	sld [smem:$0x3FFE];
	[sflag:s23] =	ssyncadd.s32 $0xFFFFFFFF  }
0xa8: {  	s26 =	simm.s32 $execute0_lowered;
	[smem:$0x3FD2] =	sst s25  }
0xa9: {  	s8 =	sshll.u32 s26, $0x1;
	_ =	strace $0x80000046;
	[dreg:$0x1] =	wrdreg $0xFFFFFFFF  }
0xaa: {  	s28 =	simm.s32 $_size_execute0_lowered;
	s6 =	sadd.s32 s6, s8;
	[dreg:$0x0] =	wrdreg $0x0  }
0xab: {  	s8 =	sshll.u32 s28, $0x1;
	[dreg:$0x2] =	wrdreg s6  }
0xac: {  	[dreg:$0x3] =	wrdreg s8  }
0xad: {  	[dreg:$0x4] =	wrdreg $0xC0  }
0xae: {  	_ =	task [dreg:s10], $0x5FFFF  }
0xaf: {  	[dreg:$0x1] =	wrdreg $0xFFFFFFFF  }
0xb0: {  	[dreg:$0x0] =	wrdreg $0x60  }
0xb1: {  	[dreg:$0x2] =	wrdreg s2  }
0xb2: {  	[dreg:$0x3] =	wrdreg s24  }
0xb3: {  	[dreg:$0x4] =	wrdreg s18  }
0xb4: {  	[dreg:$0x5] =	wrdreg s4  }
0xb5: {  	[dreg:$0x6] =	wrdreg s5  }
0xb6: {  	[dreg:$0x7] =	wrdreg $0x9  }
0xb7: {  	_ =	task.clear_ibuf [dreg:s10], $0x8FFFF;
	_ =	strace $0x90000046  }
0xb8: {  	s29 =	simm.s32 $0x9;
	_ =	strace $0x80000048  }
0xb9: {  	_ =	swait.ge [sflag:s29], $0x1  }
0xba: {  	[sflag:s29] =	ssyncadd.s32 $0xFFFFFFFF  }
0xbb: {  	_ =	strace $0x90000048  }
0xbc: {  	_ =	sfence  }
0xbd: {  	s30 =	sld [smem:$0x0];
	_ =	sdelay $0x2  }
0xbe: {  	s31 =	sshll.u32 s1, $0xD;
	s1 =	sshrl.u32 s1, $0x2  }
0xbf: {  	s3 =	sand.u32 $0x4000, s31;
	s1 =	sadd.s32 s1, s30  }
0xc0: {  	s0 =	sor.u32 s3, s0;
	s1 =	sshll.u32 s1, $0x11  }
0xc1: {  	s0 =	sor.u32 s1, s0  }
0xc2: {  	s0 =	sadd.s32 $0x8F2B, s0  }
0xc3: {  	[sflag:s0] =	ssyncadd.remote.s32 $0x1  }
0xc4: {  	_ =	sfence.sel $0xFFFF  }
0xc5: {  	[dreg:$0x0] =	wrdreg $0xFFFFFFFF;
	(pc) =	sbr.abs _section_cstart, $3  }
0xc6: {  	[dreg:$0x1] =	wrdreg $0xFFFFFFFF  }
0xc7: {  	_ =	task.clear_ibuf [dreg:s10], $0x2FFFF;
	_ =	strace $0x9FFFFFFF  }
0xc8: {  	(tm) =	ssettm $0x7FFFFFFF  }
0xc9: {  	_ =	shalt  }
tec
execute0_lowered:
.L_overlay_start_1:
0x0: {  	(tag) =	ssettag $0x1  }
0x1: {  	s1 =	rddreg [dreg:$0x0]  }
0x2: {  	s0 =	rddreg [dreg:$0x1]  }
0x3: {  	s2 =	rddreg [dreg:$0x2]  }
0x4: {  	s3 =	rddreg [dreg:$0x3]  }
0x5: {  	s4 =	rddreg [dreg:$0x4]  }
0x6: {  	s6 =	srdreg.scid;
	s5 =	simm.s32 $0x0;
	s14 =	stileid.u32  }
0x7: {  	s28 =	simm.s32 $0x4;
	s29 =	simm.s32 $0x5280;
	s30 =	simm.s32 $0x7A80  }
0x8: {  	s31 =	simm.s32 $0xA280;
	s7 =	sand.u32 $0x1, s6;
	s18 =	smul.u32 $0x2710, s14  }
0x9: {  	[smem:$0x7FF] =	sst s5;
	s10 =	sadd.s32 $0x3400, s0;
	s20 =	smul.u32 $0x27100, s14  }
0xa: {  	s6 =	sshll.u32 s7, $0x4;
	_ =	strace $0x80000047;
	s13 =	smul.u32 $0x27100, s7  }
0xb: {  	s9 =	ssub.s32 $0x2, s7;
	s7 =	smul.u32 $0x271000, s7;
	s8 =	sor.u32 s14, s6  }
0xc: {  	s6 =	sadd.s32 $0x2E00, s0;
	s0 =	sadd.s32 $0x4E5400, s0;
	s11 =	sshrl.u32 s9, $0x1  }
0xd: {  	s8 =	smul.u32 $0x2710, s8;
	s9 =	ssub.s32 s9, s11;
	s19 =	sadd.s32 s18, s13  }
0xe: {  	s22 =	sadd.s32 s7, s10;
	s18 =	simm.s32 $0x80;
	s9 =	smax.u32 s9, $0x1  }
0xf: {  	s21 =	sadd.s32 $0xA0, s19;
	s23 =	sadd.s32 $0x50, s19;
	s25 =	sshrl.u32 s19, $0x3  }
0x10: {  	s19 =	simm.s32 $0x1;
	s15 =	sshrl.u32 s8, $0x3;
	[dreg:$0xd] =	wrdreg s9  }
0x11: {  	s8 =	sadd.s32 $0x26C0, s8;
	[dreg:$0xe] =	wrdreg s21;
	s9 =	sadd.s32 s20, s22  }
0x12: {  	s21 =	simm.s32 $0x100;
	s12 =	sadd.s32 s2, s15;
	[dreg:$0x6] =	wrdreg s9  }
0x13: {  	s16 =	sshll.u32 s8, $0x4;
	s11 =	sadd.s32 s3, s15;
	[dreg:$0x8] =	wrdreg s12  }
0x14: {  	s22 =	simm.s32 $0x2900;
	[dreg:$0x9] =	wrdreg s11;
	s17 =	sadd.s32 s10, s16  }
0x15: {  	s8 =	sshrl.u32 s8, $0x3;
	s12 =	sadd.s32 s0, s16;
	[dreg:$0xa] =	wrdreg s17  }
0x16: {  	s8 =	sadd.s32 s4, s8;
	s0 =	sadd.s32 s7, s0;
	[dreg:$0xb] =	wrdreg s12  }
0x17: {  	s7 =	sshrl.u32 s23, $0x3;
	[dreg:$0xc] =	wrdreg s8;
	s0 =	sadd.s32 s20, s0  }
0x18: {  	s23 =	simm.s32 $0x5100;
	s24 =	sadd.s32 s7, s4;
	[dreg:$0x7] =	wrdreg s0  }
0x19: {  	s10 =	simm.s32 $0x0;
	s26 =	sadd.s32 s7, s3;
	[dreg:$0xf] =	wrdreg s24  }
0x1a: {  	s7 =	sadd.s32 s7, s2;
	s20 =	simm.s32 $0x50;
	[dreg:$0x10] =	wrdreg s26  }
0x1b: {  	[dreg:$0x11] =	wrdreg s7;
	s0 =	sadd.s32 s25, s4;
	s24 =	simm.s32 $0x5180  }
0x1c: {  	s25 =	simm.s32 $0x5200;
	s26 =	simm.s32 $0x2;
	s4 =	simm.s32 $0x5  }
0x1d: {  	s7 =	simm.s32 $0x6;
	[dreg:$0x12] =	wrdreg s0;
	s0 =	simm.s32 $0x3  }
.LBB2_1:
0x1e: {  	[dreg:$0x13] =	wrdreg s10  }
0x1f: {  	s8 =	rddreg [dreg:$0x8]  }
0x20: {  	[tilespmem:s5], [sflag:$0x1] =	stream.linear.gather [hbm4b:s8+s5], $0x50, $0x38;
	[tilespmem:$0xA300] =	vst v63  }
0x21: {  	s15 =	rddreg [dreg:$0x9]  }
0x22: {  	[tilespmem:s18], [sflag:$0x1] =	stream.linear.gather [hbm4b:s15+s5], $0x50, $0x38;
	[tilespmem:$0xA300] =	vst v63  }
0x23: {  	_ =	swait.ge [sflag:s19], $0x50  }
0x24: {  	[sflag:s19] =	ssyncset.done $0x0  }
0x25: {  	[sflag:s19] =	ssyncadd.s32 $0xFFFFFFB0  }
0x26: {  	_ =	swait.ge [sflag:s19], $0x50  }
0x27: {  	[sflag:s19] =	ssyncset.done $0x0  }
0x28: {  	[sflag:s19] =	ssyncadd.s32 $0xFFFFFFB0  }
0x29: {  	[tilespmem:s21], [sflag:$0x2] =	stream.indirect.gather [hbm4b:s1+s20], $0x80, s5, s20, $0xb8;
	[tilespmem:$0xA300] =	vst v63  }
0x2a: {  	_ = 	snop  }
0x2b: {  	[tilespmem:s22], [sflag:$0x2] =	stream.indirect.gather [hbm4b:s1+s20], $0x80, s18, s20, $0xb8;
	[tilespmem:$0xA300] =	vst v63  }
0x2c: {  	_ = 	snop  }
0x2d: {  	[tilespmem:s23], [sflag:$0x2] =	stream.indirect.gather [hbm4b:s6+s20], $0x1, s18, s20, $0xb8;
	[tilespmem:$0xA300] =	vst v63  }
0x2e: {  	s9 =	rddreg [dreg:$0x11]  }
0x2f: {  	[tilespmem:s24], [sflag:$0x4] =	stream.linear.gather [hbm4b:s9+s5], $0x50, $0x38;
	[tilespmem:$0xA300] =	vst v63  }
0x30: {  	s8 =	rddreg [dreg:$0x10]  }
0x31: {  	[tilespmem:s25], [sflag:$0x4] =	stream.linear.gather [hbm4b:s8+s5], $0x50, $0x38;
	[tilespmem:$0xA300] =	vst v63  }
0x32: {  	_ =	swait.ge [sflag:s26], $0x2800  }
0x33: {  	[sflag:s26] =	ssyncset.done $0x0  }
0x34: {  	[sflag:s26] =	ssyncadd.s32 $0xFFFFD800  }
0x35: {  	_ =	swait.ge [sflag:s26], $0x2800  }
0x36: {  	[sflag:s26] =	ssyncset.done $0x0  }
0x37: {  	[sflag:s26] =	ssyncadd.s32 $0xFFFFD800  }
0x38: {  	_ =	swait.ge [sflag:s26], $0x50  }
0x39: {  	s16 =	rddreg [dreg:$0x6];
	[sflag:s26] =	ssyncset.done $0x0  }
0x3a: {  	s11 =	rddreg [dreg:$0x7];
	[sflag:s26] =	ssyncadd.s32 $0xFFFFFFB0;
	s10 =	sadd.s32 $0x0, s16  }
0x3b: {  	[hbm4b:s10+s5] =	stream.linear.scatter [tilespmem:s21], [sflag:$0x3], $0x2800, $0x38;
	[tilespmem:$0xA300] =	vst v63  }
0x3c: {  	s11 =	sadd.s32 $0x0, s11  }
0x3d: {  	[hbm4b:s11+s5] =	stream.linear.scatter [tilespmem:s22], [sflag:$0x3], $0x2800, $0x38;
	[tilespmem:$0xA300] =	vst v63  }
0x3e: {  	s16 =	rddreg [dreg:$0x12]  }
0x3f: {  	[hbm4b:s16+s5] =	stream.linear.scatter [tilespmem:s23], [sflag:$0x3], $0x50, $0x38;
	[tilespmem:$0xA300] =	vst v63  }
0x40: {  	_ =	swait.ge [sflag:s28], $0x50  }
0x41: {  	[sflag:s28] =	ssyncset.done $0x0  }
0x42: {  	[sflag:s28] =	ssyncadd.s32 $0xFFFFFFB0  }
0x43: {  	_ =	swait.ge [sflag:s28], $0x50  }
0x44: {  	[sflag:s28] =	ssyncset.done $0x0  }
0x45: {  	[sflag:s28] =	ssyncadd.s32 $0xFFFFFFB0  }
0x46: {  	[tilespmem:s29], [sflag:$0x5] =	stream.indirect.gather [hbm4b:s1+s20], $0x80, s24, s20, $0xb8;
	[tilespmem:$0xA300] =	vst v63  }
0x47: {  	_ = 	snop  }
0x48: {  	[tilespmem:s30], [sflag:$0x5] =	stream.indirect.gather [hbm4b:s1+s20], $0x80, s25, s20, $0xb8;
	[tilespmem:$0xA300] =	vst v63  }
0x49: {  	_ = 	snop  }
0x4a: {  	[tilespmem:s31], [sflag:$0x5] =	stream.indirect.gather [hbm4b:s6+s20], $0x1, s25, s20, $0xb8;
	[tilespmem:$0xA300] =	vst v63  }
0x4b: {  	_ =	swait.ge [sflag:s0], $0x2800  }
0x4c: {  	[sflag:s0] =	ssyncset.done $0x0  }
0x4d: {  	[sflag:s0] =	ssyncadd.s32 $0xFFFFD800  }
0x4e: {  	_ =	swait.ge [sflag:s0], $0x2800  }
0x4f: {  	[sflag:s0] =	ssyncset.done $0x0  }
0x50: {  	[sflag:s0] =	ssyncadd.s32 $0xFFFFD800  }
0x51: {  	_ =	swait.ge [sflag:s0], $0x50  }
0x52: {  	s15 =	rddreg [dreg:$0xe]  }
0x53: {  	[sflag:s0] =	ssyncset.done $0x0;
	s12 =	sshrl.u32 s15, $0x3  }
0x54: {  	[sflag:s0] =	ssyncadd.s32 $0xFFFFFFB0;
	s13 =	sadd.s32 s2, s12  }
0x55: {  	[tilespmem:s5], [sflag:$0x1] =	stream.linear.gather [hbm4b:s13+s5], $0x50, $0x38;
	[tilespmem:$0xA300] =	vst v63  }
0x56: {  	s12 =	sadd.s32 s3, s12  }
0x57: {  	[tilespmem:s18], [sflag:$0x1] =	stream.linear.gather [hbm4b:s12+s5], $0x50, $0x38;
	[tilespmem:$0xA300] =	vst v63  }
0x58: {  	_ =	swait.ge [sflag:s4], $0x2800  }
0x59: {  	[sflag:s4] =	ssyncset.done $0x0  }
0x5a: {  	[sflag:s4] =	ssyncadd.s32 $0xFFFFD800  }
0x5b: {  	_ =	swait.ge [sflag:s4], $0x2800  }
0x5c: {  	[sflag:s4] =	ssyncset.done $0x0  }
0x5d: {  	[sflag:s4] =	ssyncadd.s32 $0xFFFFD800  }
0x5e: {  	_ =	swait.ge [sflag:s4], $0x50  }
0x5f: {  	[sflag:s4] =	ssyncset.done $0x0  }
0x60: {  	s10 =	sadd.s32 $0x500, s10;
	[sflag:s4] =	ssyncadd.s32 $0xFFFFFFB0  }
0x61: {  	[hbm4b:s10+s5] =	stream.linear.scatter [tilespmem:s29], [sflag:$0x6], $0x2800, $0x38;
	[tilespmem:$0xA300] =	vst v63  }
0x62: {  	s17 =	sadd.s32 $0x500, s11  }
0x63: {  	[hbm4b:s17+s5] =	stream.linear.scatter [tilespmem:s30], [sflag:$0x6], $0x2800, $0x38;
	[tilespmem:$0xA300] =	vst v63  }
0x64: {  	s14 =	rddreg [dreg:$0xf]  }
0x65: {  	[hbm4b:s14+s5] =	stream.linear.scatter [tilespmem:s31], [sflag:$0x6], $0x50, $0x38;
	[tilespmem:$0xA300] =	vst v63  }
0x66: {  	_ =	swait.ge [sflag:s19], $0x50  }
0x67: {  	[sflag:s19] =	ssyncset.done $0x0  }
0x68: {  	[sflag:s19] =	ssyncadd.s32 $0xFFFFFFB0  }
0x69: {  	_ =	swait.ge [sflag:s19], $0x50  }
0x6a: {  	[sflag:s19] =	ssyncset.done $0x0  }
0x6b: {  	[sflag:s19] =	ssyncadd.s32 $0xFFFFFFB0  }
0x6c: {  	[tilespmem:s21], [sflag:$0x2] =	stream.indirect.gather [hbm4b:s1+s20], $0x80, s5, s20, $0xb8;
	[tilespmem:$0xA300] =	vst v63  }
0x6d: {  	_ = 	snop  }
0x6e: {  	[tilespmem:s22], [sflag:$0x2] =	stream.indirect.gather [hbm4b:s1+s20], $0x80, s18, s20, $0xb8;
	[tilespmem:$0xA300] =	vst v63  }
0x6f: {  	_ = 	snop  }
0x70: {  	[tilespmem:s23], [sflag:$0x2] =	stream.indirect.gather [hbm4b:s6+s20], $0x1, s18, s20, $0xb8;
	[tilespmem:$0xA300] =	vst v63  }
0x71: {  	_ =	swait.ge [sflag:s7], $0x2800  }
0x72: {  	[sflag:s7] =	ssyncset.done $0x0  }
0x73: {  	[sflag:s7] =	ssyncadd.s32 $0xFFFFD800  }
0x74: {  	_ =	swait.ge [sflag:s7], $0x2800  }
0x75: {  	[sflag:s7] =	ssyncset.done $0x0  }
0x76: {  	[sflag:s7] =	ssyncadd.s32 $0xFFFFD800  }
0x77: {  	s11 =	sadd.s32 $0x14, s16;
	s13 =	sadd.s32 $0x14, s9;
	_ =	swait.ge [sflag:s7], $0x50  }
0x78: {  	s12 =	sadd.s32 $0x14, s8;
	s10 =	simm.s32 $0xA00;
	[sflag:s7] =	ssyncset.done $0x0  }
.LBB2_2:
0x79: {  	[sflag:s7] =	ssyncadd.s32 $0xFFFFFFB0  }
0x7a: {  	[tilespmem:s24], [sflag:$0x4] =	stream.linear.gather [hbm4b:s13+s5], $0x50, $0x38;
	[tilespmem:$0xA300] =	vst v63  }
0x7b: {  	_ = 	snop  }
0x7c: {  	[tilespmem:s25], [sflag:$0x4] =	stream.linear.gather [hbm4b:s12+s5], $0x50, $0x38;
	[tilespmem:$0xA300] =	vst v63  }
0x7d: {  	_ =	swait.ge [sflag:s26], $0x2800  }
0x7e: {  	[sflag:s26] =	ssyncset.done $0x0  }
0x7f: {  	[sflag:s26] =	ssyncadd.s32 $0xFFFFD800  }
0x80: {  	_ =	swait.ge [sflag:s26], $0x2800  }
0x81: {  	[sflag:s26] =	ssyncset.done $0x0  }
0x82: {  	[sflag:s26] =	ssyncadd.s32 $0xFFFFD800  }
0x83: {  	_ =	swait.ge [sflag:s26], $0x50  }
0x84: {  	s17 =	smov.u32 s10;
	s16 =	rddreg [dreg:$0x6];
	[sflag:s26] =	ssyncset.done $0x0  }
0x85: {  	s8 =	rddreg [dreg:$0x7];
	[sflag:s26] =	ssyncadd.s32 $0xFFFFFFB0;
	s16 =	sadd.s32 s17, s16  }
0x86: {  	[hbm4b:s16+s5] =	stream.linear.scatter [tilespmem:s21], [sflag:$0x3], $0x2800, $0x38;
	[tilespmem:$0xA300] =	vst v63  }
0x87: {  	s17 =	sadd.s32 s17, s8  }
0x88: {  	[hbm4b:s17+s5] =	stream.linear.scatter [tilespmem:s22], [sflag:$0x3], $0x2800, $0x38;
	[tilespmem:$0xA300] =	vst v63  }
0x89: {  	_ = 	snop  }
0x8a: {  	[hbm4b:s11+s5] =	stream.linear.scatter [tilespmem:s23], [sflag:$0x3], $0x50, $0x38;
	[tilespmem:$0xA300] =	vst v63  }
0x8b: {  	_ =	swait.ge [sflag:s28], $0x50  }
0x8c: {  	[sflag:s28] =	ssyncset.done $0x0  }
0x8d: {  	[sflag:s28] =	ssyncadd.s32 $0xFFFFFFB0  }
0x8e: {  	_ =	swait.ge [sflag:s28], $0x50  }
0x8f: {  	[sflag:s28] =	ssyncset.done $0x0  }
0x90: {  	[sflag:s28] =	ssyncadd.s32 $0xFFFFFFB0  }
0x91: {  	[tilespmem:s29], [sflag:$0x5] =	stream.indirect.gather [hbm4b:s1+s20], $0x80, s24, s20, $0xb8;
	[tilespmem:$0xA300] =	vst v63  }
0x92: {  	_ = 	snop  }
0x93: {  	[tilespmem:s30], [sflag:$0x5] =	stream.indirect.gather [hbm4b:s1+s20], $0x80, s25, s20, $0xb8;
	[tilespmem:$0xA300] =	vst v63  }
0x94: {  	_ = 	snop  }
0x95: {  	[tilespmem:s31], [sflag:$0x5] =	stream.indirect.gather [hbm4b:s6+s20], $0x1, s25, s20, $0xb8;
	[tilespmem:$0xA300] =	vst v63  }
0x96: {  	_ =	swait.ge [sflag:s0], $0x2800  }
0x97: {  	[sflag:s0] =	ssyncset.done $0x0  }
0x98: {  	[sflag:s0] =	ssyncadd.s32 $0xFFFFD800  }
0x99: {  	_ =	swait.ge [sflag:s0], $0x2800  }
0x9a: {  	[sflag:s0] =	ssyncset.done $0x0  }
0x9b: {  	[sflag:s0] =	ssyncadd.s32 $0xFFFFD800  }
0x9c: {  	s15 =	sadd.s32 $0xA0, s15;
	_ =	swait.ge [sflag:s0], $0x50  }
0x9d: {  	s8 =	sshrl.u32 s15, $0x3;
	[sflag:s0] =	ssyncset.done $0x0  }
0x9e: {  	s9 =	sadd.s32 s2, s8;
	[sflag:s0] =	ssyncadd.s32 $0xFFFFFFB0  }
0x9f: {  	[tilespmem:s5], [sflag:$0x1] =	stream.linear.gather [hbm4b:s9+s5], $0x50, $0x38;
	[tilespmem:$0xA300] =	vst v63  }
0xa0: {  	s8 =	sadd.s32 s3, s8  }
0xa1: {  	[tilespmem:s18], [sflag:$0x1] =	stream.linear.gather [hbm4b:s8+s5], $0x50, $0x38;
	[tilespmem:$0xA300] =	vst v63  }
0xa2: {  	_ =	swait.ge [sflag:s4], $0x2800  }
0xa3: {  	[sflag:s4] =	ssyncset.done $0x0  }
0xa4: {  	[sflag:s4] =	ssyncadd.s32 $0xFFFFD800  }
0xa5: {  	_ =	swait.ge [sflag:s4], $0x2800  }
0xa6: {  	[sflag:s4] =	ssyncset.done $0x0  }
0xa7: {  	[sflag:s4] =	ssyncadd.s32 $0xFFFFD800  }
0xa8: {  	_ =	swait.ge [sflag:s4], $0x50  }
0xa9: {  	[sflag:s4] =	ssyncset.done $0x0  }
0xaa: {  	s16 =	sadd.s32 $0x500, s16;
	[sflag:s4] =	ssyncadd.s32 $0xFFFFFFB0  }
0xab: {  	[hbm4b:s16+s5] =	stream.linear.scatter [tilespmem:s29], [sflag:$0x6], $0x2800, $0x38;
	[tilespmem:$0xA300] =	vst v63  }
0xac: {  	s17 =	sadd.s32 $0x500, s17  }
0xad: {  	[hbm4b:s17+s5] =	stream.linear.scatter [tilespmem:s30], [sflag:$0x6], $0x2800, $0x38;
	[tilespmem:$0xA300] =	vst v63  }
0xae: {  	s14 =	sadd.s32 $0x14, s14  }
0xaf: {  	[hbm4b:s14+s5] =	stream.linear.scatter [tilespmem:s31], [sflag:$0x6], $0x50, $0x38;
	[tilespmem:$0xA300] =	vst v63  }
0xb0: {  	_ =	swait.ge [sflag:s19], $0x50  }
0xb1: {  	[sflag:s19] =	ssyncset.done $0x0  }
0xb2: {  	[sflag:s19] =	ssyncadd.s32 $0xFFFFFFB0  }
0xb3: {  	_ =	swait.ge [sflag:s19], $0x50  }
0xb4: {  	[sflag:s19] =	ssyncset.done $0x0  }
0xb5: {  	[sflag:s19] =	ssyncadd.s32 $0xFFFFFFB0  }
0xb6: {  	[tilespmem:s21], [sflag:$0x2] =	stream.indirect.gather [hbm4b:s1+s20], $0x80, s5, s20, $0xb8;
	[tilespmem:$0xA300] =	vst v63  }
0xb7: {  	_ = 	snop  }
0xb8: {  	[tilespmem:s22], [sflag:$0x2] =	stream.indirect.gather [hbm4b:s1+s20], $0x80, s18, s20, $0xb8;
	[tilespmem:$0xA300] =	vst v63  }
0xb9: {  	_ = 	snop  }
0xba: {  	[tilespmem:s23], [sflag:$0x2] =	stream.indirect.gather [hbm4b:s6+s20], $0x1, s18, s20, $0xb8;
	[tilespmem:$0xA300] =	vst v63  }
0xbb: {  	_ =	swait.ge [sflag:s7], $0x2800  }
0xbc: {  	[sflag:s7] =	ssyncset.done $0x0  }
0xbd: {  	p0 =	sne.s32 s10, $0x26200;
	[sflag:s7] =	ssyncadd.s32 $0xFFFFD800  }
.Ltmp0:
0xbe: {  	_ =	swait.ge [sflag:s7], $0x2800;
	(pc) =	sbr.rel @p0 .LBB2_2-.Ltmp0, $4  }
0xbf: {  	[sflag:s7] =	ssyncset.done $0x0  }
0xc0: {  	[sflag:s7] =	ssyncadd.s32 $0xFFFFD800  }
0xc1: {  	s10 =	sadd.s32 $0xA00, s10;
	s13 =	sadd.s32 $0x14, s13;
	_ =	swait.ge [sflag:s7], $0x50  }
0xc2: {  	s12 =	sadd.s32 $0x14, s12;
	s11 =	sadd.s32 $0x14, s11;
	[sflag:s7] =	ssyncset.done $0x0  }
0xc3: {  	[sflag:s7] =	ssyncadd.s32 $0xFFFFFFB0  }
0xc4: {  	_ =	swait.ge [sflag:s26], $0x2800  }
0xc5: {  	[sflag:s26] =	ssyncset.done $0x0  }
0xc6: {  	[sflag:s26] =	ssyncadd.s32 $0xFFFFD800  }
0xc7: {  	_ =	swait.ge [sflag:s26], $0x2800  }
0xc8: {  	[sflag:s26] =	ssyncset.done $0x0  }
0xc9: {  	[sflag:s26] =	ssyncadd.s32 $0xFFFFD800  }
0xca: {  	_ =	swait.ge [sflag:s26], $0x50  }
0xcb: {  	[sflag:s26] =	ssyncset.done $0x0  }
0xcc: {  	s9 =	simm.s32 $0x7;
	s8 =	rddreg [dreg:$0xa];
	[sflag:s26] =	ssyncadd.s32 $0xFFFFFFB0  }
0xcd: {  	[hbm4b:s8+s5] =	stream.linear.scatter [tilespmem:s21], [sflag:$0x7], $0x2800, $0x38;
	[tilespmem:$0xA300] =	vst v63  }
0xce: {  	_ =	swait.ge [sflag:s9], $0x2800  }
0xcf: {  	[sflag:s9] =	ssyncset.done $0x0  }
0xd0: {  	s15 =	rddreg [dreg:$0xb];
	[sflag:s9] =	ssyncadd.s32 $0xFFFFD800  }
0xd1: {  	[hbm4b:s15+s5] =	stream.linear.scatter [tilespmem:s22], [sflag:$0x7], $0x2800, $0x38;
	[tilespmem:$0xA300] =	vst v63  }
0xd2: {  	_ =	swait.ge [sflag:s9], $0x2800  }
0xd3: {  	[sflag:s9] =	ssyncset.done $0x0  }
0xd4: {  	s16 =	rddreg [dreg:$0xc];
	[sflag:s9] =	ssyncadd.s32 $0xFFFFD800  }
0xd5: {  	[hbm4b:s16+s5] =	stream.linear.scatter [tilespmem:s23], [sflag:$0x7], $0x50, $0x38;
	[tilespmem:$0xA300] =	vst v63  }
0xd6: {  	_ =	swait.ge [sflag:s9], $0x50  }
0xd7: {  	s10 =	rddreg [dreg:$0x13]  }
0xd8: {  	s17 =	rddreg [dreg:$0xd];
	s10 =	sadd.s32 $0x1, s10  }
0xd9: {  	p0 =	sne.s32 s10, s17  }
.Ltmp1:
0xda: {  	_ = 	snop;
	(pc) =	sbr.rel @p0 .LBB2_1-.Ltmp1, $3  }
0xdb: {  	_ =	sdelay $0x1  }
0xdc: {  	[sflag:s9] =	ssyncset.done $0x0  }
0xdd: {  	[sflag:s9] =	ssyncadd.s32 $0xFFFFFFB0  }
0xde: {  	_ =	sfence.sel $0x180000  }
0xdf: {  	[bflag:$0x0] =	sbarrier.arrive $0xFFFF  }
0xe0: {  	_ =	strace $0x90000047  }
0xe1: {  	s0 =	stileid.u32;
	[bflag:$0x2] =	sbarrier.arrive $0xFFFF  }
0xe2: {  	p0 =	sne.s32 s0, $0x0;
	s0 =	rddreg [dreg:$0x5]  }
0xe3: {  	s0 =	sadd.s32 @!p0 $0x100000, s0  }
0xe4: {  	[sflag:s0] =	ssyncadd.tile.s32 @!p0 $0x1;
	_ =	shalt  }
.Lfunc_end2:
_tile_overlayer_lowered:
.L_overlay_start_2:
0xe5: {  	(tag) =	ssettag $0x2  }
0xe6: {  	s0 =	rddreg [dreg:$0x0];
	s2 =	stileid.u32  }
0xe7: {  	s1 =	rddreg [dreg:$0x1];
	p0 =	sne.s32 s2, $0x0  }
0xe8: {  	s3 =	rddreg [dreg:$0x2];
	[bflag:$0x3] =	sbarrier.arrive $0xFFFF;
	s2 =	simm.s32 @!p0 $0x1C07  }
0xe9: {  	[timem:s3], [sflag:s2] =	dma.local @!p0 [hbm:s0], s1  }
0xea: {  	s0 =	simm.s32 @!p0 $0x7  }
0xeb: {  	_ =	swait.ge @!p0 [sflag:s0], s1  }
0xec: {  	s1 =	ssub.s32 @!p0 $0x0, s1;
	[sflag:s0] =	ssyncset.done @!p0 $0x0  }
0xed: {  	[sflag:s0] =	ssyncadd.s32 @!p0 s1  }
0xee: {  	[bflag:$0x3] =	sbarrier.arrive $0xFFFF  }
0xef: {  	_ =	shalt  }

// kernel: kernel.9.cloned.1.call-start
scs
__scs_entry_jumppad:
0x0: {  	(pc) =	sbr.rel $0x88, $3  }
0x1: {  	(tag) =	ssettag $0x0;
	lr =	simm.s32 $0x1  }
0x2: {  	[smem:$0x3F94] =	sst lr;
	_ =	strace $0xD0000000  }
0x3: {  	_ = 	snop  }
0x4: {  	_ = 	snop  }
0x5: {  	_ = 	snop  }
0x6: {  	_ = 	snop  }
0x7: {  	_ = 	snop  }
__scs_overlays_trampoline_lowered:
0x8: {  	[smem:$0x3FA3] =	sst s0  }
0x9: {  	[smem:$0x3FA4] =	sst s1  }
0xa: {  	[smem:$0x3FA5] =	sst s2  }
0xb: {  	[smem:$0x3FA6] =	sst s3  }
0xc: {  	[smem:$0x3FA7] =	sst s4  }
0xd: {  	[smem:$0x3FA8] =	sst s5  }
0xe: {  	[smem:$0x3FA9] =	sst s6  }
0xf: {  	[smem:$0x3FAA] =	sst s7  }
0x10: {  	[smem:$0x3FAB] =	sst s8  }
0x11: {  	[smem:$0x3FAC] =	sst s9;
	s0 =	simm.s32 @!p0 $0x0  }
0x12: {  	s1 =	sld [smem:$0x3F92];
	s0 =	simm.s32 @p0 $0x1  }
0x13: {  	[smem:$0x3FAD] =	sst s0;
	s0 =	simm.s32 @!p1 $0x0  }
0x14: {  	s2 =	sld [smem:$0x3F91];
	s0 =	simm.s32 @p1 $0x1  }
0x15: {  	[smem:$0x3FAE] =	sst s0;
	s0 =	simm.s32 @!p2 $0x0  }
0x16: {  	s3 =	sld [smem:$0x3FDB];
	s0 =	simm.s32 @p2 $0x1  }
0x17: {  	s4 =	simm.s32 $0x1BF5;
	[smem:$0x3FB0] =	sst s0  }
0x18: {  	s0 =	sld [smem:$0x3F93];
	_ =	swait.ge [sflag:s4], $0x0  }
0x19: {  	s7 =	sld [smem:$0x3F94]  }
0x1a: {  	s8 =	sadd.s32 $0xFFFFE003, lr  }
0x1b: {  	s9 =	sadd.s32 $0xFFFFFEF7, lr;
	s5 =	simm.s32 $0xFFFFFFFF;
	p2 =	slt.u32 s8, $0xFFFFF086  }
0x1c: {  	p1 =	slt.u32 s9, $0xF7A;
	s5 =	simm.s32 @!p2 $0x0  }
0x1d: {  	s5 =	simm.s32 @p1 $0x1;
	p0 =	seq.s32 s7, s2  }
0x1e: {  	s7 =	smul.u32 @!p0 $0xF7A, s2;
	p2 =	seq.s32 @!p0 s5, $0x0  }
0x1f: {  	s9 =	smul.u32 $0xF7A, s1;
	s8 =	simm.s32 @!p0 $0x1BF5;
	p2 =	por !p2, p0  }
0x20: {  	[sflag:s8] =	ssyncset.s32 @!p0 $0xFFFFF086;
	s6 =	sadd.s32 @!p0 s3, s7;
	s7 =	simm.s32 @!p0 $0x108  }
0x21: {  	s3 =	sadd.s32 s3, s9;
	s6 =	sadd.s32 @!p0 $0x88, s6;
	s7 =	simm.s32 @p2 $0x1082  }
0x22: {  	[simem:s7], [sflag:s8] =	dma.local @!p0 [hbm:s6], $0xF7A  }
0x23: {  	s9 =	sor.u32 $0xD0000000, s2;
	s6 =	simm.s32 $0x108;
	_ =	swait.ge @!p0 [sflag:s8], $0x0  }
0x24: {  	s3 =	sadd.s32 $0x88, s3;
	s6 =	simm.s32 @!p1 $0x1082;
	[sflag:s4] =	ssyncset.s32 $0xFFFFF086  }
0x25: {  	[simem:s6], [sflag:s4] =	dma.local [hbm:s3], $0xF7A  }
0x26: {  	[smem:$0x3F94] =	sst s1;
	(tag) =	ssettag s2;
	_ =	strace s9  }
0x27: {  	s1 =	sld [smem:$0x3FA4]  }
0x28: {  	s2 =	sld [smem:$0x3FA5]  }
0x29: {  	s4 =	sld [smem:$0x3FA7]  }
0x2a: {  	p0 =	seq.s32 s5, $0x0;
	s5 =	sld [smem:$0x3FA8]  }
0x2b: {  	s6 =	sld [smem:$0x3FA9]  }
0x2c: {  	s7 =	sld [smem:$0x3FAA]  }
0x2d: {  	s3 =	simm.s32 $0x108;
	s8 =	sld [smem:$0x3FAB]  }
0x2e: {  	s3 =	simm.s32 @!p0 $0x1082;
	s9 =	sld [smem:$0x3FAC]  }
0x2f: {  	lr =	sadd.s32 s0, s3;
	s0 =	sld [smem:$0x3FA3]  }
0x30: {  	s3 =	sld [smem:$0x3FA6]  }
0x31: {  	[smem:$0x3FAF] =	sst s10  }
0x32: {  	s10 =	sld [smem:$0x3FAD];
	_ =	sdelay $0x3  }
0x33: {  	p0 =	seq.s32 s10, $0x1;
	s10 =	sld [smem:$0x3FAF];
	_ =	sdelay $0x3  }
0x34: {  	[smem:$0x3FAF] =	sst s10  }
0x35: {  	s10 =	sld [smem:$0x3FAE];
	_ =	sdelay $0x3  }
0x36: {  	p1 =	seq.s32 s10, $0x1;
	s10 =	sld [smem:$0x3FAF];
	_ =	sdelay $0x3  }
0x37: {  	[smem:$0x3FAF] =	sst s10  }
0x38: {  	s10 =	sld [smem:$0x3FB0]  }
0x39: {  	_ = 	snop;
	(pc) =	sbr.ind lr, $3  }
0x3a: {  	_ = 	snop  }
0x3b: {  	_ = 	snop  }
0x3c: {  	p2 =	seq.s32 s10, $0x1;
	s10 =	sld [smem:$0x3FAF]  }
0x3d: {  	_ =	shalt  }
0x3e: {  	_ =	shalt  }
0x3f: {  	_ =	shalt  }
0x40: {  	_ =	shalt  }
0x41: {  	_ =	shalt  }
0x42: {  	_ =	shalt  }
0x43: {  	_ =	shalt  }
0x44: {  	_ =	shalt  }
0x45: {  	_ =	shalt  }
0x46: {  	_ =	shalt  }
0x47: {  	_ =	shalt  }
0x48: {  	_ =	shalt  }
0x49: {  	_ =	shalt  }
0x4a: {  	_ =	shalt  }
0x4b: {  	_ =	shalt  }
0x4c: {  	_ =	shalt  }
0x4d: {  	_ =	shalt  }
0x4e: {  	_ =	shalt  }
0x4f: {  	_ =	shalt  }
0x50: {  	_ =	shalt  }
0x51: {  	_ =	shalt  }
0x52: {  	_ =	shalt  }
0x53: {  	_ =	shalt  }
0x54: {  	_ =	shalt  }
0x55: {  	_ =	shalt  }
0x56: {  	_ =	shalt  }
0x57: {  	_ =	shalt  }
0x58: {  	_ =	shalt  }
0x59: {  	_ =	shalt  }
0x5a: {  	_ =	shalt  }
0x5b: {  	_ =	shalt  }
0x5c: {  	_ =	shalt  }
0x5d: {  	_ =	shalt  }
0x5e: {  	_ =	shalt  }
0x5f: {  	_ =	shalt  }
0x60: {  	_ =	shalt  }
0x61: {  	_ =	shalt  }
0x62: {  	_ =	shalt  }
0x63: {  	_ =	shalt  }
0x64: {  	_ =	shalt  }
0x65: {  	_ =	shalt  }
0x66: {  	_ =	shalt  }
0x67: {  	_ =	shalt  }
0x68: {  	_ =	shalt  }
0x69: {  	_ =	shalt  }
0x6a: {  	_ =	shalt  }
0x6b: {  	_ =	shalt  }
0x6c: {  	_ =	shalt  }
0x6d: {  	_ =	shalt  }
0x6e: {  	_ =	shalt  }
0x6f: {  	_ =	shalt  }
0x70: {  	_ =	shalt  }
0x71: {  	_ =	shalt  }
0x72: {  	_ =	shalt  }
0x73: {  	_ =	shalt  }
0x74: {  	_ =	shalt  }
0x75: {  	_ =	shalt  }
0x76: {  	_ =	shalt  }
0x77: {  	_ =	shalt  }
0x78: {  	_ =	shalt  }
0x79: {  	_ =	shalt  }
0x7a: {  	_ =	shalt  }
0x7b: {  	_ =	shalt  }
0x7c: {  	_ =	shalt  }
0x7d: {  	_ =	shalt  }
0x7e: {  	_ =	shalt  }
0x7f: {  	_ =	shalt  }
0x80: {  	_ =	shalt  }
0x81: {  	_ =	shalt  }
0x82: {  	_ =	shalt  }
0x83: {  	_ =	shalt  }
0x84: {  	_ =	shalt  }
0x85: {  	_ =	shalt  }
0x86: {  	_ =	shalt  }
0x87: {  	_ =	shalt  }
.Lfunc_end0:
.L_simem_size_0:
called_computation.1_lowered:
.L_overlay_start_0:
0x88: {  	s2 =	sld [smem:$0x3FD9]  }
0x89: {  	s3 =	sld [smem:$0x3FFE];
	_ =	sdelay $0x1  }
0x8a: {  	s1 =	srdreg.scid  }
0x8b: {  	s0 =	sand.u32 $0x1, s1  }
0x8c: {  	s17 =	sshll.u32 s0, $0xA;
	s2 =	sadd.s32 s3, s2  }
0x8d: {  	s2 =	sadd.s32 s2, s17  }
0x8e: {  	[smem:$0x3FBB] =	sst s2  }
0x8f: {  	_ = 	snop  }
0x90: {  	s2 =	sld [smem:$0x3FC7]  }
0x91: {  	s18 =	sld [smem:$0x3FD0];
	(tm) =	ssettm $0x1  }
0x92: {  	s4 =	sld [smem:$0x3FFB];
	_ =	sdelay $0x3  }
0x93: {  	_ =	strace s4  }
0x94: {  	s4 =	sld [smem:$0x3FFC];
	_ =	sdelay $0x3  }
0x95: {  	_ =	strace s4  }
0x96: {  	s4 =	sld [smem:$0x3FFD];
	_ =	sdelay $0x3  }
0x97: {  	_ =	strace s4  }
0x98: {  	_ =	strace $0x8FFFFFFF  }
0x99: {  	s19 =	sld [smem:$0x3FDB];
	_ =	sdelay $0x1  }
0x9a: {  	s5 =	simm.s32 $_scs_section_size  }
0x9b: {  	s6 =	simm.s32 $_size__tile_overlayer_lowered;
	s7 =	simm.s32 $_tile_overlayer_lowered  }
0x9c: {  	s22 =	simm.s32 $0x1BFF;
	s21 =	sshll.u32 s7, $0x1;
	s4 =	sadd.s32 s5, s19  }
0x9d: {  	s8 =	simm.s32 $0x0;
	s20 =	sshll.u32 s6, $0x1;
	s6 =	sadd.s32 s21, s4  }
0x9e: {  	[timem:s8], [sflag:s22] =	dma.local [hbm:s6], s20  }
0x9f: {  	_ =	swait.ge [sflag:s22], s20  }
0xa0: {  	s5 =	ssub.s32 $0x0, s20;
	[sflag:s22] =	ssyncset.done $0x0  }
0xa1: {  	[sflag:s22] =	ssyncadd.s32 s5;
	_ =	sdelay $0x1  }
0xa2: {  	s23 =	simm.s32 $0x1B8B  }
0xa3: {  	_ =	swait.ge [sflag:s23], $0x1  }
0xa4: {  	[sflag:s23] =	ssyncset.done $0x0  }
0xa5: {  	s25 =	simm.s32 $0x1B8E;
	s24 =	sld [smem:$0x3FFE];
	[sflag:s23] =	ssyncadd.s32 $0xFFFFFFFF  }
0xa6: {  	s26 =	simm.s32 $execute0_lowered;
	[smem:$0x3FD2] =	sst s25  }
0xa7: {  	s6 =	sshll.u32 s26, $0x1;
	_ =	strace $0x80000049;
	[dreg:$0x1] =	wrdreg $0xFFFFFFFF  }
0xa8: {  	s28 =	simm.s32 $_size_execute0_lowered;
	s4 =	sadd.s32 s4, s6;
	[dreg:$0x0] =	wrdreg $0x0  }
0xa9: {  	s6 =	sshll.u32 s28, $0x1;
	[dreg:$0x2] =	wrdreg s4  }
0xaa: {  	[dreg:$0x3] =	wrdreg s6  }
0xab: {  	[dreg:$0x4] =	wrdreg $0xC0  }
0xac: {  	_ =	task [dreg:s8], $0x5FFFF  }
0xad: {  	[dreg:$0x1] =	wrdreg $0xFFFFFFFF  }
0xae: {  	[dreg:$0x0] =	wrdreg $0x60  }
0xaf: {  	[dreg:$0x2] =	wrdreg s24  }
0xb0: {  	[dreg:$0x3] =	wrdreg s2  }
0xb1: {  	[dreg:$0x4] =	wrdreg s18  }
0xb2: {  	[dreg:$0x5] =	wrdreg $0x0  }
0xb3: {  	[dreg:$0x6] =	wrdreg $0x140000  }
0xb4: {  	[dreg:$0x7] =	wrdreg $0x9  }
0xb5: {  	_ =	task.clear_ibuf [dreg:s8], $0x8FFFF;
	_ =	strace $0x90000049  }
0xb6: {  	s29 =	simm.s32 $0x9;
	_ =	strace $0x8000004B  }
0xb7: {  	_ =	swait.ge [sflag:s29], $0x1  }
0xb8: {  	[sflag:s29] =	ssyncadd.s32 $0xFFFFFFFF  }
0xb9: {  	_ =	strace $0x9000004B  }
0xba: {  	_ =	sfence  }
0xbb: {  	s30 =	sld [smem:$0x0];
	_ =	sdelay $0x2  }
0xbc: {  	s31 =	sshll.u32 s1, $0xD;
	s1 =	sshrl.u32 s1, $0x2  }
0xbd: {  	s3 =	sand.u32 $0x4000, s31;
	s1 =	sadd.s32 s1, s30  }
0xbe: {  	s0 =	sor.u32 s3, s0;
	s1 =	sshll.u32 s1, $0x11  }
0xbf: {  	s0 =	sor.u32 s1, s0  }
0xc0: {  	s0 =	sadd.s32 $0x8F2B, s0  }
0xc1: {  	[sflag:s0] =	ssyncadd.remote.s32 $0x1  }
0xc2: {  	_ =	sfence.sel $0xFFFF  }
0xc3: {  	[dreg:$0x0] =	wrdreg $0xFFFFFFFF;
	(pc) =	sbr.abs _section_cstart, $3  }
0xc4: {  	[dreg:$0x1] =	wrdreg $0xFFFFFFFF  }
0xc5: {  	_ =	task.clear_ibuf [dreg:s8], $0x2FFFF;
	_ =	strace $0x9FFFFFFF  }
0xc6: {  	(tm) =	ssettm $0x7FFFFFFF  }
0xc7: {  	_ =	shalt  }
tec
execute0_lowered:
.L_overlay_start_1:
0x0: {  	(tag) =	ssettag $0x1  }
0x1: {  	s0 =	rddreg [dreg:$0x0]  }
0x2: {  	s1 =	rddreg [dreg:$0x1]  }
0x3: {  	s2 =	rddreg [dreg:$0x2];
	s19 =	stileid.u32  }
0x4: {  	s3 =	rddreg [dreg:$0x3];
	s7 =	smul.u32 $0x14000, s19  }
0x5: {  	s4 =	rddreg [dreg:$0x4];
	s5 =	simm.s32 $0x0;
	s10 =	smul.u32 $0x2800, s19  }
0x6: {  	s6 =	srdreg.scid;
	s29 =	simm.s32 $0x5;
	s16 =	smul.u32 $0xA000, s19  }
0x7: {  	s30 =	simm.s32 $0x16800;
	s8 =	sand.u32 $0x1, s6;
	s26 =	smul.u32 $0x50000, s19  }
0x8: {  	s31 =	simm.s32 $0x400;
	s6 =	sadd.s32 $0x9C7400, s0;
	s9 =	smul.u32 $0x3C0000, s8  }
0x9: {  	[smem:$0x7FF] =	sst s5;
	s11 =	sadd.s32 $0x186D400, s0;
	s22 =	smul.u32 $0x28000, s8  }
0xa: {  	s17 =	sshll.u32 s19, $0x6;
	_ =	strace $0x8000004A;
	s23 =	smul.u32 $0x27100, s8  }
0xb: {  	s13 =	ssub.s32 $0x2, s8;
	s15 =	sshll.u32 s8, $0x4;
	s8 =	smul.u32 $0x271000, s8  }
0xc: {  	s12 =	sshrl.u32 s7, $0x3;
	s24 =	sshrl.u32 s10, $0x3;
	s14 =	sshrl.u32 s13, $0x1  }
0xd: {  	s25 =	sor.u32 s19, s15;
	s16 =	sshrl.u32 s16, $0x2;
	s15 =	sshrl.u32 s26, $0x2  }
0xe: {  	s7 =	sadd.s32 s7, s9;
	s12 =	sadd.s32 s12, s0;
	s18 =	smul.u32 $0x2710, s25  }
0xf: {  	s9 =	sadd.s32 s24, s0;
	s13 =	ssub.s32 s13, s14;
	s14 =	smul.u32 $0x138800, s25  }
0x10: {  	s16 =	sadd.s32 s16, s4;
	s15 =	sadd.s32 s15, s3;
	s25 =	smul.u32 $0x2710, s19  }
0x11: {  	s10 =	sadd.s32 s10, s22;
	s8 =	sadd.s32 s8, s11;
	[dreg:$0x7] =	wrdreg s16  }
0x12: {  	s7 =	sshrl.u32 s7, $0x3;
	s9 =	sadd.s32 $0x2AE00, s9;
	[dreg:$0x9] =	wrdreg s15  }
0x13: {  	s28 =	sadd.s32 $0x2E00, s12;
	s16 =	sadd.s32 $0x9C7480, s0;
	s10 =	sshrl.u32 s10, $0x3  }
0x14: {  	s15 =	smul.u32 $0x27100, s19;
	s7 =	sadd.s32 s7, s0;
	[dreg:$0x8] =	wrdreg s9  }
0x15: {  	s9 =	sor.u32 $0x1C05, s17;
	s18 =	sshrl.u32 s18, $0x3;
	s14 =	sshrl.u32 s14, $0x3  }
0x16: {  	s0 =	sadd.s32 s2, s10;
	s10 =	simm.s32 $0x1;
	[dreg:$0xa] =	wrdreg s28  }
0x17: {  	s20 =	smul.u32 $0xC00, s18;
	s21 =	sadd.s32 s1, s18;
	[dreg:$0xf] =	wrdreg s0  }
0x18: {  	s14 =	sadd.s32 s11, s14;
	s26 =	sadd.s32 $0x2FE00, s7;
	[dreg:$0xb] =	wrdreg s21  }
0x19: {  	s19 =	sadd.s32 $0x57E00, s7;
	s0 =	sadd.s32 s15, s8;
	[dreg:$0xe] =	wrdreg s26  }
0x1a: {  	s22 =	sadd.s32 $0x7FE00, s7;
	s7 =	simm.s32 $0x16880;
	[dreg:$0x11] =	wrdreg s19  }
0x1b: {  	s8 =	simm.s32 $0x19180;
	s15 =	simm.s32 $0x1B980;
	[dreg:$0x6] =	wrdreg s0  }
0x1c: {  	s14 =	sadd.s32 $0x26C00, s14;
	[dreg:$0x13] =	wrdreg s22;
	s12 =	sshrl.u32 s20, $0x3  }
0x1d: {  	[dreg:$0xd] =	wrdreg s14;
	s14 =	sadd.s32 s25, s23;
	s23 =	smax.u32 s13, $0x1  }
0x1e: {  	s24 =	sadd.s32 s6, s12;
	s12 =	sadd.s32 s12, s16;
	[dreg:$0x14] =	wrdreg s23  }
0x1f: {  	s18 =	simm.s32 $0x16900;
	s17 =	sadd.s32 $0x50, s14;
	[dreg:$0x10] =	wrdreg s12  }
0x20: {  	s19 =	simm.s32 $0x2;
	s2 =	sshrl.u32 s17, $0x3;
	[dreg:$0xc] =	wrdreg s24  }
0x21: {  	s21 =	sadd.s32 $0x100, s24;
	s24 =	sadd.s32 $0xA0, s14;
	s20 =	smul.u32 $0x180, s2  }
0x22: {  	s14 =	simm.s32 $0x3;
	s17 =	simm.s32 $0x50;
	[dreg:$0x12] =	wrdreg s21  }
0x23: {  	[dreg:$0x15] =	wrdreg s24;
	s12 =	sadd.s32 s2, s1;
	s25 =	sadd.s32 s20, s6  }
0x24: {  	s2 =	simm.s32 $0x16980;
	s26 =	sadd.s32 $0x80, s25;
	[dreg:$0x16] =	wrdreg s25  }
0x25: {  	s21 =	simm.s32 $0x0;
	s0 =	sadd.s32 $0x100, s25;
	[dreg:$0x17] =	wrdreg s26  }
0x26: {  	s20 =	simm.s32 $0x4;
	[dreg:$0x18] =	wrdreg s0;
	s0 =	simm.s32 $0xC00  }
.LBB2_1:
0x27: {  	s11 =	rddreg [dreg:$0x7]  }
0x28: {  	s22 =	rddreg [dreg:$0x8];
	s13 =	sshrl.u32 s11, $0x3  }
0x29: {  	[dreg:$0x19] =	wrdreg s13  }
0x2a: {  	[spmem:s13], [sflag:s9] =	dma.local [hbm:s22], $0x500  }
0x2b: {  	_ =	swait.ge [sflag:s29], $0x500  }
0x2c: {  	[sflag:s29] =	ssyncset.done $0x0;
	s23 =	rddreg [dreg:$0x9]  }
0x2d: {  	[sflag:s29] =	ssyncadd.s32 $0xFFFFFB00;
	s13 =	sshrl.u32 s23, $0x3  }
0x2e: {  	[spmem:s13], [sflag:s9] =	dma.local [hbm:s28], $0x2800  }
0x2f: {  	_ =	swait.ge [sflag:s29], $0x2800  }
0x30: {  	[sflag:s29] =	ssyncset.done $0x0  }
0x31: {  	[sflag:s29] =	ssyncadd.s32 $0xFFFFD800  }
0x32: {  	[bflag:$0x0] =	sbarrier.arrive $0xFFFF  }
0x33: {  	s24 =	rddreg [dreg:$0xb]  }
0x34: {  	[tilespmem:s30], [sflag:$0x1] =	stream.linear.gather [hbm4b:s24+s5], $0x50, $0x38;
	[tilespmem:$0x1E180] =	vst v63  }
0x35: {  	s25 =	rddreg [dreg:$0xc]  }
0x36: {  	[tilespmem:s2], [sflag:$0x3] =	stream.strided.gather [hbm4b:s25+s31], $0x2800, s0, s31, $0x38;
	[tilespmem:$0x1E180] =	vst v63  }
0x37: {  	_ = 	snop  }
0x38: {  	[tilespmem:s7], [sflag:$0x2] =	stream.linear.gather [hbm4b:s12+s5], $0x50, $0x38;
	[tilespmem:$0x1E180] =	vst v63  }
0x39: {  	s24 =	rddreg [dreg:$0x16]  }
0x3a: {  	[tilespmem:s8], [sflag:$0x4] =	stream.strided.gather [hbm4b:s24+s31], $0x2800, s0, s31, $0x38;
	[tilespmem:$0x1E180] =	vst v63  }
0x3b: {  	_ =	swait.ge [sflag:s10], $0x50  }
0x3c: {  	[sflag:s10] =	ssyncset.done $0x0  }
0x3d: {  	[sflag:s10] =	ssyncadd.s32 $0xFFFFFFB0  }
0x3e: {  	_ =	swait.ge [sflag:s14], $0x2800  }
0x3f: {  	s26 =	rddreg [dreg:$0x6];
	[sflag:s14] =	ssyncset.done $0x0  }
0x40: {  	[sflag:s14] =	ssyncadd.s32 $0xFFFFD800;
	s11 =	sadd.s32 $0x0, s26  }
0x41: {  	[tilespmem:s15], [sflag:$0x5] =	stream.linear.gather [hbm4b:s11+s5], $0x2800, $0x38;
	[tilespmem:$0x1E180] =	vst v63  }
0x42: {  	_ =	swait.ge [sflag:s29], $0x2800  }
0x43: {  	[sflag:s29] =	ssyncset.done $0x0  }
0x44: {  	[sflag:s29] =	ssyncadd.s32 $0xFFFFD800  }
0x45: {  	v0 =	vld [tilespmem:$0x16830]  }
0x46: {  	v1 =	vld [tilespmem:$0x16820]  }
0x47: {  	v2 =	vld [tilespmem:$0x16810]  }
0x48: {  	v3 =	vld [tilespmem:$0x16800];
	_ =	sdelay $0x1  }
0x49: {  	v4 =	vld [tilespmem:$0x16840];
	v5 =	vshra.s32 v0, $0x1F  }
0x4a: {  	v6 =	vshra.s32 v1, $0x1F;
	v5 =	vshrl.u32 v5, $0x1D  }
0x4b: {  	v6 =	vshrl.u32 v6, $0x1D;
	v0 =	vadd.s32 v5, v0  }
0x4c: {  	v5 =	vshra.s32 v2, $0x1F;
	v1 =	vadd.s32 v6, v1;
	v6 =	vshra.s32 v3, $0x1F  }
0x4d: {  	v0 =	vshra.s32 v0, $0x3;
	v5 =	vshrl.u32 v5, $0x1D;
	v1 =	vshra.s32 v1, $0x3  }
0x4e: {  	v6 =	vshrl.u32 v6, $0x1D;
	v2 =	vadd.s32 v5, v2;
	[tilespmem:$0x16930] =	vst v0;
	v0 =	vshra.s32 v4, $0x1F  }
0x4f: {  	v3 =	vadd.s32 v6, v3;
	[tilespmem:$0x16920] =	vst v1;
	v2 =	vshra.s32 v2, $0x3;
	v0 =	vshrl.u32 v0, $0x1D  }
0x50: {  	v1 =	vshra.s32 v3, $0x3;
	[tilespmem:$0x16910] =	vst v2;
	v0 =	vadd.s32 v0, v4  }
0x51: {  	[tilespmem:$0x16900] =	vst v1;
	v0 =	vshra.s32 v0, $0x3  }
0x52: {  	[tilespmem:$0x16940] =	vst v0  }
0x53: {  	[spmem:s3] =	stream.indirect.scatter.add.f32 [tilespmem:s2], [sflag:$0x5], $0x80, s30, s17, $0xb8;
	[tilespmem:$0x1E180] =	vst v63  }
0x54: {  	_ =	swait.ge [sflag:s29], $0x2800  }
0x55: {  	[sflag:s29] =	ssyncset.done $0x0  }
0x56: {  	[sflag:s29] =	ssyncadd.s32 $0xFFFFD800  }
0x57: {  	[spmem:s4] =	stream.indirect.scatter.add.f32 [tilespmem:s15], [sflag:$0x5], $0x80, s18, s17, $0xb8;
	[tilespmem:$0x1E180] =	vst v63  }
0x58: {  	_ =	swait.ge [sflag:s29], $0x2800  }
0x59: {  	s23 =	rddreg [dreg:$0x15]  }
0x5a: {  	s25 =	sshrl.u32 s23, $0x3  }
0x5b: {  	[sflag:s29] =	ssyncset.done $0x0;
	s22 =	sadd.s32 s1, s25;
	[dreg:$0x1b] =	wrdreg s25  }
0x5c: {  	[sflag:s29] =	ssyncadd.s32 $0xFFFFD800;
	s25 =	smul.u32 $0x180, s25;
	[dreg:$0x1a] =	wrdreg s22  }
0x5d: {  	[tilespmem:s30], [sflag:$0x1] =	stream.linear.gather [hbm4b:s22+s5], $0x50, $0x38;
	[tilespmem:$0x1E180] =	vst v63  }
0x5e: {  	[dreg:$0x1c] =	wrdreg s25;
	s28 =	sadd.s32 s6, s25  }
0x5f: {  	[tilespmem:s2], [sflag:$0x3] =	stream.strided.gather [hbm4b:s28+s31], $0x2800, s0, s31, $0x38;
	[tilespmem:$0x1E180] =	vst v63  }
0x60: {  	_ =	swait.ge [sflag:s19], $0x50  }
0x61: {  	[sflag:s19] =	ssyncset.done $0x0  }
0x62: {  	[sflag:s19] =	ssyncadd.s32 $0xFFFFFFB0  }
0x63: {  	_ =	swait.ge [sflag:s20], $0x2800  }
0x64: {  	[sflag:s20] =	ssyncset.done $0x0  }
0x65: {  	s11 =	sadd.s32 $0x500, s11;
	[sflag:s20] =	ssyncadd.s32 $0xFFFFD800  }
0x66: {  	[tilespmem:s15], [sflag:$0x5] =	stream.linear.gather [hbm4b:s11+s5], $0x2800, $0x38;
	[tilespmem:$0x1E180] =	vst v63  }
0x67: {  	_ =	swait.ge [sflag:s29], $0x2800  }
0x68: {  	[sflag:s29] =	ssyncset.done $0x0  }
0x69: {  	[sflag:s29] =	ssyncadd.s32 $0xFFFFD800  }
0x6a: {  	v2 =	vld [tilespmem:$0x16880]  }
0x6b: {  	v4 =	vld [tilespmem:$0x168B0]  }
0x6c: {  	v3 =	vld [tilespmem:$0x16890];
	_ =	sdelay $0x1  }
0x6d: {  	v1 =	vld [tilespmem:$0x168A0]  }
0x6e: {  	v0 =	vld [tilespmem:$0x168C0];
	v5 =	vshra.s32 v2, $0x1F  }
0x6f: {  	v5 =	vshrl.u32 v5, $0x1D  }
0x70: {  	v7 =	vshra.s32 v4, $0x1F;
	v2 =	vadd.s32 v5, v2;
	v5 =	vshra.s32 v3, $0x1F  }
0x71: {  	v7 =	vshrl.u32 v7, $0x1D;
	v5 =	vshrl.u32 v5, $0x1D  }
0x72: {  	v6 =	vshra.s32 v1, $0x1F;
	v4 =	vadd.s32 v7, v4;
	v5 =	vadd.s32 v5, v3  }
0x73: {  	s22 =	smov.u32 s24;
	s25 =	smov.u32 s12;
	s11 =	simm.s32 $0xA00;
	v3 =	vshrl.u32 v6, $0x1D;
	v6 =	vshra.s32 v5, $0x3;
	v5 =	vshra.s32 v0, $0x1F  }
.LBB2_2:
0x74: {  	[tilespmem:$0x16910] =	vst v6;
	v1 =	vadd.s32 v3, v1;
	v3 =	vshra.s32 v4, $0x3  }
0x75: {  	v4 =	vshrl.u32 v5, $0x1D;
	v2 =	vshra.s32 v2, $0x3;
	[tilespmem:$0x16930] =	vst v3  }
0x76: {  	v1 =	vshra.s32 v1, $0x3;
	v0 =	vadd.s32 v4, v0;
	[tilespmem:$0x16900] =	vst v2  }
0x77: {  	v0 =	vshra.s32 v0, $0x3;
	[tilespmem:$0x16920] =	vst v1  }
0x78: {  	[tilespmem:$0x16940] =	vst v0  }
0x79: {  	[spmem:s3] =	stream.indirect.scatter.add.f32 [tilespmem:s8], [sflag:$0x5], $0x80, s7, s17, $0xb8;
	[tilespmem:$0x1E180] =	vst v63  }
0x7a: {  	_ =	swait.ge [sflag:s29], $0x2800  }
0x7b: {  	[sflag:s29] =	ssyncset.done $0x0  }
0x7c: {  	[sflag:s29] =	ssyncadd.s32 $0xFFFFD800  }
0x7d: {  	[spmem:s4] =	stream.indirect.scatter.add.f32 [tilespmem:s15], [sflag:$0x5], $0x80, s18, s17, $0xb8;
	[tilespmem:$0x1E180] =	vst v63  }
0x7e: {  	_ =	swait.ge [sflag:s29], $0x2800  }
0x7f: {  	[sflag:s29] =	ssyncset.done $0x0  }
0x80: {  	s25 =	sadd.s32 $0x14, s25;
	[sflag:s29] =	ssyncadd.s32 $0xFFFFD800  }
0x81: {  	[tilespmem:s7], [sflag:$0x2] =	stream.linear.gather [hbm4b:s25+s5], $0x50, $0x38;
	[tilespmem:$0x1E180] =	vst v63  }
0x82: {  	s22 =	sadd.s32 $0x1E00, s22  }
0x83: {  	[tilespmem:s8], [sflag:$0x4] =	stream.strided.gather [hbm4b:s22+s31], $0x2800, s0, s31, $0x38;
	[tilespmem:$0x1E180] =	vst v63  }
0x84: {  	_ =	swait.ge [sflag:s10], $0x50  }
0x85: {  	[sflag:s10] =	ssyncset.done $0x0  }
0x86: {  	[sflag:s10] =	ssyncadd.s32 $0xFFFFFFB0  }
0x87: {  	_ =	swait.ge [sflag:s14], $0x2800  }
0x88: {  	s26 =	smov.u32 s11;
	s28 =	rddreg [dreg:$0x6];
	[sflag:s14] =	ssyncset.done $0x0  }
0x89: {  	[sflag:s14] =	ssyncadd.s32 $0xFFFFD800;
	s26 =	sadd.s32 s26, s28  }
0x8a: {  	[tilespmem:s15], [sflag:$0x5] =	stream.linear.gather [hbm4b:s26+s5], $0x2800, $0x38;
	[tilespmem:$0x1E180] =	vst v63  }
0x8b: {  	_ =	swait.ge [sflag:s29], $0x2800  }
0x8c: {  	[sflag:s29] =	ssyncset.done $0x0  }
0x8d: {  	[sflag:s29] =	ssyncadd.s32 $0xFFFFD800  }
0x8e: {  	v0 =	vld [tilespmem:$0x16830]  }
0x8f: {  	v1 =	vld [tilespmem:$0x16820]  }
0x90: {  	v2 =	vld [tilespmem:$0x16800]  }
0x91: {  	v3 =	vld [tilespmem:$0x16810];
	_ =	sdelay $0x1  }
0x92: {  	v4 =	vld [tilespmem:$0x16840];
	v5 =	vshra.s32 v0, $0x1F  }
0x93: {  	v6 =	vshra.s32 v1, $0x1F;
	v5 =	vshrl.u32 v5, $0x1D  }
0x94: {  	v6 =	vshrl.u32 v6, $0x1D;
	v0 =	vadd.s32 v5, v0  }
0x95: {  	v5 =	vshra.s32 v3, $0x1F;
	v1 =	vadd.s32 v6, v1;
	v6 =	vshra.s32 v2, $0x1F  }
0x96: {  	v0 =	vshra.s32 v0, $0x3;
	v5 =	vshrl.u32 v5, $0x1D;
	v1 =	vshra.s32 v1, $0x3  }
0x97: {  	v6 =	vshrl.u32 v6, $0x1D;
	v3 =	vadd.s32 v5, v3;
	[tilespmem:$0x16930] =	vst v0;
	v0 =	vshra.s32 v4, $0x1F  }
0x98: {  	v2 =	vadd.s32 v6, v2;
	[tilespmem:$0x16920] =	vst v1;
	v3 =	vshra.s32 v3, $0x3;
	v0 =	vshrl.u32 v0, $0x1D  }
0x99: {  	v1 =	vshra.s32 v2, $0x3;
	[tilespmem:$0x16910] =	vst v3;
	v0 =	vadd.s32 v0, v4  }
0x9a: {  	[tilespmem:$0x16900] =	vst v1;
	v0 =	vshra.s32 v0, $0x3  }
0x9b: {  	[tilespmem:$0x16940] =	vst v0  }
0x9c: {  	[spmem:s3] =	stream.indirect.scatter.add.f32 [tilespmem:s2], [sflag:$0x5], $0x80, s30, s17, $0xb8;
	[tilespmem:$0x1E180] =	vst v63  }
0x9d: {  	_ =	swait.ge [sflag:s29], $0x2800  }
0x9e: {  	[sflag:s29] =	ssyncset.done $0x0  }
0x9f: {  	[sflag:s29] =	ssyncadd.s32 $0xFFFFD800  }
0xa0: {  	[spmem:s4] =	stream.indirect.scatter.add.f32 [tilespmem:s15], [sflag:$0x5], $0x80, s18, s17, $0xb8;
	[tilespmem:$0x1E180] =	vst v63  }
0xa1: {  	s23 =	sadd.s32 $0xA0, s23;
	_ =	swait.ge [sflag:s29], $0x2800  }
0xa2: {  	s28 =	sshrl.u32 s23, $0x3;
	[sflag:s29] =	ssyncset.done $0x0  }
0xa3: {  	s24 =	sadd.s32 s1, s28;
	s28 =	smul.u32 $0x180, s28;
	[sflag:s29] =	ssyncadd.s32 $0xFFFFD800  }
0xa4: {  	[tilespmem:s30], [sflag:$0x1] =	stream.linear.gather [hbm4b:s24+s5], $0x50, $0x38;
	[tilespmem:$0x1E180] =	vst v63  }
0xa5: {  	s28 =	sadd.s32 s6, s28  }
0xa6: {  	[tilespmem:s2], [sflag:$0x3] =	stream.strided.gather [hbm4b:s28+s31], $0x2800, s0, s31, $0x38;
	[tilespmem:$0x1E180] =	vst v63  }
0xa7: {  	_ =	swait.ge [sflag:s19], $0x50  }
0xa8: {  	[sflag:s19] =	ssyncset.done $0x0  }
0xa9: {  	[sflag:s19] =	ssyncadd.s32 $0xFFFFFFB0  }
0xaa: {  	_ =	swait.ge [sflag:s20], $0x2800  }
0xab: {  	[sflag:s20] =	ssyncset.done $0x0  }
0xac: {  	s28 =	sadd.s32 $0x500, s26;
	[sflag:s20] =	ssyncadd.s32 $0xFFFFD800  }
0xad: {  	[tilespmem:s15], [sflag:$0x5] =	stream.linear.gather [hbm4b:s28+s5], $0x2800, $0x38;
	[tilespmem:$0x1E180] =	vst v63  }
0xae: {  	_ =	swait.ge [sflag:s29], $0x2800  }
0xaf: {  	[sflag:s29] =	ssyncset.done $0x0  }
0xb0: {  	[sflag:s29] =	ssyncadd.s32 $0xFFFFD800  }
0xb1: {  	v2 =	vld [tilespmem:$0x16880]  }
0xb2: {  	v4 =	vld [tilespmem:$0x168B0]  }
0xb3: {  	v3 =	vld [tilespmem:$0x16890];
	_ =	sdelay $0x1  }
0xb4: {  	v1 =	vld [tilespmem:$0x168A0]  }
0xb5: {  	p0 =	sne.s32 s11, $0x26200;
	v0 =	vld [tilespmem:$0x168C0];
	v5 =	vshra.s32 v2, $0x1F  }
.Ltmp0:
0xb6: {  	v5 =	vshrl.u32 v5, $0x1D;
	(pc) =	sbr.rel @p0 .LBB2_2-.Ltmp0, $4  }
0xb7: {  	v7 =	vshra.s32 v4, $0x1F;
	v2 =	vadd.s32 v5, v2;
	v5 =	vshra.s32 v3, $0x1F  }
0xb8: {  	v7 =	vshrl.u32 v7, $0x1D;
	v5 =	vshrl.u32 v5, $0x1D  }
0xb9: {  	v6 =	vshra.s32 v1, $0x1F;
	v4 =	vadd.s32 v7, v4;
	v5 =	vadd.s32 v5, v3  }
0xba: {  	s11 =	sadd.s32 $0xA00, s11;
	v3 =	vshrl.u32 v6, $0x1D;
	v6 =	vshra.s32 v5, $0x3;
	v5 =	vshra.s32 v0, $0x1F  }
0xbb: {  	[tilespmem:$0x16910] =	vst v6;
	v4 =	vshra.s32 v4, $0x3  }
0xbc: {  	v5 =	vshrl.u32 v5, $0x1D;
	v2 =	vshra.s32 v2, $0x3;
	v1 =	vadd.s32 v3, v1;
	[tilespmem:$0x16930] =	vst v4  }
0xbd: {  	v0 =	vadd.s32 v5, v0;
	[tilespmem:$0x16900] =	vst v2;
	v1 =	vshra.s32 v1, $0x3  }
0xbe: {  	v0 =	vshra.s32 v0, $0x3;
	[tilespmem:$0x16920] =	vst v1  }
0xbf: {  	[tilespmem:$0x16940] =	vst v0  }
0xc0: {  	[spmem:s3] =	stream.indirect.scatter.add.f32 [tilespmem:s8], [sflag:$0x5], $0x80, s7, s17, $0xb8;
	[tilespmem:$0x1E180] =	vst v63  }
0xc1: {  	_ =	swait.ge [sflag:s29], $0x2800  }
0xc2: {  	[sflag:s29] =	ssyncset.done $0x0  }
0xc3: {  	[sflag:s29] =	ssyncadd.s32 $0xFFFFD800  }
0xc4: {  	[spmem:s4] =	stream.indirect.scatter.add.f32 [tilespmem:s15], [sflag:$0x5], $0x80, s18, s17, $0xb8;
	[tilespmem:$0x1E180] =	vst v63  }
0xc5: {  	_ =	swait.ge [sflag:s29], $0x2800  }
0xc6: {  	[sflag:s29] =	ssyncset.done $0x0  }
0xc7: {  	[sflag:s29] =	ssyncadd.s32 $0xFFFFD800  }
0xc8: {  	_ =	swait.ge [sflag:s10], $0x50  }
0xc9: {  	[sflag:s10] =	ssyncset.done $0x0  }
0xca: {  	[sflag:s10] =	ssyncadd.s32 $0xFFFFFFB0  }
0xcb: {  	_ =	swait.ge [sflag:s14], $0x2800  }
0xcc: {  	[sflag:s14] =	ssyncset.done $0x0  }
0xcd: {  	s11 =	simm.s32 $0x0;
	s22 =	rddreg [dreg:$0xd];
	[sflag:s14] =	ssyncadd.s32 $0xFFFFD800  }
0xce: {  	[tilespmem:s15], [sflag:$0x5] =	stream.linear.gather [hbm4b:s22+s11], $0x2800, $0x38;
	[tilespmem:$0x1E180] =	vst v63  }
0xcf: {  	_ =	swait.ge [sflag:s29], $0x2800  }
0xd0: {  	[sflag:s29] =	ssyncset.done $0x0  }
0xd1: {  	[sflag:s29] =	ssyncadd.s32 $0xFFFFD800  }
0xd2: {  	v46 =	vld [tilespmem:$0x16800]  }
0xd3: {  	v47 =	vld [tilespmem:$0x16810]  }
0xd4: {  	v48 =	vld [tilespmem:$0x16820]  }
0xd5: {  	v49 =	vld [tilespmem:$0x16830]  }
0xd6: {  	v51 =	vld [tilespmem:$0x16840];
	_ =	sdelay $0x2  }
0xd7: {  	v50 =	vshra.s32 v46, $0x1F;
	v52 =	vshra.s32 v47, $0x1F  }
0xd8: {  	v54 =	vshra.s32 v48, $0x1F;
	v55 =	vshra.s32 v49, $0x1F;
	v4 =	vshrl.u32 v50, $0x1D  }
0xd9: {  	v58 =	vshra.s32 v51, $0x1F;
	v53 =	vshrl.u32 v52, $0x1D;
	v0 =	vadd.s32 v4, v46  }
0xda: {  	v57 =	vshrl.u32 v55, $0x1D;
	v1 =	vadd.s32 v53, v47;
	v0 =	vshra.s32 v0, $0x3  }
0xdb: {  	v60 =	vshrl.u32 v58, $0x1D;
	v59 =	vadd.s32 v57, v49;
	v1 =	vshra.s32 v1, $0x3;
	[tilespmem:$0x16900] =	vst v0  }
0xdc: {  	v4 =	vshrl.u32 v54, $0x1D;
	v62 =	vadd.s32 v60, v51;
	v61 =	vshra.s32 v59, $0x3;
	[tilespmem:$0x16910] =	vst v1  }
0xdd: {  	v56 =	vadd.s32 v4, v48;
	v63 =	vshra.s32 v62, $0x3;
	[tilespmem:$0x16930] =	vst v61  }
0xde: {  	v0 =	vshra.s32 v56, $0x3;
	[tilespmem:$0x16940] =	vst v63  }
0xdf: {  	[tilespmem:$0x16920] =	vst v0  }
0xe0: {  	[spmem:s3] =	stream.indirect.scatter.add.f32 [tilespmem:s2], [sflag:$0x5], $0x80, s30, s17, $0xb8;
	[tilespmem:$0x1E180] =	vst v63  }
0xe1: {  	_ =	swait.ge [sflag:s29], $0x2800  }
0xe2: {  	[sflag:s29] =	ssyncset.done $0x0  }
0xe3: {  	[sflag:s29] =	ssyncadd.s32 $0xFFFFD800  }
0xe4: {  	[spmem:s4] =	stream.indirect.scatter.add.f32 [tilespmem:s15], [sflag:$0x5], $0x80, s18, s17, $0xb8;
	[tilespmem:$0x1E180] =	vst v63  }
0xe5: {  	_ =	swait.ge [sflag:s29], $0x2800  }
0xe6: {  	[sflag:s29] =	ssyncset.done $0x0  }
0xe7: {  	[sflag:s29] =	ssyncadd.s32 $0xFFFFD800  }
0xe8: {  	[bflag:$0x0] =	sbarrier.arrive $0xFFFF  }
0xe9: {  	s25 =	rddreg [dreg:$0xe]  }
0xea: {  	[hbm:s25], [sflag:s9] =	dma.local [spmem:s13], $0x2800  }
0xeb: {  	_ =	swait.ge [sflag:s29], $0x2800  }
0xec: {  	[sflag:s29] =	ssyncset.done $0x0  }
0xed: {  	s28 =	rddreg [dreg:$0xa];
	[sflag:s29] =	ssyncadd.s32 $0xFFFFD800  }
0xee: {  	[spmem:s13], [sflag:s9] =	dma.local [hbm:s28], $0x2800  }
0xef: {  	_ =	swait.ge [sflag:s29], $0x2800  }
0xf0: {  	[sflag:s29] =	ssyncset.done $0x0  }
0xf1: {  	[sflag:s29] =	ssyncadd.s32 $0xFFFFD800  }
0xf2: {  	[bflag:$0x0] =	sbarrier.arrive $0xFFFF  }
0xf3: {  	s26 =	rddreg [dreg:$0xb]  }
0xf4: {  	[tilespmem:s30], [sflag:$0x1] =	stream.linear.gather [hbm4b:s26+s11], $0x50, $0x38;
	[tilespmem:$0x1E180] =	vst v63  }
0xf5: {  	s22 =	rddreg [dreg:$0x10]  }
0xf6: {  	[tilespmem:s2], [sflag:$0x3] =	stream.strided.gather [hbm4b:s22+s31], $0x2800, s0, s31, $0x38;
	[tilespmem:$0x1E180] =	vst v63  }
0xf7: {  	s23 =	sadd.s32 $0x0, s12  }
0xf8: {  	[tilespmem:s7], [sflag:$0x2] =	stream.linear.gather [hbm4b:s23+s5], $0x50, $0x38;
	[tilespmem:$0x1E180] =	vst v63  }
0xf9: {  	s23 =	rddreg [dreg:$0x17]  }
0xfa: {  	[tilespmem:s8], [sflag:$0x4] =	stream.strided.gather [hbm4b:s23+s31], $0x2800, s0, s31, $0x38;
	[tilespmem:$0x1E180] =	vst v63  }
0xfb: {  	_ =	swait.ge [sflag:s10], $0x50  }
0xfc: {  	[sflag:s10] =	ssyncset.done $0x0  }
0xfd: {  	[sflag:s10] =	ssyncadd.s32 $0xFFFFFFB0  }
0xfe: {  	_ =	swait.ge [sflag:s14], $0x2800  }
0xff: {  	[sflag:s14] =	ssyncset.done $0x0  }
0x100: {  	[sflag:s14] =	ssyncadd.s32 $0xFFFFD800  }
0x101: {  	[spmem:s3] =	stream.indirect.scatter.add.f32 [tilespmem:s2], [sflag:$0x5], $0x80, s30, s17, $0xb8;
	[tilespmem:$0x1E180] =	vst v63  }
0x102: {  	_ =	swait.ge [sflag:s29], $0x2800  }
0x103: {  	[sflag:s29] =	ssyncset.done $0x0;
	s24 =	rddreg [dreg:$0x1a]  }
0x104: {  	s25 =	rddreg [dreg:$0x1c];
	[sflag:s29] =	ssyncadd.s32 $0xFFFFD800  }
0x105: {  	[tilespmem:s30], [sflag:$0x1] =	stream.linear.gather [hbm4b:s24+s5], $0x50, $0x38;
	[tilespmem:$0x1E180] =	vst v63  }
0x106: {  	s11 =	sadd.s32 s25, s16  }
0x107: {  	[tilespmem:s2], [sflag:$0x3] =	stream.strided.gather [hbm4b:s11+s31], $0x2800, s0, s31, $0x38;
	[tilespmem:$0x1E180] =	vst v63  }
0x108: {  	_ =	swait.ge [sflag:s19], $0x50  }
0x109: {  	[sflag:s19] =	ssyncset.done $0x0  }
0x10a: {  	[sflag:s19] =	ssyncadd.s32 $0xFFFFFFB0  }
0x10b: {  	_ =	swait.ge [sflag:s20], $0x2800  }
0x10c: {  	[sflag:s20] =	ssyncset.done $0x0  }
0x10d: {  	[sflag:s20] =	ssyncadd.s32 $0xFFFFD800  }
0x10e: {  	[spmem:s3] =	stream.indirect.scatter.add.f32 [tilespmem:s8], [sflag:$0x5], $0x80, s7, s17, $0xb8;
	[tilespmem:$0x1E180] =	vst v63  }
0x10f: {  	_ =	swait.ge [sflag:s29], $0x2800  }
0x110: {  	s22 =	simm.s32 $0x14;
	s23 =	sadd.s32 $0x1E00, s23;
	s26 =	rddreg [dreg:$0x15]  }
0x111: {  	s24 =	simm.s32 $0x28;
	[sflag:s29] =	ssyncset.done $0x0;
	s11 =	sadd.s32 $0xA0, s26  }
.LBB2_4:
0x112: {  	s25 =	sadd.s32 s22, s12  }
0x113: {  	[sflag:s29] =	ssyncadd.s32 $0xFFFFD800;
	s22 =	smov.u32 s24;
	s26 =	sadd.s32 $0x14, s24  }
0x114: {  	[tilespmem:s7], [sflag:$0x2] =	stream.linear.gather [hbm4b:s25+s5], $0x50, $0x38;
	[tilespmem:$0x1E180] =	vst v63  }
0x115: {  	p0 =	sne.s32 s24, $0x4C4  }
0x116: {  	[tilespmem:s8], [sflag:$0x4] =	stream.strided.gather [hbm4b:s23+s31], $0x2800, s0, s31, $0x38;
	[tilespmem:$0x1E180] =	vst v63  }
0x117: {  	_ =	swait.ge [sflag:s10], $0x50  }
0x118: {  	[sflag:s10] =	ssyncset.done $0x0  }
0x119: {  	[sflag:s10] =	ssyncadd.s32 $0xFFFFFFB0  }
0x11a: {  	_ =	swait.ge [sflag:s14], $0x2800  }
0x11b: {  	[sflag:s14] =	ssyncset.done $0x0  }
0x11c: {  	[sflag:s14] =	ssyncadd.s32 $0xFFFFD800  }
0x11d: {  	[spmem:s3] =	stream.indirect.scatter.add.f32 [tilespmem:s2], [sflag:$0x5], $0x80, s30, s17, $0xb8;
	[tilespmem:$0x1E180] =	vst v63  }
0x11e: {  	_ =	swait.ge [sflag:s29], $0x2800  }
0x11f: {  	s24 =	sshrl.u32 s11, $0x3;
	[sflag:s29] =	ssyncset.done $0x0  }
0x120: {  	s25 =	sadd.s32 s1, s24;
	s24 =	smul.u32 $0x180, s24;
	[sflag:s29] =	ssyncadd.s32 $0xFFFFD800  }
0x121: {  	[tilespmem:s30], [sflag:$0x1] =	stream.linear.gather [hbm4b:s25+s5], $0x50, $0x38;
	[tilespmem:$0x1E180] =	vst v63  }
0x122: {  	s24 =	sadd.s32 s24, s16  }
0x123: {  	[tilespmem:s2], [sflag:$0x3] =	stream.strided.gather [hbm4b:s24+s31], $0x2800, s0, s31, $0x38;
	[tilespmem:$0x1E180] =	vst v63  }
0x124: {  	_ =	swait.ge [sflag:s19], $0x50  }
0x125: {  	[sflag:s19] =	ssyncset.done $0x0  }
0x126: {  	[sflag:s19] =	ssyncadd.s32 $0xFFFFFFB0  }
0x127: {  	_ =	swait.ge [sflag:s20], $0x2800  }
.Ltmp1:
0x128: {  	[sflag:s20] =	ssyncset.done $0x0;
	(pc) =	sbr.rel @p0 .LBB2_4-.Ltmp1, $4  }
0x129: {  	[sflag:s20] =	ssyncadd.s32 $0xFFFFD800  }
0x12a: {  	[spmem:s3] =	stream.indirect.scatter.add.f32 [tilespmem:s8], [sflag:$0x5], $0x80, s7, s17, $0xb8;
	[tilespmem:$0x1E180] =	vst v63  }
0x12b: {  	s11 =	sadd.s32 $0xA0, s11;
	_ =	swait.ge [sflag:s29], $0x2800  }
0x12c: {  	s23 =	sadd.s32 $0x1E00, s23;
	s24 =	smov.u32 s26;
	[sflag:s29] =	ssyncset.done $0x0  }
0x12d: {  	s22 =	sadd.s32 s22, s12;
	[sflag:s29] =	ssyncadd.s32 $0xFFFFD800  }
0x12e: {  	[tilespmem:s7], [sflag:$0x2] =	stream.linear.gather [hbm4b:s22+s5], $0x50, $0x38;
	[tilespmem:$0x1E180] =	vst v63  }
0x12f: {  	_ = 	snop  }
0x130: {  	[tilespmem:s8], [sflag:$0x4] =	stream.strided.gather [hbm4b:s23+s31], $0x2800, s0, s31, $0x38;
	[tilespmem:$0x1E180] =	vst v63  }
0x131: {  	_ =	swait.ge [sflag:s10], $0x50  }
0x132: {  	[sflag:s10] =	ssyncset.done $0x0  }
0x133: {  	[sflag:s10] =	ssyncadd.s32 $0xFFFFFFB0  }
0x134: {  	_ =	swait.ge [sflag:s14], $0x2800  }
0x135: {  	[sflag:s14] =	ssyncset.done $0x0  }
0x136: {  	[sflag:s14] =	ssyncadd.s32 $0xFFFFD800  }
0x137: {  	[spmem:s3] =	stream.indirect.scatter.add.f32 [tilespmem:s2], [sflag:$0x5], $0x80, s30, s17, $0xb8;
	[tilespmem:$0x1E180] =	vst v63  }
0x138: {  	_ =	swait.ge [sflag:s29], $0x2800  }
0x139: {  	s11 =	sshrl.u32 s11, $0x3;
	[sflag:s29] =	ssyncset.done $0x0  }
0x13a: {  	s23 =	sadd.s32 s1, s11;
	s11 =	smul.u32 $0x180, s11;
	[sflag:s29] =	ssyncadd.s32 $0xFFFFD800  }
0x13b: {  	[tilespmem:s30], [sflag:$0x1] =	stream.linear.gather [hbm4b:s23+s5], $0x50, $0x38;
	[tilespmem:$0x1E180] =	vst v63  }
0x13c: {  	s11 =	sadd.s32 s11, s16  }
0x13d: {  	[tilespmem:s2], [sflag:$0x3] =	stream.strided.gather [hbm4b:s11+s31], $0x2800, s0, s31, $0x38;
	[tilespmem:$0x1E180] =	vst v63  }
0x13e: {  	_ =	swait.ge [sflag:s19], $0x50  }
0x13f: {  	[sflag:s19] =	ssyncset.done $0x0  }
0x140: {  	[sflag:s19] =	ssyncadd.s32 $0xFFFFFFB0  }
0x141: {  	_ =	swait.ge [sflag:s20], $0x2800  }
0x142: {  	[sflag:s20] =	ssyncset.done $0x0  }
0x143: {  	[sflag:s20] =	ssyncadd.s32 $0xFFFFD800  }
0x144: {  	[spmem:s3] =	stream.indirect.scatter.add.f32 [tilespmem:s8], [sflag:$0x5], $0x80, s7, s17, $0xb8;
	[tilespmem:$0x1E180] =	vst v63  }
0x145: {  	_ =	swait.ge [sflag:s29], $0x2800  }
0x146: {  	[sflag:s29] =	ssyncset.done $0x0  }
0x147: {  	[sflag:s29] =	ssyncadd.s32 $0xFFFFD800  }
0x148: {  	_ =	swait.ge [sflag:s10], $0x50  }
0x149: {  	[sflag:s10] =	ssyncset.done $0x0  }
0x14a: {  	[sflag:s10] =	ssyncadd.s32 $0xFFFFFFB0  }
0x14b: {  	_ =	swait.ge [sflag:s14], $0x2800  }
0x14c: {  	[sflag:s14] =	ssyncset.done $0x0  }
0x14d: {  	[sflag:s14] =	ssyncadd.s32 $0xFFFFD800  }
0x14e: {  	[spmem:s3] =	stream.indirect.scatter.add.f32 [tilespmem:s2], [sflag:$0x5], $0x80, s30, s17, $0xb8;
	[tilespmem:$0x1E180] =	vst v63  }
0x14f: {  	_ =	swait.ge [sflag:s29], $0x2800  }
0x150: {  	[sflag:s29] =	ssyncset.done $0x0  }
0x151: {  	[sflag:s29] =	ssyncadd.s32 $0xFFFFD800  }
0x152: {  	[bflag:$0x0] =	sbarrier.arrive $0xFFFF  }
0x153: {  	s24 =	rddreg [dreg:$0x11]  }
0x154: {  	[hbm:s24], [sflag:s9] =	dma.local [spmem:s13], $0x2800  }
0x155: {  	_ =	swait.ge [sflag:s29], $0x2800  }
0x156: {  	[sflag:s29] =	ssyncset.done $0x0  }
0x157: {  	[sflag:s29] =	ssyncadd.s32 $0xFFFFD800  }
0x158: {  	[spmem:s13], [sflag:s9] =	dma.local [hbm:s28], $0x2800  }
0x159: {  	_ =	swait.ge [sflag:s29], $0x2800  }
0x15a: {  	[sflag:s29] =	ssyncset.done $0x0  }
0x15b: {  	[sflag:s29] =	ssyncadd.s32 $0xFFFFD800  }
0x15c: {  	[bflag:$0x0] =	sbarrier.arrive $0xFFFF  }
0x15d: {  	s25 =	simm.s32 $0x0;
	s26 =	rddreg [dreg:$0xb]  }
0x15e: {  	[tilespmem:s30], [sflag:$0x1] =	stream.linear.gather [hbm4b:s26+s25], $0x50, $0x38;
	[tilespmem:$0x1E180] =	vst v63  }
0x15f: {  	s22 =	rddreg [dreg:$0x12]  }
0x160: {  	[tilespmem:s2], [sflag:$0x3] =	stream.strided.gather [hbm4b:s22+s31], $0x2800, s0, s31, $0x38;
	[tilespmem:$0x1E180] =	vst v63  }
0x161: {  	s23 =	sadd.s32 $0x0, s12  }
0x162: {  	[tilespmem:s7], [sflag:$0x2] =	stream.linear.gather [hbm4b:s23+s5], $0x50, $0x38;
	[tilespmem:$0x1E180] =	vst v63  }
0x163: {  	s22 =	rddreg [dreg:$0x18]  }
0x164: {  	[tilespmem:s8], [sflag:$0x4] =	stream.strided.gather [hbm4b:s22+s31], $0x2800, s0, s31, $0x38;
	[tilespmem:$0x1E180] =	vst v63  }
0x165: {  	_ =	swait.ge [sflag:s10], $0x50  }
0x166: {  	[sflag:s10] =	ssyncset.done $0x0  }
0x167: {  	[sflag:s10] =	ssyncadd.s32 $0xFFFFFFB0  }
0x168: {  	_ =	swait.ge [sflag:s14], $0x2800  }
0x169: {  	[sflag:s14] =	ssyncset.done $0x0;
	s24 =	rddreg [dreg:$0x1b]  }
0x16a: {  	[sflag:s14] =	ssyncadd.s32 $0xFFFFD800;
	s11 =	smul.u32 $0xC00, s24  }
0x16b: {  	[spmem:s3] =	stream.indirect.scatter.add.f32 [tilespmem:s2], [sflag:$0x5], $0x80, s30, s17, $0xb8;
	[tilespmem:$0x1E180] =	vst v63  }
0x16c: {  	_ =	swait.ge [sflag:s29], $0x2800  }
0x16d: {  	s11 =	sshrl.u32 s11, $0x3;
	[sflag:s29] =	ssyncset.done $0x0  }
0x16e: {  	s11 =	sadd.s32 s6, s11;
	s25 =	rddreg [dreg:$0x1a];
	[sflag:s29] =	ssyncadd.s32 $0xFFFFD800  }
0x16f: {  	[tilespmem:s30], [sflag:$0x1] =	stream.linear.gather [hbm4b:s25+s5], $0x50, $0x38;
	[tilespmem:$0x1E180] =	vst v63  }
0x170: {  	s11 =	sadd.s32 $0x100, s11  }
0x171: {  	[tilespmem:s2], [sflag:$0x3] =	stream.strided.gather [hbm4b:s11+s31], $0x2800, s0, s31, $0x38;
	[tilespmem:$0x1E180] =	vst v63  }
0x172: {  	_ =	swait.ge [sflag:s19], $0x50  }
0x173: {  	[sflag:s19] =	ssyncset.done $0x0  }
0x174: {  	[sflag:s19] =	ssyncadd.s32 $0xFFFFFFB0  }
0x175: {  	_ =	swait.ge [sflag:s20], $0x2800  }
0x176: {  	[sflag:s20] =	ssyncset.done $0x0  }
0x177: {  	[sflag:s20] =	ssyncadd.s32 $0xFFFFD800  }
0x178: {  	[spmem:s3] =	stream.indirect.scatter.add.f32 [tilespmem:s8], [sflag:$0x5], $0x80, s7, s17, $0xb8;
	[tilespmem:$0x1E180] =	vst v63  }
0x179: {  	_ =	swait.ge [sflag:s29], $0x2800  }
0x17a: {  	s23 =	simm.s32 $0x14;
	s26 =	rddreg [dreg:$0x15]  }
0x17b: {  	s22 =	sadd.s32 $0x1E00, s22;
	s24 =	simm.s32 $0x28;
	s11 =	sadd.s32 $0xA0, s26  }
.LBB2_6:
0x17c: {  	s25 =	sadd.s32 s23, s12  }
0x17d: {  	[sflag:s29] =	ssyncset.done $0x0;
	s23 =	smov.u32 s24;
	s26 =	sadd.s32 $0x14, s24  }
0x17e: {  	p0 =	sne.s32 s24, $0x4C4;
	[sflag:s29] =	ssyncadd.s32 $0xFFFFD800  }
0x17f: {  	[tilespmem:s7], [sflag:$0x2] =	stream.linear.gather [hbm4b:s25+s5], $0x50, $0x38;
	[tilespmem:$0x1E180] =	vst v63  }
0x180: {  	_ = 	snop  }
0x181: {  	[tilespmem:s8], [sflag:$0x4] =	stream.strided.gather [hbm4b:s22+s31], $0x2800, s0, s31, $0x38;
	[tilespmem:$0x1E180] =	vst v63  }
0x182: {  	_ =	swait.ge [sflag:s10], $0x50  }
0x183: {  	[sflag:s10] =	ssyncset.done $0x0  }
0x184: {  	[sflag:s10] =	ssyncadd.s32 $0xFFFFFFB0  }
0x185: {  	_ =	swait.ge [sflag:s14], $0x2800  }
0x186: {  	s24 =	sshrl.u32 s11, $0x3;
	[sflag:s14] =	ssyncset.done $0x0  }
0x187: {  	s25 =	smul.u32 $0xC00, s24;
	[sflag:s14] =	ssyncadd.s32 $0xFFFFD800  }
0x188: {  	[spmem:s3] =	stream.indirect.scatter.add.f32 [tilespmem:s2], [sflag:$0x5], $0x80, s30, s17, $0xb8;
	[tilespmem:$0x1E180] =	vst v63  }
0x189: {  	_ =	swait.ge [sflag:s29], $0x2800  }
0x18a: {  	s24 =	sadd.s32 s1, s24;
	s25 =	sshrl.u32 s25, $0x3;
	[sflag:s29] =	ssyncset.done $0x0  }
0x18b: {  	s25 =	sadd.s32 s6, s25;
	[sflag:s29] =	ssyncadd.s32 $0xFFFFD800  }
0x18c: {  	[tilespmem:s30], [sflag:$0x1] =	stream.linear.gather [hbm4b:s24+s5], $0x50, $0x38;
	[tilespmem:$0x1E180] =	vst v63  }
0x18d: {  	s24 =	sadd.s32 $0x100, s25  }
0x18e: {  	[tilespmem:s2], [sflag:$0x3] =	stream.strided.gather [hbm4b:s24+s31], $0x2800, s0, s31, $0x38;
	[tilespmem:$0x1E180] =	vst v63  }
0x18f: {  	_ =	swait.ge [sflag:s19], $0x50  }
0x190: {  	[sflag:s19] =	ssyncset.done $0x0  }
0x191: {  	[sflag:s19] =	ssyncadd.s32 $0xFFFFFFB0  }
.Ltmp2:
0x192: {  	_ =	swait.ge [sflag:s20], $0x2800;
	(pc) =	sbr.rel @p0 .LBB2_6-.Ltmp2, $4  }
0x193: {  	[sflag:s20] =	ssyncset.done $0x0  }
0x194: {  	s11 =	sadd.s32 $0xA0, s11;
	[sflag:s20] =	ssyncadd.s32 $0xFFFFD800  }
0x195: {  	[spmem:s3] =	stream.indirect.scatter.add.f32 [tilespmem:s8], [sflag:$0x5], $0x80, s7, s17, $0xb8;
	[tilespmem:$0x1E180] =	vst v63  }
0x196: {  	s22 =	sadd.s32 $0x1E00, s22;
	s24 =	smov.u32 s26;
	_ =	swait.ge [sflag:s29], $0x2800  }
0x197: {  	[sflag:s29] =	ssyncset.done $0x0  }
0x198: {  	s23 =	sadd.s32 s23, s12;
	[sflag:s29] =	ssyncadd.s32 $0xFFFFD800  }
0x199: {  	[tilespmem:s7], [sflag:$0x2] =	stream.linear.gather [hbm4b:s23+s5], $0x50, $0x38;
	[tilespmem:$0x1E180] =	vst v63  }
0x19a: {  	_ = 	snop  }
0x19b: {  	[tilespmem:s8], [sflag:$0x4] =	stream.strided.gather [hbm4b:s22+s31], $0x2800, s0, s31, $0x38;
	[tilespmem:$0x1E180] =	vst v63  }
0x19c: {  	_ =	swait.ge [sflag:s10], $0x50  }
0x19d: {  	[sflag:s10] =	ssyncset.done $0x0  }
0x19e: {  	[sflag:s10] =	ssyncadd.s32 $0xFFFFFFB0  }
0x19f: {  	_ =	swait.ge [sflag:s14], $0x2800  }
0x1a0: {  	[sflag:s14] =	ssyncset.done $0x0  }
0x1a1: {  	s11 =	sshrl.u32 s11, $0x3;
	[sflag:s14] =	ssyncadd.s32 $0xFFFFD800  }
0x1a2: {  	[spmem:s3] =	stream.indirect.scatter.add.f32 [tilespmem:s2], [sflag:$0x5], $0x80, s30, s17, $0xb8;
	[tilespmem:$0x1E180] =	vst v63  }
0x1a3: {  	s26 =	smul.u32 $0xC00, s11;
	_ =	swait.ge [sflag:s29], $0x2800  }
0x1a4: {  	[sflag:s29] =	ssyncset.done $0x0  }
0x1a5: {  	s11 =	sadd.s32 s1, s11;
	s22 =	sshrl.u32 s26, $0x3;
	[sflag:s29] =	ssyncadd.s32 $0xFFFFD800  }
0x1a6: {  	[tilespmem:s30], [sflag:$0x1] =	stream.linear.gather [hbm4b:s11+s5], $0x50, $0x38;
	[tilespmem:$0x1E180] =	vst v63  }
0x1a7: {  	s11 =	sadd.s32 s6, s22  }
0x1a8: {  	s11 =	sadd.s32 $0x100, s11  }
0x1a9: {  	[tilespmem:s2], [sflag:$0x3] =	stream.strided.gather [hbm4b:s11+s31], $0x2800, s0, s31, $0x38;
	[tilespmem:$0x1E180] =	vst v63  }
0x1aa: {  	_ =	swait.ge [sflag:s19], $0x50  }
0x1ab: {  	[sflag:s19] =	ssyncset.done $0x0  }
0x1ac: {  	[sflag:s19] =	ssyncadd.s32 $0xFFFFFFB0  }
0x1ad: {  	_ =	swait.ge [sflag:s20], $0x2800  }
0x1ae: {  	[sflag:s20] =	ssyncset.done $0x0  }
0x1af: {  	[sflag:s20] =	ssyncadd.s32 $0xFFFFD800  }
0x1b0: {  	[spmem:s3] =	stream.indirect.scatter.add.f32 [tilespmem:s8], [sflag:$0x5], $0x80, s7, s17, $0xb8;
	[tilespmem:$0x1E180] =	vst v63  }
0x1b1: {  	_ =	swait.ge [sflag:s29], $0x2800  }
0x1b2: {  	[sflag:s29] =	ssyncset.done $0x0  }
0x1b3: {  	[sflag:s29] =	ssyncadd.s32 $0xFFFFD800  }
0x1b4: {  	_ =	swait.ge [sflag:s10], $0x50  }
0x1b5: {  	[sflag:s10] =	ssyncset.done $0x0  }
0x1b6: {  	[sflag:s10] =	ssyncadd.s32 $0xFFFFFFB0  }
0x1b7: {  	_ =	swait.ge [sflag:s14], $0x2800  }
0x1b8: {  	[sflag:s14] =	ssyncset.done $0x0  }
0x1b9: {  	[sflag:s14] =	ssyncadd.s32 $0xFFFFD800  }
0x1ba: {  	[spmem:s3] =	stream.indirect.scatter.add.f32 [tilespmem:s2], [sflag:$0x5], $0x80, s30, s17, $0xb8;
	[tilespmem:$0x1E180] =	vst v63  }
0x1bb: {  	_ =	swait.ge [sflag:s29], $0x2800  }
0x1bc: {  	[sflag:s29] =	ssyncset.done $0x0  }
0x1bd: {  	[sflag:s29] =	ssyncadd.s32 $0xFFFFD800  }
0x1be: {  	[bflag:$0x0] =	sbarrier.arrive $0xFFFF  }
0x1bf: {  	s23 =	rddreg [dreg:$0x13]  }
0x1c0: {  	[hbm:s23], [sflag:s9] =	dma.local [spmem:s13], $0x2800  }
0x1c1: {  	_ =	swait.ge [sflag:s29], $0x2800  }
0x1c2: {  	[sflag:s29] =	ssyncset.done $0x0;
	s24 =	rddreg [dreg:$0xf]  }
0x1c3: {  	s25 =	rddreg [dreg:$0x19];
	[sflag:s29] =	ssyncadd.s32 $0xFFFFD800  }
0x1c4: {  	[hbm:s24], [sflag:s9] =	dma.local [spmem:s25], $0x500  }
0x1c5: {  	_ =	swait.ge [sflag:s29], $0x500  }
0x1c6: {  	s21 =	sadd.s32 $0x1, s21;
	s26 =	rddreg [dreg:$0x14]  }
0x1c7: {  	p0 =	sne.s32 s21, s26  }
.Ltmp3:
0x1c8: {  	_ = 	snop;
	(pc) =	sbr.rel @p0 .LBB2_1-.Ltmp3, $3  }
0x1c9: {  	_ =	sdelay $0x1  }
0x1ca: {  	[sflag:s29] =	ssyncset.done $0x0  }
0x1cb: {  	[sflag:s29] =	ssyncadd.s32 $0xFFFFFB00  }
0x1cc: {  	_ =	sfence.sel $0x180000  }
0x1cd: {  	[bflag:$0x0] =	sbarrier.arrive $0xFFFF  }
0x1ce: {  	_ =	strace $0x9000004A  }
0x1cf: {  	s0 =	stileid.u32;
	[bflag:$0x2] =	sbarrier.arrive $0xFFFF  }
0x1d0: {  	p0 =	sne.s32 s0, $0x0;
	s0 =	rddreg [dreg:$0x5]  }
0x1d1: {  	s0 =	sadd.s32 @!p0 $0x100000, s0  }
0x1d2: {  	[sflag:s0] =	ssyncadd.tile.s32 @!p0 $0x1;
	_ =	shalt  }
.Lfunc_end2:
_tile_overlayer_lowered:
.L_overlay_start_2:
0x1d3: {  	(tag) =	ssettag $0x2  }
0x1d4: {  	s0 =	rddreg [dreg:$0x0];
	s2 =	stileid.u32  }
0x1d5: {  	s1 =	rddreg [dreg:$0x1];
	p0 =	sne.s32 s2, $0x0  }
0x1d6: {  	s3 =	rddreg [dreg:$0x2];
	[bflag:$0x3] =	sbarrier.arrive $0xFFFF;
	s2 =	simm.s32 @!p0 $0x1C05  }
0x1d7: {  	[timem:s3], [sflag:s2] =	dma.local @!p0 [hbm:s0], s1  }
0x1d8: {  	s0 =	simm.s32 @!p0 $0x5  }
0x1d9: {  	_ =	swait.ge @!p0 [sflag:s0], s1  }
0x1da: {  	s1 =	ssub.s32 @!p0 $0x0, s1;
	[sflag:s0] =	ssyncset.done @!p0 $0x0  }
0x1db: {  	[sflag:s0] =	ssyncadd.s32 @!p0 s1  }
0x1dc: {  	[bflag:$0x3] =	sbarrier.arrive $0xFFFF  }
0x1dd: {  	_ =	shalt  }

</sc_bundles>
